<compile_context>
chip_gen: v7x
topology: tpu7x:2x2x1
jax: 0.10.2.dev20260603
libtpu: 0.0.44.dev20260713+nightly
codegen_flags: <defaults>
</compile_context>

<pallas_src>
import functools

import jax
import jax.numpy as jnp
from jax import lax
from jax.experimental import pallas as pl
from jax.experimental.pallas import tpu as pltpu
from jax.experimental.pallas import tpu_sc as plsc

D = 32
NC = 2
NS = 16
NW = NC * NS
B = 16384
H = 200
BT = B // 128
BT_PER_W = BT // NW
HG = H // 8
NSLOT = HG * BT_PER_W


def _make_lookup():
    mesh = plsc.VectorSubcoreMesh(core_axis_name="c", subcore_axis_name="s")

    @functools.partial(
        pl.kernel,
        out_type=jax.ShapeDtypeStruct((H, D // 8, BT, 8, 128), jnp.float32),
        mesh=mesh,
        scratch_types=[
            pltpu.VMEM((2, BT_PER_W, 8, 128), jnp.int32),
            pltpu.VMEM((2048, D), jnp.float32),
            pltpu.VMEM((8, D // 8, 8, 128), jnp.float32),
            pltpu.SemaphoreType.DMA,
            pltpu.SemaphoreType.DMA,
            pltpu.SemaphoreType.DMA,
        ],
        compiler_params=pltpu.CompilerParams(
            use_tc_tiling_on_sc=False, needs_layout_passes=False
        ),
    )
    def lookup(idx_hbm, table_hbm, out_hbm, idx_v, gv, tv, gsem, osem, isem):
        wid = lax.axis_index("s") * NC + lax.axis_index("c")
        bt0 = wid * BT_PER_W
        iota = jnp.arange(16, dtype=jnp.int32)

        def fire_slab(g, q):
            pltpu.async_copy(
                idx_hbm.at[g, pl.ds(bt0, BT_PER_W)], idx_v.at[q], isem
            )

        def drain_slab():
            pltpu.make_async_copy(
                idx_hbm.at[0, pl.ds(0, BT_PER_W)], idx_v.at[0], isem
            ).wait()

        def fire_gathers(s):
            g = s >> 2
            btl = s & 3
            q = g & 1
            p = s & 1
            for i in range(8):
                pltpu.async_copy(
                    table_hbm.at[idx_v.at[q, btl, i]],
                    gv.at[pl.ds(p * 1024 + i * 128, 128)],
                    gsem,
                )

        def drain_gathers():
            for i in range(8):
                pltpu.make_async_copy(
                    table_hbm.at[pl.ds(0, 128)],
                    gv.at[pl.ds(i * 128, 128)],
                    gsem,
                ).wait()

        def drain_stores():
            for b in range(8):
                pltpu.make_async_copy(
                    tv.at[b], out_hbm.at[0, :, 0], osem
                ).wait()

        def process(s):
            g = s >> 2
            btl = s & 3
            p = s & 1
            base0 = p * 1024

            zero16 = jnp.zeros((16,), dtype=jnp.int32)

            @plsc.parallel_loop(0, 8, unroll=2)
            def tblk(blk):
                base = base0 + blk * 128
                blkv = zero16 + blk
                rows = [iota + (base + j16 * 16) for j16 in range(8)]
                jvs = [iota + j16 * 16 for j16 in range(8)]

                @plsc.parallel_loop(0, 16)
                def kbody(k):
                    dvec = (iota + k) & 15
                    for dh in range(2):
                        col = dvec + dh * 16
                        dtv = (dvec >> 3) + dh * 2
                        div = dvec & 7
                        vs = [
                            plsc.load_gather(gv, [rows[j16], col])
                            for j16 in range(8)
                        ]
                        for j16 in range(8):
                            plsc.store_scatter(
                                tv, [blkv, dtv, div, jvs[j16]], vs[j16]
                            )

            for b in range(8):
                pltpu.async_copy(
                    tv.at[b], out_hbm.at[8 * g + b, :, bt0 + btl], osem
                )

        pltpu.sync_copy(idx_hbm.at[0, pl.ds(bt0, BT_PER_W)], idx_v.at[0])
        fire_gathers(0)
        fire_slab(1, 1)

        def body(gi, carry):
            s = gi + 1

            @pl.when((s & 3) == 0)
            def _():
                drain_slab()

            fire_gathers(s)
            drain_gathers()

            @pl.when(((s & 3) == 0) & (s <= 4 * (HG - 1) - 4))
            def _():
                fire_slab((s >> 2) + 1, ((s >> 2) + 1) & 1)

            @pl.when(gi > 0)
            def _():
                drain_stores()

            process(gi)
            return carry

        lax.fori_loop(0, NSLOT - 1, body, 0)
        drain_stores()
        drain_gathers()
        process(NSLOT - 1)
        drain_stores()

    return lookup


_LOOKUP = _make_lookup()


def kernel(inputs, embeddings):
    idx_p = inputs.T.reshape(HG, 8, BT, 128).transpose(0, 2, 1, 3)
    out_p = _LOOKUP(idx_p, embeddings)
    x = out_p.transpose(0, 1, 3, 2, 4).reshape(H, D, B)
    return x.transpose(2, 0, 1)

# --- scband reference (transcript-rebuilt; emitter-appended) ---
"""Pipeline reference for scband-embed-12902081757544 (READ-ONLY COPY).

The authoritative reference and input builder live on the scoring server;
editing this copy changes nothing except your own understanding.
"""

import jax, jax.numpy as jnp
import numpy as np

VOCAB_SIZE = 100000
EMBED_DIM = 32
BATCH = 16384
HIST_LEN = 200

def setup_inputs(seed: int = 0) -> dict:
    key = jax.random.key(seed)
    k_idx, k_emb = jax.random.split(key)
    inputs = jax.random.randint(k_idx, (BATCH, HIST_LEN), 0, VOCAB_SIZE, dtype=jnp.int64 if jax.config.jax_enable_x64 else jnp.int32)
    # Embed uses a uniform(-1, 1) initializer by default for the dense embedding table
    embeddings = jax.random.uniform(k_emb, (VOCAB_SIZE, EMBED_DIM), dtype=jnp.float32, minval=-1.0, maxval=1.0)
    return {"inputs": inputs, "embeddings": embeddings}

def reference(inputs, embeddings):
    # tf.nn.embedding_lookup(self.embeddings, inputs) -> gather along axis 0
    # dropout=0.0 so self.dropout is None; no dropout applied
    embedded = jnp.take(embeddings, inputs, axis=0)
    return embedded

if __name__ == "__main__":
    import jax
    _d = setup_inputs()
    print(jax.jit(kernel)(*tuple(_d.values())))

</pallas_src>

<mosaic_0001>
#map = affine_map<(d0, d1) -> (0, 0, 0, 0)>
#map1 = affine_map<(d0, d1) -> (0, 0)>
#map2 = affine_map<(d0, d1) -> (0, 0, 0, 0, 0)>
module attributes {stable_mosaic.version = 14 : i64} {
  func.func @lookup(%arg0: i32, %arg1: i32, %arg2: memref<25x128x8x128xi32, #tpu.memory_space<hbm>>, %arg3: memref<100000x32xf32, #tpu.memory_space<hbm>>, %arg4: memref<200x4x128x8x128xf32, #tpu.memory_space<hbm>>, %arg5: memref<2x4x8x128xi32, #tpu.memory_space<vmem>>, %arg6: memref<2048x32xf32, #tpu.memory_space<vmem>>, %arg7: memref<8x4x8x128xf32, #tpu.memory_space<vmem>>, %arg8: memref<!tpu.dma_semaphore, #tpu.memory_space<semaphore_mem>>, %arg9: memref<!tpu.dma_semaphore, #tpu.memory_space<semaphore_mem>>, %arg10: memref<!tpu.dma_semaphore, #tpu.memory_space<semaphore_mem>>) attributes {dimension_semantics = [#tpu.dimension_semantics<core_parallel>, #tpu.dimension_semantics<subcore_parallel>], iteration_bounds = array<i64: 2, 16>, scalar_prefetch = 0 : i64, scratch_operands = 6 : i64, tpu.core_type = #tpu.core_type<sc_vector_subcore>, window_params = [{transform_indices = #map}, {transform_indices = #map1}, {transform_indices = #map2}]} {
    %mul3A = arith.constant 2 : i32
    %mul3A_0 = arith.muli %arg1, %mul3A : i32
    %add3A = arith.addi %mul3A_0, %arg0 : i32
    %mul3A_1 = arith.constant 4 : i32
    %mul3A_2 = arith.muli %add3A, %mul3A_1 : i32
    %iota3A = tpu.iota {dimensions = array<i32: 0>} : vector<16xi32>
    %run_scoped3A = arith.constant 0 : i32
    %run_scoped3A_3 = arith.constant 0 : i32
    "tpu.region"() ({
      %run_scoped3A_782 = tpu.sem_alloc : memref<!tpu.dma_semaphore, #tpu.memory_space<semaphore_mem>>
      %dma_start3A_783 = arith.constant 0 : i32
      %dma_start3A_784 = arith.constant 0 : i32
      %dma_start3A_785 = arith.constant 0 : i32
      %dma_start3A_786 = tpu.memref_slice %arg5[%run_scoped3A_3, %dma_start3A_783, %dma_start3A_784, %dma_start3A_785] : memref<2x4x8x128xi32, #tpu.memory_space<vmem>> -> memref<1x4x8x128xi32, #tpu.memory_space<vmem>>
      %dma_start3A_787 = tpu.memref_squeeze %dma_start3A_786 : memref<1x4x8x128xi32, #tpu.memory_space<vmem>> -> memref<4x8x128xi32, #tpu.memory_space<vmem>>
      %dma_start3A_788 = arith.constant 0 : i32
      %dma_start3A_789 = arith.constant 0 : i32
      %dma_start3A_790 = tpu.memref_slice %arg2[%run_scoped3A, %mul3A_2, %dma_start3A_788, %dma_start3A_789] : memref<25x128x8x128xi32, #tpu.memory_space<hbm>> -> memref<1x4x8x128xi32, #tpu.memory_space<hbm>>
      %dma_start3A_791 = tpu.memref_squeeze %dma_start3A_790 : memref<1x4x8x128xi32, #tpu.memory_space<hbm>> -> memref<4x8x128xi32, #tpu.memory_space<hbm>>
      %dma_start3A_792 = arith.constant 0 : i32
      %dma_start3A_793 = arith.constant 0 : i32
      %dma_start3A_794 = arith.constant 0 : i32
      %dma_start3A_795 = tpu.memref_slice %arg5[%run_scoped3A_3, %dma_start3A_792, %dma_start3A_793, %dma_start3A_794] : memref<2x4x8x128xi32, #tpu.memory_space<vmem>> -> memref<1x4x8x128xi32, #tpu.memory_space<vmem>>
      %dma_start3A_796 = tpu.memref_squeeze %dma_start3A_795 : memref<1x4x8x128xi32, #tpu.memory_space<vmem>> -> memref<4x8x128xi32, #tpu.memory_space<vmem>>
      %dma_start3A_797 = arith.constant 0 : i32
      %dma_start3A_798 = arith.constant 0 : i32
      %dma_start3A_799 = tpu.memref_slice %arg2[%run_scoped3A, %mul3A_2, %dma_start3A_797, %dma_start3A_798] : memref<25x128x8x128xi32, #tpu.memory_space<hbm>> -> memref<1x4x8x128xi32, #tpu.memory_space<hbm>>
      %dma_start3A_800 = tpu.memref_squeeze %dma_start3A_799 : memref<1x4x8x128xi32, #tpu.memory_space<hbm>> -> memref<4x8x128xi32, #tpu.memory_space<hbm>>
      tpu.enqueue_dma source(%dma_start3A_800 : memref<4x8x128xi32, #tpu.memory_space<hbm>>) target(%dma_start3A_796 : memref<4x8x128xi32, #tpu.memory_space<vmem>>) target_semaphore(%run_scoped3A_782 : memref<!tpu.dma_semaphore, #tpu.memory_space<semaphore_mem>>)
      %dma_wait3A_801 = arith.constant 0 : i32
      %dma_wait3A_802 = arith.constant 0 : i32
      %dma_wait3A_803 = arith.constant 0 : i32
      %dma_wait3A_804 = tpu.memref_slice %arg5[%run_scoped3A_3, %dma_wait3A_801, %dma_wait3A_802, %dma_wait3A_803] : memref<2x4x8x128xi32, #tpu.memory_space<vmem>> -> memref<1x4x8x128xi32, #tpu.memory_space<vmem>>
      %dma_wait3A_805 = tpu.memref_squeeze %dma_wait3A_804 : memref<1x4x8x128xi32, #tpu.memory_space<vmem>> -> memref<4x8x128xi32, #tpu.memory_space<vmem>>
      %dma_wait3A_806 = arith.constant 0 : i32
      %dma_wait3A_807 = arith.constant 0 : i32
      %dma_wait3A_808 = tpu.memref_slice %arg2[%run_scoped3A, %mul3A_2, %dma_wait3A_806, %dma_wait3A_807] : memref<25x128x8x128xi32, #tpu.memory_space<hbm>> -> memref<1x4x8x128xi32, #tpu.memory_space<hbm>>
      %dma_wait3A_809 = tpu.memref_squeeze %dma_wait3A_808 : memref<1x4x8x128xi32, #tpu.memory_space<hbm>> -> memref<4x8x128xi32, #tpu.memory_space<hbm>>
      %dma_wait3A_810 = arith.constant 0 : i32
      %dma_wait3A_811 = arith.constant 0 : i32
      %dma_wait3A_812 = arith.constant 0 : i32
      %dma_wait3A_813 = tpu.memref_slice %arg5[%run_scoped3A_3, %dma_wait3A_810, %dma_wait3A_811, %dma_wait3A_812] : memref<2x4x8x128xi32, #tpu.memory_space<vmem>> -> memref<1x4x8x128xi32, #tpu.memory_space<vmem>>
      %dma_wait3A_814 = tpu.memref_squeeze %dma_wait3A_813 : memref<1x4x8x128xi32, #tpu.memory_space<vmem>> -> memref<4x8x128xi32, #tpu.memory_space<vmem>>
      %dma_wait3A_815 = arith.constant 0 : i32
      %dma_wait3A_816 = arith.constant 0 : i32
      %dma_wait3A_817 = tpu.memref_slice %arg2[%run_scoped3A, %mul3A_2, %dma_wait3A_815, %dma_wait3A_816] : memref<25x128x8x128xi32, #tpu.memory_space<hbm>> -> memref<1x4x8x128xi32, #tpu.memory_space<hbm>>
      %dma_wait3A_818 = tpu.memref_squeeze %dma_wait3A_817 : memref<1x4x8x128xi32, #tpu.memory_space<hbm>> -> memref<4x8x128xi32, #tpu.memory_space<hbm>>
      tpu.wait_dma2 semaphore(%run_scoped3A_782 : memref<!tpu.dma_semaphore, #tpu.memory_space<semaphore_mem>>) src(%dma_wait3A_818 : memref<4x8x128xi32, #tpu.memory_space<hbm>>) dst(%dma_wait3A_814 : memref<4x8x128xi32, #tpu.memory_space<vmem>>)
      tpu.yield
    }) : () -> ()
    %dma_start3A = arith.constant 0 : i32
    %dma_start3A_4 = arith.constant 0 : i32
    %dma_start3A_5 = arith.constant 0 : i32
    %dma_start3A_6 = arith.constant 0 : i32
    %dma_start3A_7 = arith.constant 0 : i32
    %dma_start3A_8 = tpu.memref_slice %arg6[%dma_start3A_6, %dma_start3A_7] : memref<2048x32xf32, #tpu.memory_space<vmem>> -> memref<128x32xf32, #tpu.memory_space<vmem>>
    %dma_start3A_9 = arith.constant 0 : i32
    %dma_start3A_10 = tpu.memref_slice %arg5[%dma_start3A, %dma_start3A_4, %dma_start3A_5, %dma_start3A_9] : memref<2x4x8x128xi32, #tpu.memory_space<vmem>> -> memref<1x1x1x128xi32, #tpu.memory_space<vmem>>
    %dma_start3A_11 = tpu.memref_squeeze %dma_start3A_10 : memref<1x1x1x128xi32, #tpu.memory_space<vmem>> -> memref<128xi32, #tpu.memory_space<vmem>>
    %dma_start3A_12 = arith.constant 0 : i32
    %dma_start3A_13 = arith.constant 0 : i32
    %dma_start3A_14 = tpu.memref_slice %arg3[%dma_start3A_12, %dma_start3A_13] : memref<100000x32xf32, #tpu.memory_space<hbm>> -> memref<100000x32xf32, #tpu.memory_space<hbm>>
    tpu.enqueue_indirect_dma source(%dma_start3A_14 : memref<100000x32xf32, #tpu.memory_space<hbm>>) target(%dma_start3A_8 : memref<128x32xf32, #tpu.memory_space<vmem>>) offsets(%dma_start3A_11 : memref<128xi32, #tpu.memory_space<vmem>>) semaphore(%arg8 : memref<!tpu.dma_semaphore, #tpu.memory_space<semaphore_mem>>)
    %dma_start3A_15 = arith.constant 0 : i32
    %dma_start3A_16 = arith.constant 0 : i32
    %dma_start3A_17 = arith.constant 1 : i32
    %dma_start3A_18 = arith.constant 128 : i32
    %dma_start3A_19 = arith.constant 0 : i32
    %dma_start3A_20 = tpu.memref_slice %arg6[%dma_start3A_18, %dma_start3A_19] : memref<2048x32xf32, #tpu.memory_space<vmem>> -> memref<128x32xf32, #tpu.memory_space<vmem>>
    %dma_start3A_21 = arith.constant 0 : i32
    %dma_start3A_22 = tpu.memref_slice %arg5[%dma_start3A_15, %dma_start3A_16, %dma_start3A_17, %dma_start3A_21] : memref<2x4x8x128xi32, #tpu.memory_space<vmem>> -> memref<1x1x1x128xi32, #tpu.memory_space<vmem>>
    %dma_start3A_23 = tpu.memref_squeeze %dma_start3A_22 : memref<1x1x1x128xi32, #tpu.memory_space<vmem>> -> memref<128xi32, #tpu.memory_space<vmem>>
    %dma_start3A_24 = arith.constant 0 : i32
    %dma_start3A_25 = arith.constant 0 : i32
    %dma_start3A_26 = tpu.memref_slice %arg3[%dma_start3A_24, %dma_start3A_25] : memref<100000x32xf32, #tpu.memory_space<hbm>> -> memref<100000x32xf32, #tpu.memory_space<hbm>>
    tpu.enqueue_indirect_dma source(%dma_start3A_26 : memref<100000x32xf32, #tpu.memory_space<hbm>>) target(%dma_start3A_20 : memref<128x32xf32, #tpu.memory_space<vmem>>) offsets(%dma_start3A_23 : memref<128xi32, #tpu.memory_space<vmem>>) semaphore(%arg8 : memref<!tpu.dma_semaphore, #tpu.memory_space<semaphore_mem>>)
    %dma_start3A_27 = arith.constant 0 : i32
    %dma_start3A_28 = arith.constant 0 : i32
    %dma_start3A_29 = arith.constant 2 : i32
    %dma_start3A_30 = arith.constant 256 : i32
    %dma_start3A_31 = arith.constant 0 : i32
    %dma_start3A_32 = tpu.memref_slice %arg6[%dma_start3A_30, %dma_start3A_31] : memref<2048x32xf32, #tpu.memory_space<vmem>> -> memref<128x32xf32, #tpu.memory_space<vmem>>
    %dma_start3A_33 = arith.constant 0 : i32
    %dma_start3A_34 = tpu.memref_slice %arg5[%dma_start3A_27, %dma_start3A_28, %dma_start3A_29, %dma_start3A_33] : memref<2x4x8x128xi32, #tpu.memory_space<vmem>> -> memref<1x1x1x128xi32, #tpu.memory_space<vmem>>
    %dma_start3A_35 = tpu.memref_squeeze %dma_start3A_34 : memref<1x1x1x128xi32, #tpu.memory_space<vmem>> -> memref<128xi32, #tpu.memory_space<vmem>>
    %dma_start3A_36 = arith.constant 0 : i32
    %dma_start3A_37 = arith.constant 0 : i32
    %dma_start3A_38 = tpu.memref_slice %arg3[%dma_start3A_36, %dma_start3A_37] : memref<100000x32xf32, #tpu.memory_space<hbm>> -> memref<100000x32xf32, #tpu.memory_space<hbm>>
    tpu.enqueue_indirect_dma source(%dma_start3A_38 : memref<100000x32xf32, #tpu.memory_space<hbm>>) target(%dma_start3A_32 : memref<128x32xf32, #tpu.memory_space<vmem>>) offsets(%dma_start3A_35 : memref<128xi32, #tpu.memory_space<vmem>>) semaphore(%arg8 : memref<!tpu.dma_semaphore, #tpu.memory_space<semaphore_mem>>)
    %dma_start3A_39 = arith.constant 0 : i32
    %dma_start3A_40 = arith.constant 0 : i32
    %dma_start3A_41 = arith.constant 3 : i32
    %dma_start3A_42 = arith.constant 384 : i32
    %dma_start3A_43 = arith.constant 0 : i32
    %dma_start3A_44 = tpu.memref_slice %arg6[%dma_start3A_42, %dma_start3A_43] : memref<2048x32xf32, #tpu.memory_space<vmem>> -> memref<128x32xf32, #tpu.memory_space<vmem>>
    %dma_start3A_45 = arith.constant 0 : i32
    %dma_start3A_46 = tpu.memref_slice %arg5[%dma_start3A_39, %dma_start3A_40, %dma_start3A_41, %dma_start3A_45] : memref<2x4x8x128xi32, #tpu.memory_space<vmem>> -> memref<1x1x1x128xi32, #tpu.memory_space<vmem>>
    %dma_start3A_47 = tpu.memref_squeeze %dma_start3A_46 : memref<1x1x1x128xi32, #tpu.memory_space<vmem>> -> memref<128xi32, #tpu.memory_space<vmem>>
    %dma_start3A_48 = arith.constant 0 : i32
    %dma_start3A_49 = arith.constant 0 : i32
    %dma_start3A_50 = tpu.memref_slice %arg3[%dma_start3A_48, %dma_start3A_49] : memref<100000x32xf32, #tpu.memory_space<hbm>> -> memref<100000x32xf32, #tpu.memory_space<hbm>>
    tpu.enqueue_indirect_dma source(%dma_start3A_50 : memref<100000x32xf32, #tpu.memory_space<hbm>>) target(%dma_start3A_44 : memref<128x32xf32, #tpu.memory_space<vmem>>) offsets(%dma_start3A_47 : memref<128xi32, #tpu.memory_space<vmem>>) semaphore(%arg8 : memref<!tpu.dma_semaphore, #tpu.memory_space<semaphore_mem>>)
    %dma_start3A_51 = arith.constant 0 : i32
    %dma_start3A_52 = arith.constant 0 : i32
    %dma_start3A_53 = arith.constant 4 : i32
    %dma_start3A_54 = arith.constant 512 : i32
    %dma_start3A_55 = arith.constant 0 : i32
    %dma_start3A_56 = tpu.memref_slice %arg6[%dma_start3A_54, %dma_start3A_55] : memref<2048x32xf32, #tpu.memory_space<vmem>> -> memref<128x32xf32, #tpu.memory_space<vmem>>
    %dma_start3A_57 = arith.constant 0 : i32
    %dma_start3A_58 = tpu.memref_slice %arg5[%dma_start3A_51, %dma_start3A_52, %dma_start3A_53, %dma_start3A_57] : memref<2x4x8x128xi32, #tpu.memory_space<vmem>> -> memref<1x1x1x128xi32, #tpu.memory_space<vmem>>
    %dma_start3A_59 = tpu.memref_squeeze %dma_start3A_58 : memref<1x1x1x128xi32, #tpu.memory_space<vmem>> -> memref<128xi32, #tpu.memory_space<vmem>>
    %dma_start3A_60 = arith.constant 0 : i32
    %dma_start3A_61 = arith.constant 0 : i32
    %dma_start3A_62 = tpu.memref_slice %arg3[%dma_start3A_60, %dma_start3A_61] : memref<100000x32xf32, #tpu.memory_space<hbm>> -> memref<100000x32xf32, #tpu.memory_space<hbm>>
    tpu.enqueue_indirect_dma source(%dma_start3A_62 : memref<100000x32xf32, #tpu.memory_space<hbm>>) target(%dma_start3A_56 : memref<128x32xf32, #tpu.memory_space<vmem>>) offsets(%dma_start3A_59 : memref<128xi32, #tpu.memory_space<vmem>>) semaphore(%arg8 : memref<!tpu.dma_semaphore, #tpu.memory_space<semaphore_mem>>)
    %dma_start3A_63 = arith.constant 0 : i32
    %dma_start3A_64 = arith.constant 0 : i32
    %dma_start3A_65 = arith.constant 5 : i32
    %dma_start3A_66 = arith.constant 640 : i32
    %dma_start3A_67 = arith.constant 0 : i32
    %dma_start3A_68 = tpu.memref_slice %arg6[%dma_start3A_66, %dma_start3A_67] : memref<2048x32xf32, #tpu.memory_space<vmem>> -> memref<128x32xf32, #tpu.memory_space<vmem>>
    %dma_start3A_69 = arith.constant 0 : i32
    %dma_start3A_70 = tpu.memref_slice %arg5[%dma_start3A_63, %dma_start3A_64, %dma_start3A_65, %dma_start3A_69] : memref<2x4x8x128xi32, #tpu.memory_space<vmem>> -> memref<1x1x1x128xi32, #tpu.memory_space<vmem>>
    %dma_start3A_71 = tpu.memref_squeeze %dma_start3A_70 : memref<1x1x1x128xi32, #tpu.memory_space<vmem>> -> memref<128xi32, #tpu.memory_space<vmem>>
    %dma_start3A_72 = arith.constant 0 : i32
    %dma_start3A_73 = arith.constant 0 : i32
    %dma_start3A_74 = tpu.memref_slice %arg3[%dma_start3A_72, %dma_start3A_73] : memref<100000x32xf32, #tpu.memory_space<hbm>> -> memref<100000x32xf32, #tpu.memory_space<hbm>>
    tpu.enqueue_indirect_dma source(%dma_start3A_74 : memref<100000x32xf32, #tpu.memory_space<hbm>>) target(%dma_start3A_68 : memref<128x32xf32, #tpu.memory_space<vmem>>) offsets(%dma_start3A_71 : memref<128xi32, #tpu.memory_space<vmem>>) semaphore(%arg8 : memref<!tpu.dma_semaphore, #tpu.memory_space<semaphore_mem>>)
    %dma_start3A_75 = arith.constant 0 : i32
    %dma_start3A_76 = arith.constant 0 : i32
    %dma_start3A_77 = arith.constant 6 : i32
    %dma_start3A_78 = arith.constant 768 : i32
    %dma_start3A_79 = arith.constant 0 : i32
    %dma_start3A_80 = tpu.memref_slice %arg6[%dma_start3A_78, %dma_start3A_79] : memref<2048x32xf32, #tpu.memory_space<vmem>> -> memref<128x32xf32, #tpu.memory_space<vmem>>
    %dma_start3A_81 = arith.constant 0 : i32
    %dma_start3A_82 = tpu.memref_slice %arg5[%dma_start3A_75, %dma_start3A_76, %dma_start3A_77, %dma_start3A_81] : memref<2x4x8x128xi32, #tpu.memory_space<vmem>> -> memref<1x1x1x128xi32, #tpu.memory_space<vmem>>
    %dma_start3A_83 = tpu.memref_squeeze %dma_start3A_82 : memref<1x1x1x128xi32, #tpu.memory_space<vmem>> -> memref<128xi32, #tpu.memory_space<vmem>>
    %dma_start3A_84 = arith.constant 0 : i32
    %dma_start3A_85 = arith.constant 0 : i32
    %dma_start3A_86 = tpu.memref_slice %arg3[%dma_start3A_84, %dma_start3A_85] : memref<100000x32xf32, #tpu.memory_space<hbm>> -> memref<100000x32xf32, #tpu.memory_space<hbm>>
    tpu.enqueue_indirect_dma source(%dma_start3A_86 : memref<100000x32xf32, #tpu.memory_space<hbm>>) target(%dma_start3A_80 : memref<128x32xf32, #tpu.memory_space<vmem>>) offsets(%dma_start3A_83 : memref<128xi32, #tpu.memory_space<vmem>>) semaphore(%arg8 : memref<!tpu.dma_semaphore, #tpu.memory_space<semaphore_mem>>)
    %dma_start3A_87 = arith.constant 0 : i32
    %dma_start3A_88 = arith.constant 0 : i32
    %dma_start3A_89 = arith.constant 7 : i32
    %dma_start3A_90 = arith.constant 896 : i32
    %dma_start3A_91 = arith.constant 0 : i32
    %dma_start3A_92 = tpu.memref_slice %arg6[%dma_start3A_90, %dma_start3A_91] : memref<2048x32xf32, #tpu.memory_space<vmem>> -> memref<128x32xf32, #tpu.memory_space<vmem>>
    %dma_start3A_93 = arith.constant 0 : i32
    %dma_start3A_94 = tpu.memref_slice %arg5[%dma_start3A_87, %dma_start3A_88, %dma_start3A_89, %dma_start3A_93] : memref<2x4x8x128xi32, #tpu.memory_space<vmem>> -> memref<1x1x1x128xi32, #tpu.memory_space<vmem>>
    %dma_start3A_95 = tpu.memref_squeeze %dma_start3A_94 : memref<1x1x1x128xi32, #tpu.memory_space<vmem>> -> memref<128xi32, #tpu.memory_space<vmem>>
    %dma_start3A_96 = arith.constant 0 : i32
    %dma_start3A_97 = arith.constant 0 : i32
    %dma_start3A_98 = tpu.memref_slice %arg3[%dma_start3A_96, %dma_start3A_97] : memref<100000x32xf32, #tpu.memory_space<hbm>> -> memref<100000x32xf32, #tpu.memory_space<hbm>>
    tpu.enqueue_indirect_dma source(%dma_start3A_98 : memref<100000x32xf32, #tpu.memory_space<hbm>>) target(%dma_start3A_92 : memref<128x32xf32, #tpu.memory_space<vmem>>) offsets(%dma_start3A_95 : memref<128xi32, #tpu.memory_space<vmem>>) semaphore(%arg8 : memref<!tpu.dma_semaphore, #tpu.memory_space<semaphore_mem>>)
    %dma_start3A_99 = arith.constant 1 : i32
    %dma_start3A_100 = arith.constant 1 : i32
    %dma_start3A_101 = arith.constant 0 : i32
    %dma_start3A_102 = arith.constant 0 : i32
    %dma_start3A_103 = arith.constant 0 : i32
    %dma_start3A_104 = tpu.memref_slice %arg5[%dma_start3A_100, %dma_start3A_101, %dma_start3A_102, %dma_start3A_103] : memref<2x4x8x128xi32, #tpu.memory_space<vmem>> -> memref<1x4x8x128xi32, #tpu.memory_space<vmem>>
    %dma_start3A_105 = tpu.memref_squeeze %dma_start3A_104 : memref<1x4x8x128xi32, #tpu.memory_space<vmem>> -> memref<4x8x128xi32, #tpu.memory_space<vmem>>
    %dma_start3A_106 = arith.constant 0 : i32
    %dma_start3A_107 = arith.constant 0 : i32
    %dma_start3A_108 = tpu.memref_slice %arg2[%dma_start3A_99, %mul3A_2, %dma_start3A_106, %dma_start3A_107] : memref<25x128x8x128xi32, #tpu.memory_space<hbm>> -> memref<1x4x8x128xi32, #tpu.memory_space<hbm>>
    %dma_start3A_109 = tpu.memref_squeeze %dma_start3A_108 : memref<1x4x8x128xi32, #tpu.memory_space<hbm>> -> memref<4x8x128xi32, #tpu.memory_space<hbm>>
    %dma_start3A_110 = arith.constant 0 : i32
    %dma_start3A_111 = arith.constant 0 : i32
    %dma_start3A_112 = arith.constant 0 : i32
    %dma_start3A_113 = tpu.memref_slice %arg5[%dma_start3A_100, %dma_start3A_110, %dma_start3A_111, %dma_start3A_112] : memref<2x4x8x128xi32, #tpu.memory_space<vmem>> -> memref<1x4x8x128xi32, #tpu.memory_space<vmem>>
    %dma_start3A_114 = tpu.memref_squeeze %dma_start3A_113 : memref<1x4x8x128xi32, #tpu.memory_space<vmem>> -> memref<4x8x128xi32, #tpu.memory_space<vmem>>
    %dma_start3A_115 = arith.constant 0 : i32
    %dma_start3A_116 = arith.constant 0 : i32
    %dma_start3A_117 = tpu.memref_slice %arg2[%dma_start3A_99, %mul3A_2, %dma_start3A_115, %dma_start3A_116] : memref<25x128x8x128xi32, #tpu.memory_space<hbm>> -> memref<1x4x8x128xi32, #tpu.memory_space<hbm>>
    %dma_start3A_118 = tpu.memref_squeeze %dma_start3A_117 : memref<1x4x8x128xi32, #tpu.memory_space<hbm>> -> memref<4x8x128xi32, #tpu.memory_space<hbm>>
    tpu.enqueue_dma source(%dma_start3A_118 : memref<4x8x128xi32, #tpu.memory_space<hbm>>) target(%dma_start3A_114 : memref<4x8x128xi32, #tpu.memory_space<vmem>>) target_semaphore(%arg10 : memref<!tpu.dma_semaphore, #tpu.memory_space<semaphore_mem>>)
    %scan3A = arith.constant 0 : i32
    %scan3A_119 = arith.constant 0 : i32
    %scan3A_120 = arith.constant 99 : i32
    %scan3A_121 = arith.addi %scan3A_119, %scan3A_120 : i32
    %scan3A_122 = arith.constant 1 : i32
    scf.for %scan3A_782 = %scan3A_119 to %scan3A_121 step %scan3A_122  : i32 {
      %add3A_783 = arith.constant 1 : i32
      %add3A_784 = arith.addi %scan3A_782, %add3A_783 : i32
      %and3A = arith.constant 3 : i32
      %and3A_785 = arith.andi %add3A_784, %and3A : i32
      %eq3A = arith.constant 0 : i32
      %eq3A_786 = arith.cmpi eq, %and3A_785, %eq3A : i32
      %convert_element_type3A = arith.extui %eq3A_786 : i1 to i32
      %cond3A = arith.constant 0 : i32
      %cond3A_787 = arith.cmpi ne, %convert_element_type3A, %cond3A : i32
      scf.if %cond3A_787 {
        %dma_wait3A_1229 = arith.constant 0 : i32
        %dma_wait3A_1230 = arith.constant 0 : i32
        %dma_wait3A_1231 = arith.constant 0 : i32
        %dma_wait3A_1232 = arith.constant 0 : i32
        %dma_wait3A_1233 = arith.constant 0 : i32
        %dma_wait3A_1234 = tpu.memref_slice %arg5[%dma_wait3A_1230, %dma_wait3A_1231, %dma_wait3A_1232, %dma_wait3A_1233] : memref<2x4x8x128xi32, #tpu.memory_space<vmem>> -> memref<1x4x8x128xi32, #tpu.memory_space<vmem>>
        %dma_wait3A_1235 = tpu.memref_squeeze %dma_wait3A_1234 : memref<1x4x8x128xi32, #tpu.memory_space<vmem>> -> memref<4x8x128xi32, #tpu.memory_space<vmem>>
        %dma_wait3A_1236 = arith.constant 0 : i32
        %dma_wait3A_1237 = arith.constant 0 : i32
        %dma_wait3A_1238 = arith.constant 0 : i32
        %dma_wait3A_1239 = tpu.memref_slice %arg2[%dma_wait3A_1229, %dma_wait3A_1236, %dma_wait3A_1237, %dma_wait3A_1238] : memref<25x128x8x128xi32, #tpu.memory_space<hbm>> -> memref<1x4x8x128xi32, #tpu.memory_space<hbm>>
        %dma_wait3A_1240 = tpu.memref_squeeze %dma_wait3A_1239 : memref<1x4x8x128xi32, #tpu.memory_space<hbm>> -> memref<4x8x128xi32, #tpu.memory_space<hbm>>
        %dma_wait3A_1241 = arith.constant 0 : i32
        %dma_wait3A_1242 = arith.constant 0 : i32
        %dma_wait3A_1243 = arith.constant 0 : i32
        %dma_wait3A_1244 = tpu.memref_slice %arg5[%dma_wait3A_1230, %dma_wait3A_1241, %dma_wait3A_1242, %dma_wait3A_1243] : memref<2x4x8x128xi32, #tpu.memory_space<vmem>> -> memref<1x4x8x128xi32, #tpu.memory_space<vmem>>
        %dma_wait3A_1245 = tpu.memref_squeeze %dma_wait3A_1244 : memref<1x4x8x128xi32, #tpu.memory_space<vmem>> -> memref<4x8x128xi32, #tpu.memory_space<vmem>>
        %dma_wait3A_1246 = arith.constant 0 : i32
        %dma_wait3A_1247 = arith.constant 0 : i32
        %dma_wait3A_1248 = arith.constant 0 : i32
        %dma_wait3A_1249 = tpu.memref_slice %arg2[%dma_wait3A_1229, %dma_wait3A_1246, %dma_wait3A_1247, %dma_wait3A_1248] : memref<25x128x8x128xi32, #tpu.memory_space<hbm>> -> memref<1x4x8x128xi32, #tpu.memory_space<hbm>>
        %dma_wait3A_1250 = tpu.memref_squeeze %dma_wait3A_1249 : memref<1x4x8x128xi32, #tpu.memory_space<hbm>> -> memref<4x8x128xi32, #tpu.memory_space<hbm>>
        tpu.wait_dma2 semaphore(%arg10 : memref<!tpu.dma_semaphore, #tpu.memory_space<semaphore_mem>>) src(%dma_wait3A_1250 : memref<4x8x128xi32, #tpu.memory_space<hbm>>) dst(%dma_wait3A_1245 : memref<4x8x128xi32, #tpu.memory_space<vmem>>)
      } else {
      }
      %shift_right_arithmetic3A = arith.constant 2 : i32
      %shift_right_arithmetic3A_788 = arith.shrsi %add3A_784, %shift_right_arithmetic3A : i32
      %and3A_789 = arith.constant 3 : i32
      %and3A_790 = arith.andi %add3A_784, %and3A_789 : i32
      %and3A_791 = arith.constant 1 : i32
      %and3A_792 = arith.andi %shift_right_arithmetic3A_788, %and3A_791 : i32
      %and3A_793 = arith.constant 1 : i32
      %and3A_794 = arith.andi %add3A_784, %and3A_793 : i32
      %mul3A_795 = arith.constant 1024 : i32
      %mul3A_796 = arith.muli %and3A_794, %mul3A_795 : i32
      %add3A_797 = arith.constant 0 : i32
      %add3A_798 = arith.addi %mul3A_796, %add3A_797 : i32
      %dma_start3A_799 = arith.constant 0 : i32
      %dma_start3A_800 = arith.constant 0 : i32
      %dma_start3A_801 = tpu.memref_slice %arg6[%add3A_798, %dma_start3A_800] : memref<2048x32xf32, #tpu.memory_space<vmem>> -> memref<128x32xf32, #tpu.memory_space<vmem>>
      %dma_start3A_802 = arith.constant 0 : i32
      %dma_start3A_803 = tpu.memref_slice %arg5[%and3A_792, %and3A_790, %dma_start3A_799, %dma_start3A_802] : memref<2x4x8x128xi32, #tpu.memory_space<vmem>> -> memref<1x1x1x128xi32, #tpu.memory_space<vmem>>
      %dma_start3A_804 = tpu.memref_squeeze %dma_start3A_803 : memref<1x1x1x128xi32, #tpu.memory_space<vmem>> -> memref<128xi32, #tpu.memory_space<vmem>>
      %dma_start3A_805 = arith.constant 0 : i32
      %dma_start3A_806 = arith.constant 0 : i32
      %dma_start3A_807 = tpu.memref_slice %arg3[%dma_start3A_805, %dma_start3A_806] : memref<100000x32xf32, #tpu.memory_space<hbm>> -> memref<100000x32xf32, #tpu.memory_space<hbm>>
      tpu.enqueue_indirect_dma source(%dma_start3A_807 : memref<100000x32xf32, #tpu.memory_space<hbm>>) target(%dma_start3A_801 : memref<128x32xf32, #tpu.memory_space<vmem>>) offsets(%dma_start3A_804 : memref<128xi32, #tpu.memory_space<vmem>>) semaphore(%arg8 : memref<!tpu.dma_semaphore, #tpu.memory_space<semaphore_mem>>)
      %mul3A_808 = arith.constant 1024 : i32
      %mul3A_809 = arith.muli %and3A_794, %mul3A_808 : i32
      %add3A_810 = arith.constant 128 : i32
      %add3A_811 = arith.addi %mul3A_809, %add3A_810 : i32
      %dma_start3A_812 = arith.constant 1 : i32
      %dma_start3A_813 = arith.constant 0 : i32
      %dma_start3A_814 = tpu.memref_slice %arg6[%add3A_811, %dma_start3A_813] : memref<2048x32xf32, #tpu.memory_space<vmem>> -> memref<128x32xf32, #tpu.memory_space<vmem>>
      %dma_start3A_815 = arith.constant 0 : i32
      %dma_start3A_816 = tpu.memref_slice %arg5[%and3A_792, %and3A_790, %dma_start3A_812, %dma_start3A_815] : memref<2x4x8x128xi32, #tpu.memory_space<vmem>> -> memref<1x1x1x128xi32, #tpu.memory_space<vmem>>
      %dma_start3A_817 = tpu.memref_squeeze %dma_start3A_816 : memref<1x1x1x128xi32, #tpu.memory_space<vmem>> -> memref<128xi32, #tpu.memory_space<vmem>>
      %dma_start3A_818 = arith.constant 0 : i32
      %dma_start3A_819 = arith.constant 0 : i32
      %dma_start3A_820 = tpu.memref_slice %arg3[%dma_start3A_818, %dma_start3A_819] : memref<100000x32xf32, #tpu.memory_space<hbm>> -> memref<100000x32xf32, #tpu.memory_space<hbm>>
      tpu.enqueue_indirect_dma source(%dma_start3A_820 : memref<100000x32xf32, #tpu.memory_space<hbm>>) target(%dma_start3A_814 : memref<128x32xf32, #tpu.memory_space<vmem>>) offsets(%dma_start3A_817 : memref<128xi32, #tpu.memory_space<vmem>>) semaphore(%arg8 : memref<!tpu.dma_semaphore, #tpu.memory_space<semaphore_mem>>)
      %mul3A_821 = arith.constant 1024 : i32
      %mul3A_822 = arith.muli %and3A_794, %mul3A_821 : i32
      %add3A_823 = arith.constant 256 : i32
      %add3A_824 = arith.addi %mul3A_822, %add3A_823 : i32
      %dma_start3A_825 = arith.constant 2 : i32
      %dma_start3A_826 = arith.constant 0 : i32
      %dma_start3A_827 = tpu.memref_slice %arg6[%add3A_824, %dma_start3A_826] : memref<2048x32xf32, #tpu.memory_space<vmem>> -> memref<128x32xf32, #tpu.memory_space<vmem>>
      %dma_start3A_828 = arith.constant 0 : i32
      %dma_start3A_829 = tpu.memref_slice %arg5[%and3A_792, %and3A_790, %dma_start3A_825, %dma_start3A_828] : memref<2x4x8x128xi32, #tpu.memory_space<vmem>> -> memref<1x1x1x128xi32, #tpu.memory_space<vmem>>
      %dma_start3A_830 = tpu.memref_squeeze %dma_start3A_829 : memref<1x1x1x128xi32, #tpu.memory_space<vmem>> -> memref<128xi32, #tpu.memory_space<vmem>>
      %dma_start3A_831 = arith.constant 0 : i32
      %dma_start3A_832 = arith.constant 0 : i32
      %dma_start3A_833 = tpu.memref_slice %arg3[%dma_start3A_831, %dma_start3A_832] : memref<100000x32xf32, #tpu.memory_space<hbm>> -> memref<100000x32xf32, #tpu.memory_space<hbm>>
      tpu.enqueue_indirect_dma source(%dma_start3A_833 : memref<100000x32xf32, #tpu.memory_space<hbm>>) target(%dma_start3A_827 : memref<128x32xf32, #tpu.memory_space<vmem>>) offsets(%dma_start3A_830 : memref<128xi32, #tpu.memory_space<vmem>>) semaphore(%arg8 : memref<!tpu.dma_semaphore, #tpu.memory_space<semaphore_mem>>)
      %mul3A_834 = arith.constant 1024 : i32
      %mul3A_835 = arith.muli %and3A_794, %mul3A_834 : i32
      %add3A_836 = arith.constant 384 : i32
      %add3A_837 = arith.addi %mul3A_835, %add3A_836 : i32
      %dma_start3A_838 = arith.constant 3 : i32
      %dma_start3A_839 = arith.constant 0 : i32
      %dma_start3A_840 = tpu.memref_slice %arg6[%add3A_837, %dma_start3A_839] : memref<2048x32xf32, #tpu.memory_space<vmem>> -> memref<128x32xf32, #tpu.memory_space<vmem>>
      %dma_start3A_841 = arith.constant 0 : i32
      %dma_start3A_842 = tpu.memref_slice %arg5[%and3A_792, %and3A_790, %dma_start3A_838, %dma_start3A_841] : memref<2x4x8x128xi32, #tpu.memory_space<vmem>> -> memref<1x1x1x128xi32, #tpu.memory_space<vmem>>
      %dma_start3A_843 = tpu.memref_squeeze %dma_start3A_842 : memref<1x1x1x128xi32, #tpu.memory_space<vmem>> -> memref<128xi32, #tpu.memory_space<vmem>>
      %dma_start3A_844 = arith.constant 0 : i32
      %dma_start3A_845 = arith.constant 0 : i32
      %dma_start3A_846 = tpu.memref_slice %arg3[%dma_start3A_844, %dma_start3A_845] : memref<100000x32xf32, #tpu.memory_space<hbm>> -> memref<100000x32xf32, #tpu.memory_space<hbm>>
      tpu.enqueue_indirect_dma source(%dma_start3A_846 : memref<100000x32xf32, #tpu.memory_space<hbm>>) target(%dma_start3A_840 : memref<128x32xf32, #tpu.memory_space<vmem>>) offsets(%dma_start3A_843 : memref<128xi32, #tpu.memory_space<vmem>>) semaphore(%arg8 : memref<!tpu.dma_semaphore, #tpu.memory_space<semaphore_mem>>)
      %mul3A_847 = arith.constant 1024 : i32
      %mul3A_848 = arith.muli %and3A_794, %mul3A_847 : i32
      %add3A_849 = arith.constant 512 : i32
      %add3A_850 = arith.addi %mul3A_848, %add3A_849 : i32
      %dma_start3A_851 = arith.constant 4 : i32
      %dma_start3A_852 = arith.constant 0 : i32
      %dma_start3A_853 = tpu.memref_slice %arg6[%add3A_850, %dma_start3A_852] : memref<2048x32xf32, #tpu.memory_space<vmem>> -> memref<128x32xf32, #tpu.memory_space<vmem>>
      %dma_start3A_854 = arith.constant 0 : i32
      %dma_start3A_855 = tpu.memref_slice %arg5[%and3A_792, %and3A_790, %dma_start3A_851, %dma_start3A_854] : memref<2x4x8x128xi32, #tpu.memory_space<vmem>> -> memref<1x1x1x128xi32, #tpu.memory_space<vmem>>
      %dma_start3A_856 = tpu.memref_squeeze %dma_start3A_855 : memref<1x1x1x128xi32, #tpu.memory_space<vmem>> -> memref<128xi32, #tpu.memory_space<vmem>>
      %dma_start3A_857 = arith.constant 0 : i32
      %dma_start3A_858 = arith.constant 0 : i32
      %dma_start3A_859 = tpu.memref_slice %arg3[%dma_start3A_857, %dma_start3A_858] : memref<100000x32xf32, #tpu.memory_space<hbm>> -> memref<100000x32xf32, #tpu.memory_space<hbm>>
      tpu.enqueue_indirect_dma source(%dma_start3A_859 : memref<100000x32xf32, #tpu.memory_space<hbm>>) target(%dma_start3A_853 : memref<128x32xf32, #tpu.memory_space<vmem>>) offsets(%dma_start3A_856 : memref<128xi32, #tpu.memory_space<vmem>>) semaphore(%arg8 : memref<!tpu.dma_semaphore, #tpu.memory_space<semaphore_mem>>)
      %mul3A_860 = arith.constant 1024 : i32
      %mul3A_861 = arith.muli %and3A_794, %mul3A_860 : i32
      %add3A_862 = arith.constant 640 : i32
      %add3A_863 = arith.addi %mul3A_861, %add3A_862 : i32
      %dma_start3A_864 = arith.constant 5 : i32
      %dma_start3A_865 = arith.constant 0 : i32
      %dma_start3A_866 = tpu.memref_slice %arg6[%add3A_863, %dma_start3A_865] : memref<2048x32xf32, #tpu.memory_space<vmem>> -> memref<128x32xf32, #tpu.memory_space<vmem>>
      %dma_start3A_867 = arith.constant 0 : i32
      %dma_start3A_868 = tpu.memref_slice %arg5[%and3A_792, %and3A_790, %dma_start3A_864, %dma_start3A_867] : memref<2x4x8x128xi32, #tpu.memory_space<vmem>> -> memref<1x1x1x128xi32, #tpu.memory_space<vmem>>
      %dma_start3A_869 = tpu.memref_squeeze %dma_start3A_868 : memref<1x1x1x128xi32, #tpu.memory_space<vmem>> -> memref<128xi32, #tpu.memory_space<vmem>>
      %dma_start3A_870 = arith.constant 0 : i32
      %dma_start3A_871 = arith.constant 0 : i32
      %dma_start3A_872 = tpu.memref_slice %arg3[%dma_start3A_870, %dma_start3A_871] : memref<100000x32xf32, #tpu.memory_space<hbm>> -> memref<100000x32xf32, #tpu.memory_space<hbm>>
      tpu.enqueue_indirect_dma source(%dma_start3A_872 : memref<100000x32xf32, #tpu.memory_space<hbm>>) target(%dma_start3A_866 : memref<128x32xf32, #tpu.memory_space<vmem>>) offsets(%dma_start3A_869 : memref<128xi32, #tpu.memory_space<vmem>>) semaphore(%arg8 : memref<!tpu.dma_semaphore, #tpu.memory_space<semaphore_mem>>)
      %mul3A_873 = arith.constant 1024 : i32
      %mul3A_874 = arith.muli %and3A_794, %mul3A_873 : i32
      %add3A_875 = arith.constant 768 : i32
      %add3A_876 = arith.addi %mul3A_874, %add3A_875 : i32
      %dma_start3A_877 = arith.constant 6 : i32
      %dma_start3A_878 = arith.constant 0 : i32
      %dma_start3A_879 = tpu.memref_slice %arg6[%add3A_876, %dma_start3A_878] : memref<2048x32xf32, #tpu.memory_space<vmem>> -> memref<128x32xf32, #tpu.memory_space<vmem>>
      %dma_start3A_880 = arith.constant 0 : i32
      %dma_start3A_881 = tpu.memref_slice %arg5[%and3A_792, %and3A_790, %dma_start3A_877, %dma_start3A_880] : memref<2x4x8x128xi32, #tpu.memory_space<vmem>> -> memref<1x1x1x128xi32, #tpu.memory_space<vmem>>
      %dma_start3A_882 = tpu.memref_squeeze %dma_start3A_881 : memref<1x1x1x128xi32, #tpu.memory_space<vmem>> -> memref<128xi32, #tpu.memory_space<vmem>>
      %dma_start3A_883 = arith.constant 0 : i32
      %dma_start3A_884 = arith.constant 0 : i32
      %dma_start3A_885 = tpu.memref_slice %arg3[%dma_start3A_883, %dma_start3A_884] : memref<100000x32xf32, #tpu.memory_space<hbm>> -> memref<100000x32xf32, #tpu.memory_space<hbm>>
      tpu.enqueue_indirect_dma source(%dma_start3A_885 : memref<100000x32xf32, #tpu.memory_space<hbm>>) target(%dma_start3A_879 : memref<128x32xf32, #tpu.memory_space<vmem>>) offsets(%dma_start3A_882 : memref<128xi32, #tpu.memory_space<vmem>>) semaphore(%arg8 : memref<!tpu.dma_semaphore, #tpu.memory_space<semaphore_mem>>)
      %mul3A_886 = arith.constant 1024 : i32
      %mul3A_887 = arith.muli %and3A_794, %mul3A_886 : i32
      %add3A_888 = arith.constant 896 : i32
      %add3A_889 = arith.addi %mul3A_887, %add3A_888 : i32
      %dma_start3A_890 = arith.constant 7 : i32
      %dma_start3A_891 = arith.constant 0 : i32
      %dma_start3A_892 = tpu.memref_slice %arg6[%add3A_889, %dma_start3A_891] : memref<2048x32xf32, #tpu.memory_space<vmem>> -> memref<128x32xf32, #tpu.memory_space<vmem>>
      %dma_start3A_893 = arith.constant 0 : i32
      %dma_start3A_894 = tpu.memref_slice %arg5[%and3A_792, %and3A_790, %dma_start3A_890, %dma_start3A_893] : memref<2x4x8x128xi32, #tpu.memory_space<vmem>> -> memref<1x1x1x128xi32, #tpu.memory_space<vmem>>
      %dma_start3A_895 = tpu.memref_squeeze %dma_start3A_894 : memref<1x1x1x128xi32, #tpu.memory_space<vmem>> -> memref<128xi32, #tpu.memory_space<vmem>>
      %dma_start3A_896 = arith.constant 0 : i32
      %dma_start3A_897 = arith.constant 0 : i32
      %dma_start3A_898 = tpu.memref_slice %arg3[%dma_start3A_896, %dma_start3A_897] : memref<100000x32xf32, #tpu.memory_space<hbm>> -> memref<100000x32xf32, #tpu.memory_space<hbm>>
      tpu.enqueue_indirect_dma source(%dma_start3A_898 : memref<100000x32xf32, #tpu.memory_space<hbm>>) target(%dma_start3A_892 : memref<128x32xf32, #tpu.memory_space<vmem>>) offsets(%dma_start3A_895 : memref<128xi32, #tpu.memory_space<vmem>>) semaphore(%arg8 : memref<!tpu.dma_semaphore, #tpu.memory_space<semaphore_mem>>)
      %dma_wait3A_899 = arith.constant 0 : i32
      %dma_wait3A_900 = arith.constant 0 : i32
      %dma_wait3A_901 = tpu.memref_slice %arg6[%dma_wait3A_899, %dma_wait3A_900] : memref<2048x32xf32, #tpu.memory_space<vmem>> -> memref<128x32xf32, #tpu.memory_space<vmem>>
      %dma_wait3A_902 = arith.constant 0 : i32
      %dma_wait3A_903 = arith.constant 0 : i32
      %dma_wait3A_904 = tpu.memref_slice %arg3[%dma_wait3A_902, %dma_wait3A_903] : memref<100000x32xf32, #tpu.memory_space<hbm>> -> memref<128x32xf32, #tpu.memory_space<hbm>>
      %dma_wait3A_905 = arith.constant 0 : i32
      %dma_wait3A_906 = arith.constant 0 : i32
      %dma_wait3A_907 = tpu.memref_slice %arg6[%dma_wait3A_905, %dma_wait3A_906] : memref<2048x32xf32, #tpu.memory_space<vmem>> -> memref<128x32xf32, #tpu.memory_space<vmem>>
      %dma_wait3A_908 = arith.constant 0 : i32
      %dma_wait3A_909 = arith.constant 0 : i32
      %dma_wait3A_910 = tpu.memref_slice %arg3[%dma_wait3A_908, %dma_wait3A_909] : memref<100000x32xf32, #tpu.memory_space<hbm>> -> memref<128x32xf32, #tpu.memory_space<hbm>>
      tpu.wait_dma2 semaphore(%arg8 : memref<!tpu.dma_semaphore, #tpu.memory_space<semaphore_mem>>) src(%dma_wait3A_910 : memref<128x32xf32, #tpu.memory_space<hbm>>) dst(%dma_wait3A_907 : memref<128x32xf32, #tpu.memory_space<vmem>>)
      %dma_wait3A_911 = arith.constant 128 : i32
      %dma_wait3A_912 = arith.constant 0 : i32
      %dma_wait3A_913 = tpu.memref_slice %arg6[%dma_wait3A_911, %dma_wait3A_912] : memref<2048x32xf32, #tpu.memory_space<vmem>> -> memref<128x32xf32, #tpu.memory_space<vmem>>
      %dma_wait3A_914 = arith.constant 0 : i32
      %dma_wait3A_915 = arith.constant 0 : i32
      %dma_wait3A_916 = tpu.memref_slice %arg3[%dma_wait3A_914, %dma_wait3A_915] : memref<100000x32xf32, #tpu.memory_space<hbm>> -> memref<128x32xf32, #tpu.memory_space<hbm>>
      %dma_wait3A_917 = arith.constant 128 : i32
      %dma_wait3A_918 = arith.constant 0 : i32
      %dma_wait3A_919 = tpu.memref_slice %arg6[%dma_wait3A_917, %dma_wait3A_918] : memref<2048x32xf32, #tpu.memory_space<vmem>> -> memref<128x32xf32, #tpu.memory_space<vmem>>
      %dma_wait3A_920 = arith.constant 0 : i32
      %dma_wait3A_921 = arith.constant 0 : i32
      %dma_wait3A_922 = tpu.memref_slice %arg3[%dma_wait3A_920, %dma_wait3A_921] : memref<100000x32xf32, #tpu.memory_space<hbm>> -> memref<128x32xf32, #tpu.memory_space<hbm>>
      tpu.wait_dma2 semaphore(%arg8 : memref<!tpu.dma_semaphore, #tpu.memory_space<semaphore_mem>>) src(%dma_wait3A_922 : memref<128x32xf32, #tpu.memory_space<hbm>>) dst(%dma_wait3A_919 : memref<128x32xf32, #tpu.memory_space<vmem>>)
      %dma_wait3A_923 = arith.constant 256 : i32
      %dma_wait3A_924 = arith.constant 0 : i32
      %dma_wait3A_925 = tpu.memref_slice %arg6[%dma_wait3A_923, %dma_wait3A_924] : memref<2048x32xf32, #tpu.memory_space<vmem>> -> memref<128x32xf32, #tpu.memory_space<vmem>>
      %dma_wait3A_926 = arith.constant 0 : i32
      %dma_wait3A_927 = arith.constant 0 : i32
      %dma_wait3A_928 = tpu.memref_slice %arg3[%dma_wait3A_926, %dma_wait3A_927] : memref<100000x32xf32, #tpu.memory_space<hbm>> -> memref<128x32xf32, #tpu.memory_space<hbm>>
      %dma_wait3A_929 = arith.constant 256 : i32
      %dma_wait3A_930 = arith.constant 0 : i32
      %dma_wait3A_931 = tpu.memref_slice %arg6[%dma_wait3A_929, %dma_wait3A_930] : memref<2048x32xf32, #tpu.memory_space<vmem>> -> memref<128x32xf32, #tpu.memory_space<vmem>>
      %dma_wait3A_932 = arith.constant 0 : i32
      %dma_wait3A_933 = arith.constant 0 : i32
      %dma_wait3A_934 = tpu.memref_slice %arg3[%dma_wait3A_932, %dma_wait3A_933] : memref<100000x32xf32, #tpu.memory_space<hbm>> -> memref<128x32xf32, #tpu.memory_space<hbm>>
      tpu.wait_dma2 semaphore(%arg8 : memref<!tpu.dma_semaphore, #tpu.memory_space<semaphore_mem>>) src(%dma_wait3A_934 : memref<128x32xf32, #tpu.memory_space<hbm>>) dst(%dma_wait3A_931 : memref<128x32xf32, #tpu.memory_space<vmem>>)
      %dma_wait3A_935 = arith.constant 384 : i32
      %dma_wait3A_936 = arith.constant 0 : i32
      %dma_wait3A_937 = tpu.memref_slice %arg6[%dma_wait3A_935, %dma_wait3A_936] : memref<2048x32xf32, #tpu.memory_space<vmem>> -> memref<128x32xf32, #tpu.memory_space<vmem>>
      %dma_wait3A_938 = arith.constant 0 : i32
      %dma_wait3A_939 = arith.constant 0 : i32
      %dma_wait3A_940 = tpu.memref_slice %arg3[%dma_wait3A_938, %dma_wait3A_939] : memref<100000x32xf32, #tpu.memory_space<hbm>> -> memref<128x32xf32, #tpu.memory_space<hbm>>
      %dma_wait3A_941 = arith.constant 384 : i32
      %dma_wait3A_942 = arith.constant 0 : i32
      %dma_wait3A_943 = tpu.memref_slice %arg6[%dma_wait3A_941, %dma_wait3A_942] : memref<2048x32xf32, #tpu.memory_space<vmem>> -> memref<128x32xf32, #tpu.memory_space<vmem>>
      %dma_wait3A_944 = arith.constant 0 : i32
      %dma_wait3A_945 = arith.constant 0 : i32
      %dma_wait3A_946 = tpu.memref_slice %arg3[%dma_wait3A_944, %dma_wait3A_945] : memref<100000x32xf32, #tpu.memory_space<hbm>> -> memref<128x32xf32, #tpu.memory_space<hbm>>
      tpu.wait_dma2 semaphore(%arg8 : memref<!tpu.dma_semaphore, #tpu.memory_space<semaphore_mem>>) src(%dma_wait3A_946 : memref<128x32xf32, #tpu.memory_space<hbm>>) dst(%dma_wait3A_943 : memref<128x32xf32, #tpu.memory_space<vmem>>)
      %dma_wait3A_947 = arith.constant 512 : i32
      %dma_wait3A_948 = arith.constant 0 : i32
      %dma_wait3A_949 = tpu.memref_slice %arg6[%dma_wait3A_947, %dma_wait3A_948] : memref<2048x32xf32, #tpu.memory_space<vmem>> -> memref<128x32xf32, #tpu.memory_space<vmem>>
      %dma_wait3A_950 = arith.constant 0 : i32
      %dma_wait3A_951 = arith.constant 0 : i32
      %dma_wait3A_952 = tpu.memref_slice %arg3[%dma_wait3A_950, %dma_wait3A_951] : memref<100000x32xf32, #tpu.memory_space<hbm>> -> memref<128x32xf32, #tpu.memory_space<hbm>>
      %dma_wait3A_953 = arith.constant 512 : i32
      %dma_wait3A_954 = arith.constant 0 : i32
      %dma_wait3A_955 = tpu.memref_slice %arg6[%dma_wait3A_953, %dma_wait3A_954] : memref<2048x32xf32, #tpu.memory_space<vmem>> -> memref<128x32xf32, #tpu.memory_space<vmem>>
      %dma_wait3A_956 = arith.constant 0 : i32
      %dma_wait3A_957 = arith.constant 0 : i32
      %dma_wait3A_958 = tpu.memref_slice %arg3[%dma_wait3A_956, %dma_wait3A_957] : memref<100000x32xf32, #tpu.memory_space<hbm>> -> memref<128x32xf32, #tpu.memory_space<hbm>>
      tpu.wait_dma2 semaphore(%arg8 : memref<!tpu.dma_semaphore, #tpu.memory_space<semaphore_mem>>) src(%dma_wait3A_958 : memref<128x32xf32, #tpu.memory_space<hbm>>) dst(%dma_wait3A_955 : memref<128x32xf32, #tpu.memory_space<vmem>>)
      %dma_wait3A_959 = arith.constant 640 : i32
      %dma_wait3A_960 = arith.constant 0 : i32
      %dma_wait3A_961 = tpu.memref_slice %arg6[%dma_wait3A_959, %dma_wait3A_960] : memref<2048x32xf32, #tpu.memory_space<vmem>> -> memref<128x32xf32, #tpu.memory_space<vmem>>
      %dma_wait3A_962 = arith.constant 0 : i32
      %dma_wait3A_963 = arith.constant 0 : i32
      %dma_wait3A_964 = tpu.memref_slice %arg3[%dma_wait3A_962, %dma_wait3A_963] : memref<100000x32xf32, #tpu.memory_space<hbm>> -> memref<128x32xf32, #tpu.memory_space<hbm>>
      %dma_wait3A_965 = arith.constant 640 : i32
      %dma_wait3A_966 = arith.constant 0 : i32
      %dma_wait3A_967 = tpu.memref_slice %arg6[%dma_wait3A_965, %dma_wait3A_966] : memref<2048x32xf32, #tpu.memory_space<vmem>> -> memref<128x32xf32, #tpu.memory_space<vmem>>
      %dma_wait3A_968 = arith.constant 0 : i32
      %dma_wait3A_969 = arith.constant 0 : i32
      %dma_wait3A_970 = tpu.memref_slice %arg3[%dma_wait3A_968, %dma_wait3A_969] : memref<100000x32xf32, #tpu.memory_space<hbm>> -> memref<128x32xf32, #tpu.memory_space<hbm>>
      tpu.wait_dma2 semaphore(%arg8 : memref<!tpu.dma_semaphore, #tpu.memory_space<semaphore_mem>>) src(%dma_wait3A_970 : memref<128x32xf32, #tpu.memory_space<hbm>>) dst(%dma_wait3A_967 : memref<128x32xf32, #tpu.memory_space<vmem>>)
      %dma_wait3A_971 = arith.constant 768 : i32
      %dma_wait3A_972 = arith.constant 0 : i32
      %dma_wait3A_973 = tpu.memref_slice %arg6[%dma_wait3A_971, %dma_wait3A_972] : memref<2048x32xf32, #tpu.memory_space<vmem>> -> memref<128x32xf32, #tpu.memory_space<vmem>>
      %dma_wait3A_974 = arith.constant 0 : i32
      %dma_wait3A_975 = arith.constant 0 : i32
      %dma_wait3A_976 = tpu.memref_slice %arg3[%dma_wait3A_974, %dma_wait3A_975] : memref<100000x32xf32, #tpu.memory_space<hbm>> -> memref<128x32xf32, #tpu.memory_space<hbm>>
      %dma_wait3A_977 = arith.constant 768 : i32
      %dma_wait3A_978 = arith.constant 0 : i32
      %dma_wait3A_979 = tpu.memref_slice %arg6[%dma_wait3A_977, %dma_wait3A_978] : memref<2048x32xf32, #tpu.memory_space<vmem>> -> memref<128x32xf32, #tpu.memory_space<vmem>>
      %dma_wait3A_980 = arith.constant 0 : i32
      %dma_wait3A_981 = arith.constant 0 : i32
      %dma_wait3A_982 = tpu.memref_slice %arg3[%dma_wait3A_980, %dma_wait3A_981] : memref<100000x32xf32, #tpu.memory_space<hbm>> -> memref<128x32xf32, #tpu.memory_space<hbm>>
      tpu.wait_dma2 semaphore(%arg8 : memref<!tpu.dma_semaphore, #tpu.memory_space<semaphore_mem>>) src(%dma_wait3A_982 : memref<128x32xf32, #tpu.memory_space<hbm>>) dst(%dma_wait3A_979 : memref<128x32xf32, #tpu.memory_space<vmem>>)
      %dma_wait3A_983 = arith.constant 896 : i32
      %dma_wait3A_984 = arith.constant 0 : i32
      %dma_wait3A_985 = tpu.memref_slice %arg6[%dma_wait3A_983, %dma_wait3A_984] : memref<2048x32xf32, #tpu.memory_space<vmem>> -> memref<128x32xf32, #tpu.memory_space<vmem>>
      %dma_wait3A_986 = arith.constant 0 : i32
      %dma_wait3A_987 = arith.constant 0 : i32
      %dma_wait3A_988 = tpu.memref_slice %arg3[%dma_wait3A_986, %dma_wait3A_987] : memref<100000x32xf32, #tpu.memory_space<hbm>> -> memref<128x32xf32, #tpu.memory_space<hbm>>
      %dma_wait3A_989 = arith.constant 896 : i32
      %dma_wait3A_990 = arith.constant 0 : i32
      %dma_wait3A_991 = tpu.memref_slice %arg6[%dma_wait3A_989, %dma_wait3A_990] : memref<2048x32xf32, #tpu.memory_space<vmem>> -> memref<128x32xf32, #tpu.memory_space<vmem>>
      %dma_wait3A_992 = arith.constant 0 : i32
      %dma_wait3A_993 = arith.constant 0 : i32
      %dma_wait3A_994 = tpu.memref_slice %arg3[%dma_wait3A_992, %dma_wait3A_993] : memref<100000x32xf32, #tpu.memory_space<hbm>> -> memref<128x32xf32, #tpu.memory_space<hbm>>
      tpu.wait_dma2 semaphore(%arg8 : memref<!tpu.dma_semaphore, #tpu.memory_space<semaphore_mem>>) src(%dma_wait3A_994 : memref<128x32xf32, #tpu.memory_space<hbm>>) dst(%dma_wait3A_991 : memref<128x32xf32, #tpu.memory_space<vmem>>)
      %and3A_995 = arith.constant 3 : i32
      %and3A_996 = arith.andi %add3A_784, %and3A_995 : i32
      %eq3A_997 = arith.constant 0 : i32
      %eq3A_998 = arith.cmpi eq, %and3A_996, %eq3A_997 : i32
      %le3A = arith.constant 92 : i32
      %le3A_999 = arith.cmpi sle, %add3A_784, %le3A : i32
      %and3A_1000 = arith.andi %eq3A_998, %le3A_999 : i1
      %convert_element_type3A_1001 = arith.extui %and3A_1000 : i1 to i32
      %cond3A_1002 = arith.constant 0 : i32
      %cond3A_1003 = arith.cmpi ne, %convert_element_type3A_1001, %cond3A_1002 : i32
      scf.if %cond3A_1003 {
        %shift_right_arithmetic3A_1229 = arith.constant 2 : i32
        %shift_right_arithmetic3A_1230 = arith.shrsi %add3A_784, %shift_right_arithmetic3A_1229 : i32
        %add3A_1231 = arith.constant 1 : i32
        %add3A_1232 = arith.addi %shift_right_arithmetic3A_1230, %add3A_1231 : i32
        %shift_right_arithmetic3A_1233 = arith.constant 2 : i32
        %shift_right_arithmetic3A_1234 = arith.shrsi %add3A_784, %shift_right_arithmetic3A_1233 : i32
        %add3A_1235 = arith.constant 1 : i32
        %add3A_1236 = arith.addi %shift_right_arithmetic3A_1234, %add3A_1235 : i32
        %and3A_1237 = arith.constant 1 : i32
        %and3A_1238 = arith.andi %add3A_1236, %and3A_1237 : i32
        %dma_start3A_1239 = arith.constant 0 : i32
        %dma_start3A_1240 = arith.constant 0 : i32
        %dma_start3A_1241 = arith.constant 0 : i32
        %dma_start3A_1242 = tpu.memref_slice %arg5[%and3A_1238, %dma_start3A_1239, %dma_start3A_1240, %dma_start3A_1241] : memref<2x4x8x128xi32, #tpu.memory_space<vmem>> -> memref<1x4x8x128xi32, #tpu.memory_space<vmem>>
        %dma_start3A_1243 = tpu.memref_squeeze %dma_start3A_1242 : memref<1x4x8x128xi32, #tpu.memory_space<vmem>> -> memref<4x8x128xi32, #tpu.memory_space<vmem>>
        %dma_start3A_1244 = arith.constant 0 : i32
        %dma_start3A_1245 = arith.constant 0 : i32
        %dma_start3A_1246 = tpu.memref_slice %arg2[%add3A_1232, %mul3A_2, %dma_start3A_1244, %dma_start3A_1245] : memref<25x128x8x128xi32, #tpu.memory_space<hbm>> -> memref<1x4x8x128xi32, #tpu.memory_space<hbm>>
        %dma_start3A_1247 = tpu.memref_squeeze %dma_start3A_1246 : memref<1x4x8x128xi32, #tpu.memory_space<hbm>> -> memref<4x8x128xi32, #tpu.memory_space<hbm>>
        %dma_start3A_1248 = arith.constant 0 : i32
        %dma_start3A_1249 = arith.constant 0 : i32
        %dma_start3A_1250 = arith.constant 0 : i32
        %dma_start3A_1251 = tpu.memref_slice %arg5[%and3A_1238, %dma_start3A_1248, %dma_start3A_1249, %dma_start3A_1250] : memref<2x4x8x128xi32, #tpu.memory_space<vmem>> -> memref<1x4x8x128xi32, #tpu.memory_space<vmem>>
        %dma_start3A_1252 = tpu.memref_squeeze %dma_start3A_1251 : memref<1x4x8x128xi32, #tpu.memory_space<vmem>> -> memref<4x8x128xi32, #tpu.memory_space<vmem>>
        %dma_start3A_1253 = arith.constant 0 : i32
        %dma_start3A_1254 = arith.constant 0 : i32
        %dma_start3A_1255 = tpu.memref_slice %arg2[%add3A_1232, %mul3A_2, %dma_start3A_1253, %dma_start3A_1254] : memref<25x128x8x128xi32, #tpu.memory_space<hbm>> -> memref<1x4x8x128xi32, #tpu.memory_space<hbm>>
        %dma_start3A_1256 = tpu.memref_squeeze %dma_start3A_1255 : memref<1x4x8x128xi32, #tpu.memory_space<hbm>> -> memref<4x8x128xi32, #tpu.memory_space<hbm>>
        tpu.enqueue_dma source(%dma_start3A_1256 : memref<4x8x128xi32, #tpu.memory_space<hbm>>) target(%dma_start3A_1252 : memref<4x8x128xi32, #tpu.memory_space<vmem>>) target_semaphore(%arg10 : memref<!tpu.dma_semaphore, #tpu.memory_space<semaphore_mem>>)
      } else {
      }
      %gt3A = arith.constant 0 : i32
      %gt3A_1004 = arith.cmpi sgt, %scan3A_782, %gt3A : i32
      %convert_element_type3A_1005 = arith.extui %gt3A_1004 : i1 to i32
      %cond3A_1006 = arith.constant 0 : i32
      %cond3A_1007 = arith.cmpi ne, %convert_element_type3A_1005, %cond3A_1006 : i32
      scf.if %cond3A_1007 {
        %dma_wait3A_1229 = arith.constant 0 : i32
        %dma_wait3A_1230 = arith.constant 0 : i32
        %dma_wait3A_1231 = arith.constant 0 : i32
        %dma_wait3A_1232 = arith.constant 0 : i32
        %dma_wait3A_1233 = arith.constant 0 : i32
        %dma_wait3A_1234 = arith.constant 0 : i32
        %dma_wait3A_1235 = tpu.memref_slice %arg7[%dma_wait3A_1229, %dma_wait3A_1232, %dma_wait3A_1233, %dma_wait3A_1234] : memref<8x4x8x128xf32, #tpu.memory_space<vmem>> -> memref<1x4x8x128xf32, #tpu.memory_space<vmem>>
        %dma_wait3A_1236 = tpu.memref_squeeze %dma_wait3A_1235 : memref<1x4x8x128xf32, #tpu.memory_space<vmem>> -> memref<4x8x128xf32, #tpu.memory_space<vmem>>
        %dma_wait3A_1237 = arith.constant 0 : i32
        %dma_wait3A_1238 = arith.constant 0 : i32
        %dma_wait3A_1239 = arith.constant 0 : i32
        %dma_wait3A_1240 = tpu.memref_slice %arg4[%dma_wait3A_1230, %dma_wait3A_1237, %dma_wait3A_1231, %dma_wait3A_1238, %dma_wait3A_1239] : memref<200x4x128x8x128xf32, #tpu.memory_space<hbm>> -> memref<1x4x1x8x128xf32, #tpu.memory_space<hbm>>
        %dma_wait3A_1241 = tpu.memref_squeeze %dma_wait3A_1240 : memref<1x4x1x8x128xf32, #tpu.memory_space<hbm>> -> memref<4x8x128xf32, #tpu.memory_space<hbm>>
        %dma_wait3A_1242 = arith.constant 0 : i32
        %dma_wait3A_1243 = arith.constant 0 : i32
        %dma_wait3A_1244 = arith.constant 0 : i32
        %dma_wait3A_1245 = tpu.memref_slice %arg4[%dma_wait3A_1230, %dma_wait3A_1242, %dma_wait3A_1231, %dma_wait3A_1243, %dma_wait3A_1244] : memref<200x4x128x8x128xf32, #tpu.memory_space<hbm>> -> memref<1x4x1x8x128xf32, #tpu.memory_space<hbm>>
        %dma_wait3A_1246 = tpu.memref_squeeze %dma_wait3A_1245 : memref<1x4x1x8x128xf32, #tpu.memory_space<hbm>> -> memref<4x8x128xf32, #tpu.memory_space<hbm>>
        %dma_wait3A_1247 = arith.constant 0 : i32
        %dma_wait3A_1248 = arith.constant 0 : i32
        %dma_wait3A_1249 = arith.constant 0 : i32
        %dma_wait3A_1250 = tpu.memref_slice %arg7[%dma_wait3A_1229, %dma_wait3A_1247, %dma_wait3A_1248, %dma_wait3A_1249] : memref<8x4x8x128xf32, #tpu.memory_space<vmem>> -> memref<1x4x8x128xf32, #tpu.memory_space<vmem>>
        %dma_wait3A_1251 = tpu.memref_squeeze %dma_wait3A_1250 : memref<1x4x8x128xf32, #tpu.memory_space<vmem>> -> memref<4x8x128xf32, #tpu.memory_space<vmem>>
        tpu.wait_dma2 semaphore(%arg9 : memref<!tpu.dma_semaphore, #tpu.memory_space<semaphore_mem>>) src(%dma_wait3A_1251 : memref<4x8x128xf32, #tpu.memory_space<vmem>>) dst(%dma_wait3A_1246 : memref<4x8x128xf32, #tpu.memory_space<hbm>>)
        %dma_wait3A_1252 = arith.constant 1 : i32
        %dma_wait3A_1253 = arith.constant 0 : i32
        %dma_wait3A_1254 = arith.constant 0 : i32
        %dma_wait3A_1255 = arith.constant 0 : i32
        %dma_wait3A_1256 = arith.constant 0 : i32
        %dma_wait3A_1257 = arith.constant 0 : i32
        %dma_wait3A_1258 = tpu.memref_slice %arg7[%dma_wait3A_1252, %dma_wait3A_1255, %dma_wait3A_1256, %dma_wait3A_1257] : memref<8x4x8x128xf32, #tpu.memory_space<vmem>> -> memref<1x4x8x128xf32, #tpu.memory_space<vmem>>
        %dma_wait3A_1259 = tpu.memref_squeeze %dma_wait3A_1258 : memref<1x4x8x128xf32, #tpu.memory_space<vmem>> -> memref<4x8x128xf32, #tpu.memory_space<vmem>>
        %dma_wait3A_1260 = arith.constant 0 : i32
        %dma_wait3A_1261 = arith.constant 0 : i32
        %dma_wait3A_1262 = arith.constant 0 : i32
        %dma_wait3A_1263 = tpu.memref_slice %arg4[%dma_wait3A_1253, %dma_wait3A_1260, %dma_wait3A_1254, %dma_wait3A_1261, %dma_wait3A_1262] : memref<200x4x128x8x128xf32, #tpu.memory_space<hbm>> -> memref<1x4x1x8x128xf32, #tpu.memory_space<hbm>>
        %dma_wait3A_1264 = tpu.memref_squeeze %dma_wait3A_1263 : memref<1x4x1x8x128xf32, #tpu.memory_space<hbm>> -> memref<4x8x128xf32, #tpu.memory_space<hbm>>
        %dma_wait3A_1265 = arith.constant 0 : i32
        %dma_wait3A_1266 = arith.constant 0 : i32
        %dma_wait3A_1267 = arith.constant 0 : i32
        %dma_wait3A_1268 = tpu.memref_slice %arg4[%dma_wait3A_1253, %dma_wait3A_1265, %dma_wait3A_1254, %dma_wait3A_1266, %dma_wait3A_1267] : memref<200x4x128x8x128xf32, #tpu.memory_space<hbm>> -> memref<1x4x1x8x128xf32, #tpu.memory_space<hbm>>
        %dma_wait3A_1269 = tpu.memref_squeeze %dma_wait3A_1268 : memref<1x4x1x8x128xf32, #tpu.memory_space<hbm>> -> memref<4x8x128xf32, #tpu.memory_space<hbm>>
        %dma_wait3A_1270 = arith.constant 0 : i32
        %dma_wait3A_1271 = arith.constant 0 : i32
        %dma_wait3A_1272 = arith.constant 0 : i32
        %dma_wait3A_1273 = tpu.memref_slice %arg7[%dma_wait3A_1252, %dma_wait3A_1270, %dma_wait3A_1271, %dma_wait3A_1272] : memref<8x4x8x128xf32, #tpu.memory_space<vmem>> -> memref<1x4x8x128xf32, #tpu.memory_space<vmem>>
        %dma_wait3A_1274 = tpu.memref_squeeze %dma_wait3A_1273 : memref<1x4x8x128xf32, #tpu.memory_space<vmem>> -> memref<4x8x128xf32, #tpu.memory_space<vmem>>
        tpu.wait_dma2 semaphore(%arg9 : memref<!tpu.dma_semaphore, #tpu.memory_space<semaphore_mem>>) src(%dma_wait3A_1274 : memref<4x8x128xf32, #tpu.memory_space<vmem>>) dst(%dma_wait3A_1269 : memref<4x8x128xf32, #tpu.memory_space<hbm>>)
        %dma_wait3A_1275 = arith.constant 2 : i32
        %dma_wait3A_1276 = arith.constant 0 : i32
        %dma_wait3A_1277 = arith.constant 0 : i32
        %dma_wait3A_1278 = arith.constant 0 : i32
        %dma_wait3A_1279 = arith.constant 0 : i32
        %dma_wait3A_1280 = arith.constant 0 : i32
        %dma_wait3A_1281 = tpu.memref_slice %arg7[%dma_wait3A_1275, %dma_wait3A_1278, %dma_wait3A_1279, %dma_wait3A_1280] : memref<8x4x8x128xf32, #tpu.memory_space<vmem>> -> memref<1x4x8x128xf32, #tpu.memory_space<vmem>>
        %dma_wait3A_1282 = tpu.memref_squeeze %dma_wait3A_1281 : memref<1x4x8x128xf32, #tpu.memory_space<vmem>> -> memref<4x8x128xf32, #tpu.memory_space<vmem>>
        %dma_wait3A_1283 = arith.constant 0 : i32
        %dma_wait3A_1284 = arith.constant 0 : i32
        %dma_wait3A_1285 = arith.constant 0 : i32
        %dma_wait3A_1286 = tpu.memref_slice %arg4[%dma_wait3A_1276, %dma_wait3A_1283, %dma_wait3A_1277, %dma_wait3A_1284, %dma_wait3A_1285] : memref<200x4x128x8x128xf32, #tpu.memory_space<hbm>> -> memref<1x4x1x8x128xf32, #tpu.memory_space<hbm>>
        %dma_wait3A_1287 = tpu.memref_squeeze %dma_wait3A_1286 : memref<1x4x1x8x128xf32, #tpu.memory_space<hbm>> -> memref<4x8x128xf32, #tpu.memory_space<hbm>>
        %dma_wait3A_1288 = arith.constant 0 : i32
        %dma_wait3A_1289 = arith.constant 0 : i32
        %dma_wait3A_1290 = arith.constant 0 : i32
        %dma_wait3A_1291 = tpu.memref_slice %arg4[%dma_wait3A_1276, %dma_wait3A_1288, %dma_wait3A_1277, %dma_wait3A_1289, %dma_wait3A_1290] : memref<200x4x128x8x128xf32, #tpu.memory_space<hbm>> -> memref<1x4x1x8x128xf32, #tpu.memory_space<hbm>>
        %dma_wait3A_1292 = tpu.memref_squeeze %dma_wait3A_1291 : memref<1x4x1x8x128xf32, #tpu.memory_space<hbm>> -> memref<4x8x128xf32, #tpu.memory_space<hbm>>
        %dma_wait3A_1293 = arith.constant 0 : i32
        %dma_wait3A_1294 = arith.constant 0 : i32
        %dma_wait3A_1295 = arith.constant 0 : i32
        %dma_wait3A_1296 = tpu.memref_slice %arg7[%dma_wait3A_1275, %dma_wait3A_1293, %dma_wait3A_1294, %dma_wait3A_1295] : memref<8x4x8x128xf32, #tpu.memory_space<vmem>> -> memref<1x4x8x128xf32, #tpu.memory_space<vmem>>
        %dma_wait3A_1297 = tpu.memref_squeeze %dma_wait3A_1296 : memref<1x4x8x128xf32, #tpu.memory_space<vmem>> -> memref<4x8x128xf32, #tpu.memory_space<vmem>>
        tpu.wait_dma2 semaphore(%arg9 : memref<!tpu.dma_semaphore, #tpu.memory_space<semaphore_mem>>) src(%dma_wait3A_1297 : memref<4x8x128xf32, #tpu.memory_space<vmem>>) dst(%dma_wait3A_1292 : memref<4x8x128xf32, #tpu.memory_space<hbm>>)
        %dma_wait3A_1298 = arith.constant 3 : i32
        %dma_wait3A_1299 = arith.constant 0 : i32
        %dma_wait3A_1300 = arith.constant 0 : i32
        %dma_wait3A_1301 = arith.constant 0 : i32
        %dma_wait3A_1302 = arith.constant 0 : i32
        %dma_wait3A_1303 = arith.constant 0 : i32
        %dma_wait3A_1304 = tpu.memref_slice %arg7[%dma_wait3A_1298, %dma_wait3A_1301, %dma_wait3A_1302, %dma_wait3A_1303] : memref<8x4x8x128xf32, #tpu.memory_space<vmem>> -> memref<1x4x8x128xf32, #tpu.memory_space<vmem>>
        %dma_wait3A_1305 = tpu.memref_squeeze %dma_wait3A_1304 : memref<1x4x8x128xf32, #tpu.memory_space<vmem>> -> memref<4x8x128xf32, #tpu.memory_space<vmem>>
        %dma_wait3A_1306 = arith.constant 0 : i32
        %dma_wait3A_1307 = arith.constant 0 : i32
        %dma_wait3A_1308 = arith.constant 0 : i32
        %dma_wait3A_1309 = tpu.memref_slice %arg4[%dma_wait3A_1299, %dma_wait3A_1306, %dma_wait3A_1300, %dma_wait3A_1307, %dma_wait3A_1308] : memref<200x4x128x8x128xf32, #tpu.memory_space<hbm>> -> memref<1x4x1x8x128xf32, #tpu.memory_space<hbm>>
        %dma_wait3A_1310 = tpu.memref_squeeze %dma_wait3A_1309 : memref<1x4x1x8x128xf32, #tpu.memory_space<hbm>> -> memref<4x8x128xf32, #tpu.memory_space<hbm>>
        %dma_wait3A_1311 = arith.constant 0 : i32
        %dma_wait3A_1312 = arith.constant 0 : i32
        %dma_wait3A_1313 = arith.constant 0 : i32
        %dma_wait3A_1314 = tpu.memref_slice %arg4[%dma_wait3A_1299, %dma_wait3A_1311, %dma_wait3A_1300, %dma_wait3A_1312, %dma_wait3A_1313] : memref<200x4x128x8x128xf32, #tpu.memory_space<hbm>> -> memref<1x4x1x8x128xf32, #tpu.memory_space<hbm>>
        %dma_wait3A_1315 = tpu.memref_squeeze %dma_wait3A_1314 : memref<1x4x1x8x128xf32, #tpu.memory_space<hbm>> -> memref<4x8x128xf32, #tpu.memory_space<hbm>>
        %dma_wait3A_1316 = arith.constant 0 : i32
        %dma_wait3A_1317 = arith.constant 0 : i32
        %dma_wait3A_1318 = arith.constant 0 : i32
        %dma_wait3A_1319 = tpu.memref_slice %arg7[%dma_wait3A_1298, %dma_wait3A_1316, %dma_wait3A_1317, %dma_wait3A_1318] : memref<8x4x8x128xf32, #tpu.memory_space<vmem>> -> memref<1x4x8x128xf32, #tpu.memory_space<vmem>>
        %dma_wait3A_1320 = tpu.memref_squeeze %dma_wait3A_1319 : memref<1x4x8x128xf32, #tpu.memory_space<vmem>> -> memref<4x8x128xf32, #tpu.memory_space<vmem>>
        tpu.wait_dma2 semaphore(%arg9 : memref<!tpu.dma_semaphore, #tpu.memory_space<semaphore_mem>>) src(%dma_wait3A_1320 : memref<4x8x128xf32, #tpu.memory_space<vmem>>) dst(%dma_wait3A_1315 : memref<4x8x128xf32, #tpu.memory_space<hbm>>)
        %dma_wait3A_1321 = arith.constant 4 : i32
        %dma_wait3A_1322 = arith.constant 0 : i32
        %dma_wait3A_1323 = arith.constant 0 : i32
        %dma_wait3A_1324 = arith.constant 0 : i32
        %dma_wait3A_1325 = arith.constant 0 : i32
        %dma_wait3A_1326 = arith.constant 0 : i32
        %dma_wait3A_1327 = tpu.memref_slice %arg7[%dma_wait3A_1321, %dma_wait3A_1324, %dma_wait3A_1325, %dma_wait3A_1326] : memref<8x4x8x128xf32, #tpu.memory_space<vmem>> -> memref<1x4x8x128xf32, #tpu.memory_space<vmem>>
        %dma_wait3A_1328 = tpu.memref_squeeze %dma_wait3A_1327 : memref<1x4x8x128xf32, #tpu.memory_space<vmem>> -> memref<4x8x128xf32, #tpu.memory_space<vmem>>
        %dma_wait3A_1329 = arith.constant 0 : i32
        %dma_wait3A_1330 = arith.constant 0 : i32
        %dma_wait3A_1331 = arith.constant 0 : i32
        %dma_wait3A_1332 = tpu.memref_slice %arg4[%dma_wait3A_1322, %dma_wait3A_1329, %dma_wait3A_1323, %dma_wait3A_1330, %dma_wait3A_1331] : memref<200x4x128x8x128xf32, #tpu.memory_space<hbm>> -> memref<1x4x1x8x128xf32, #tpu.memory_space<hbm>>
        %dma_wait3A_1333 = tpu.memref_squeeze %dma_wait3A_1332 : memref<1x4x1x8x128xf32, #tpu.memory_space<hbm>> -> memref<4x8x128xf32, #tpu.memory_space<hbm>>
        %dma_wait3A_1334 = arith.constant 0 : i32
        %dma_wait3A_1335 = arith.constant 0 : i32
        %dma_wait3A_1336 = arith.constant 0 : i32
        %dma_wait3A_1337 = tpu.memref_slice %arg4[%dma_wait3A_1322, %dma_wait3A_1334, %dma_wait3A_1323, %dma_wait3A_1335, %dma_wait3A_1336] : memref<200x4x128x8x128xf32, #tpu.memory_space<hbm>> -> memref<1x4x1x8x128xf32, #tpu.memory_space<hbm>>
        %dma_wait3A_1338 = tpu.memref_squeeze %dma_wait3A_1337 : memref<1x4x1x8x128xf32, #tpu.memory_space<hbm>> -> memref<4x8x128xf32, #tpu.memory_space<hbm>>
        %dma_wait3A_1339 = arith.constant 0 : i32
        %dma_wait3A_1340 = arith.constant 0 : i32
        %dma_wait3A_1341 = arith.constant 0 : i32
        %dma_wait3A_1342 = tpu.memref_slice %arg7[%dma_wait3A_1321, %dma_wait3A_1339, %dma_wait3A_1340, %dma_wait3A_1341] : memref<8x4x8x128xf32, #tpu.memory_space<vmem>> -> memref<1x4x8x128xf32, #tpu.memory_space<vmem>>
        %dma_wait3A_1343 = tpu.memref_squeeze %dma_wait3A_1342 : memref<1x4x8x128xf32, #tpu.memory_space<vmem>> -> memref<4x8x128xf32, #tpu.memory_space<vmem>>
        tpu.wait_dma2 semaphore(%arg9 : memref<!tpu.dma_semaphore, #tpu.memory_space<semaphore_mem>>) src(%dma_wait3A_1343 : memref<4x8x128xf32, #tpu.memory_space<vmem>>) dst(%dma_wait3A_1338 : memref<4x8x128xf32, #tpu.memory_space<hbm>>)
        %dma_wait3A_1344 = arith.constant 5 : i32
        %dma_wait3A_1345 = arith.constant 0 : i32
        %dma_wait3A_1346 = arith.constant 0 : i32
        %dma_wait3A_1347 = arith.constant 0 : i32
        %dma_wait3A_1348 = arith.constant 0 : i32
        %dma_wait3A_1349 = arith.constant 0 : i32
        %dma_wait3A_1350 = tpu.memref_slice %arg7[%dma_wait3A_1344, %dma_wait3A_1347, %dma_wait3A_1348, %dma_wait3A_1349] : memref<8x4x8x128xf32, #tpu.memory_space<vmem>> -> memref<1x4x8x128xf32, #tpu.memory_space<vmem>>
        %dma_wait3A_1351 = tpu.memref_squeeze %dma_wait3A_1350 : memref<1x4x8x128xf32, #tpu.memory_space<vmem>> -> memref<4x8x128xf32, #tpu.memory_space<vmem>>
        %dma_wait3A_1352 = arith.constant 0 : i32
        %dma_wait3A_1353 = arith.constant 0 : i32
        %dma_wait3A_1354 = arith.constant 0 : i32
        %dma_wait3A_1355 = tpu.memref_slice %arg4[%dma_wait3A_1345, %dma_wait3A_1352, %dma_wait3A_1346, %dma_wait3A_1353, %dma_wait3A_1354] : memref<200x4x128x8x128xf32, #tpu.memory_space<hbm>> -> memref<1x4x1x8x128xf32, #tpu.memory_space<hbm>>
        %dma_wait3A_1356 = tpu.memref_squeeze %dma_wait3A_1355 : memref<1x4x1x8x128xf32, #tpu.memory_space<hbm>> -> memref<4x8x128xf32, #tpu.memory_space<hbm>>
        %dma_wait3A_1357 = arith.constant 0 : i32
        %dma_wait3A_1358 = arith.constant 0 : i32
        %dma_wait3A_1359 = arith.constant 0 : i32
        %dma_wait3A_1360 = tpu.memref_slice %arg4[%dma_wait3A_1345, %dma_wait3A_1357, %dma_wait3A_1346, %dma_wait3A_1358, %dma_wait3A_1359] : memref<200x4x128x8x128xf32, #tpu.memory_space<hbm>> -> memref<1x4x1x8x128xf32, #tpu.memory_space<hbm>>
        %dma_wait3A_1361 = tpu.memref_squeeze %dma_wait3A_1360 : memref<1x4x1x8x128xf32, #tpu.memory_space<hbm>> -> memref<4x8x128xf32, #tpu.memory_space<hbm>>
        %dma_wait3A_1362 = arith.constant 0 : i32
        %dma_wait3A_1363 = arith.constant 0 : i32
        %dma_wait3A_1364 = arith.constant 0 : i32
        %dma_wait3A_1365 = tpu.memref_slice %arg7[%dma_wait3A_1344, %dma_wait3A_1362, %dma_wait3A_1363, %dma_wait3A_1364] : memref<8x4x8x128xf32, #tpu.memory_space<vmem>> -> memref<1x4x8x128xf32, #tpu.memory_space<vmem>>
        %dma_wait3A_1366 = tpu.memref_squeeze %dma_wait3A_1365 : memref<1x4x8x128xf32, #tpu.memory_space<vmem>> -> memref<4x8x128xf32, #tpu.memory_space<vmem>>
        tpu.wait_dma2 semaphore(%arg9 : memref<!tpu.dma_semaphore, #tpu.memory_space<semaphore_mem>>) src(%dma_wait3A_1366 : memref<4x8x128xf32, #tpu.memory_space<vmem>>) dst(%dma_wait3A_1361 : memref<4x8x128xf32, #tpu.memory_space<hbm>>)
        %dma_wait3A_1367 = arith.constant 6 : i32
        %dma_wait3A_1368 = arith.constant 0 : i32
        %dma_wait3A_1369 = arith.constant 0 : i32
        %dma_wait3A_1370 = arith.constant 0 : i32
        %dma_wait3A_1371 = arith.constant 0 : i32
        %dma_wait3A_1372 = arith.constant 0 : i32
        %dma_wait3A_1373 = tpu.memref_slice %arg7[%dma_wait3A_1367, %dma_wait3A_1370, %dma_wait3A_1371, %dma_wait3A_1372] : memref<8x4x8x128xf32, #tpu.memory_space<vmem>> -> memref<1x4x8x128xf32, #tpu.memory_space<vmem>>
        %dma_wait3A_1374 = tpu.memref_squeeze %dma_wait3A_1373 : memref<1x4x8x128xf32, #tpu.memory_space<vmem>> -> memref<4x8x128xf32, #tpu.memory_space<vmem>>
        %dma_wait3A_1375 = arith.constant 0 : i32
        %dma_wait3A_1376 = arith.constant 0 : i32
        %dma_wait3A_1377 = arith.constant 0 : i32
        %dma_wait3A_1378 = tpu.memref_slice %arg4[%dma_wait3A_1368, %dma_wait3A_1375, %dma_wait3A_1369, %dma_wait3A_1376, %dma_wait3A_1377] : memref<200x4x128x8x128xf32, #tpu.memory_space<hbm>> -> memref<1x4x1x8x128xf32, #tpu.memory_space<hbm>>
        %dma_wait3A_1379 = tpu.memref_squeeze %dma_wait3A_1378 : memref<1x4x1x8x128xf32, #tpu.memory_space<hbm>> -> memref<4x8x128xf32, #tpu.memory_space<hbm>>
        %dma_wait3A_1380 = arith.constant 0 : i32
        %dma_wait3A_1381 = arith.constant 0 : i32
        %dma_wait3A_1382 = arith.constant 0 : i32
        %dma_wait3A_1383 = tpu.memref_slice %arg4[%dma_wait3A_1368, %dma_wait3A_1380, %dma_wait3A_1369, %dma_wait3A_1381, %dma_wait3A_1382] : memref<200x4x128x8x128xf32, #tpu.memory_space<hbm>> -> memref<1x4x1x8x128xf32, #tpu.memory_space<hbm>>
        %dma_wait3A_1384 = tpu.memref_squeeze %dma_wait3A_1383 : memref<1x4x1x8x128xf32, #tpu.memory_space<hbm>> -> memref<4x8x128xf32, #tpu.memory_space<hbm>>
        %dma_wait3A_1385 = arith.constant 0 : i32
        %dma_wait3A_1386 = arith.constant 0 : i32
        %dma_wait3A_1387 = arith.constant 0 : i32
        %dma_wait3A_1388 = tpu.memref_slice %arg7[%dma_wait3A_1367, %dma_wait3A_1385, %dma_wait3A_1386, %dma_wait3A_1387] : memref<8x4x8x128xf32, #tpu.memory_space<vmem>> -> memref<1x4x8x128xf32, #tpu.memory_space<vmem>>
        %dma_wait3A_1389 = tpu.memref_squeeze %dma_wait3A_1388 : memref<1x4x8x128xf32, #tpu.memory_space<vmem>> -> memref<4x8x128xf32, #tpu.memory_space<vmem>>
        tpu.wait_dma2 semaphore(%arg9 : memref<!tpu.dma_semaphore, #tpu.memory_space<semaphore_mem>>) src(%dma_wait3A_1389 : memref<4x8x128xf32, #tpu.memory_space<vmem>>) dst(%dma_wait3A_1384 : memref<4x8x128xf32, #tpu.memory_space<hbm>>)
        %dma_wait3A_1390 = arith.constant 7 : i32
        %dma_wait3A_1391 = arith.constant 0 : i32
        %dma_wait3A_1392 = arith.constant 0 : i32
        %dma_wait3A_1393 = arith.constant 0 : i32
        %dma_wait3A_1394 = arith.constant 0 : i32
        %dma_wait3A_1395 = arith.constant 0 : i32
        %dma_wait3A_1396 = tpu.memref_slice %arg7[%dma_wait3A_1390, %dma_wait3A_1393, %dma_wait3A_1394, %dma_wait3A_1395] : memref<8x4x8x128xf32, #tpu.memory_space<vmem>> -> memref<1x4x8x128xf32, #tpu.memory_space<vmem>>
        %dma_wait3A_1397 = tpu.memref_squeeze %dma_wait3A_1396 : memref<1x4x8x128xf32, #tpu.memory_space<vmem>> -> memref<4x8x128xf32, #tpu.memory_space<vmem>>
        %dma_wait3A_1398 = arith.constant 0 : i32
        %dma_wait3A_1399 = arith.constant 0 : i32
        %dma_wait3A_1400 = arith.constant 0 : i32
        %dma_wait3A_1401 = tpu.memref_slice %arg4[%dma_wait3A_1391, %dma_wait3A_1398, %dma_wait3A_1392, %dma_wait3A_1399, %dma_wait3A_1400] : memref<200x4x128x8x128xf32, #tpu.memory_space<hbm>> -> memref<1x4x1x8x128xf32, #tpu.memory_space<hbm>>
        %dma_wait3A_1402 = tpu.memref_squeeze %dma_wait3A_1401 : memref<1x4x1x8x128xf32, #tpu.memory_space<hbm>> -> memref<4x8x128xf32, #tpu.memory_space<hbm>>
        %dma_wait3A_1403 = arith.constant 0 : i32
        %dma_wait3A_1404 = arith.constant 0 : i32
        %dma_wait3A_1405 = arith.constant 0 : i32
        %dma_wait3A_1406 = tpu.memref_slice %arg4[%dma_wait3A_1391, %dma_wait3A_1403, %dma_wait3A_1392, %dma_wait3A_1404, %dma_wait3A_1405] : memref<200x4x128x8x128xf32, #tpu.memory_space<hbm>> -> memref<1x4x1x8x128xf32, #tpu.memory_space<hbm>>
        %dma_wait3A_1407 = tpu.memref_squeeze %dma_wait3A_1406 : memref<1x4x1x8x128xf32, #tpu.memory_space<hbm>> -> memref<4x8x128xf32, #tpu.memory_space<hbm>>
        %dma_wait3A_1408 = arith.constant 0 : i32
        %dma_wait3A_1409 = arith.constant 0 : i32
        %dma_wait3A_1410 = arith.constant 0 : i32
        %dma_wait3A_1411 = tpu.memref_slice %arg7[%dma_wait3A_1390, %dma_wait3A_1408, %dma_wait3A_1409, %dma_wait3A_1410] : memref<8x4x8x128xf32, #tpu.memory_space<vmem>> -> memref<1x4x8x128xf32, #tpu.memory_space<vmem>>
        %dma_wait3A_1412 = tpu.memref_squeeze %dma_wait3A_1411 : memref<1x4x8x128xf32, #tpu.memory_space<vmem>> -> memref<4x8x128xf32, #tpu.memory_space<vmem>>
        tpu.wait_dma2 semaphore(%arg9 : memref<!tpu.dma_semaphore, #tpu.memory_space<semaphore_mem>>) src(%dma_wait3A_1412 : memref<4x8x128xf32, #tpu.memory_space<vmem>>) dst(%dma_wait3A_1407 : memref<4x8x128xf32, #tpu.memory_space<hbm>>)
      } else {
      }
      %shift_right_arithmetic3A_1008 = arith.constant 2 : i32
      %shift_right_arithmetic3A_1009 = arith.shrsi %scan3A_782, %shift_right_arithmetic3A_1008 : i32
      %and3A_1010 = arith.constant 3 : i32
      %and3A_1011 = arith.andi %scan3A_782, %and3A_1010 : i32
      %and3A_1012 = arith.constant 1 : i32
      %and3A_1013 = arith.andi %scan3A_782, %and3A_1012 : i32
      %mul3A_1014 = arith.constant 1024 : i32
      %mul3A_1015 = arith.muli %and3A_1013, %mul3A_1014 : i32
      %broadcast_in_dim3A_1016 = arith.constant 0 : i32
      %broadcast_in_dim3A_1017 = vector.broadcast %broadcast_in_dim3A_1016 : i32 to vector<16xi32>
      %parallel_loop3A_1018 = arith.constant 0 : i32
      %parallel_loop3A_1019 = arith.constant 8 : i32
      %parallel_loop3A_1020 = arith.constant 1 : i32
      scf.for %parallel_loop3A_1229 = %parallel_loop3A_1018 to %parallel_loop3A_1019 step %parallel_loop3A_1020  : i32 {
        %parallel_loop3A_1230 = arith.constant 128 : i32
        %parallel_loop3A_1231 = arith.muli %parallel_loop3A_1229, %parallel_loop3A_1230 : i32
        %parallel_loop3A_1232 = arith.addi %mul3A_1015, %parallel_loop3A_1231 : i32
        %parallel_loop3A_1233 = vector.broadcast %parallel_loop3A_1229 : i32 to vector<16xi32>
        %parallel_loop3A_1234 = arith.addi %broadcast_in_dim3A_1017, %parallel_loop3A_1233 : vector<16xi32>
        %parallel_loop3A_1235 = arith.constant 0 : i32
        %parallel_loop3A_1236 = arith.addi %parallel_loop3A_1232, %parallel_loop3A_1235 : i32
        %parallel_loop3A_1237 = vector.broadcast %parallel_loop3A_1236 : i32 to vector<16xi32>
        %parallel_loop3A_1238 = arith.addi %iota3A, %parallel_loop3A_1237 : vector<16xi32>
        %parallel_loop3A_1239 = arith.constant 16 : i32
        %parallel_loop3A_1240 = arith.addi %parallel_loop3A_1232, %parallel_loop3A_1239 : i32
        %parallel_loop3A_1241 = vector.broadcast %parallel_loop3A_1240 : i32 to vector<16xi32>
        %parallel_loop3A_1242 = arith.addi %iota3A, %parallel_loop3A_1241 : vector<16xi32>
        %parallel_loop3A_1243 = arith.constant 32 : i32
        %parallel_loop3A_1244 = arith.addi %parallel_loop3A_1232, %parallel_loop3A_1243 : i32
        %parallel_loop3A_1245 = vector.broadcast %parallel_loop3A_1244 : i32 to vector<16xi32>
        %parallel_loop3A_1246 = arith.addi %iota3A, %parallel_loop3A_1245 : vector<16xi32>
        %parallel_loop3A_1247 = arith.constant 48 : i32
        %parallel_loop3A_1248 = arith.addi %parallel_loop3A_1232, %parallel_loop3A_1247 : i32
        %parallel_loop3A_1249 = vector.broadcast %parallel_loop3A_1248 : i32 to vector<16xi32>
        %parallel_loop3A_1250 = arith.addi %iota3A, %parallel_loop3A_1249 : vector<16xi32>
        %parallel_loop3A_1251 = arith.constant 64 : i32
        %parallel_loop3A_1252 = arith.addi %parallel_loop3A_1232, %parallel_loop3A_1251 : i32
        %parallel_loop3A_1253 = vector.broadcast %parallel_loop3A_1252 : i32 to vector<16xi32>
        %parallel_loop3A_1254 = arith.addi %iota3A, %parallel_loop3A_1253 : vector<16xi32>
        %parallel_loop3A_1255 = arith.constant 80 : i32
        %parallel_loop3A_1256 = arith.addi %parallel_loop3A_1232, %parallel_loop3A_1255 : i32
        %parallel_loop3A_1257 = vector.broadcast %parallel_loop3A_1256 : i32 to vector<16xi32>
        %parallel_loop3A_1258 = arith.addi %iota3A, %parallel_loop3A_1257 : vector<16xi32>
        %parallel_loop3A_1259 = arith.constant 96 : i32
        %parallel_loop3A_1260 = arith.addi %parallel_loop3A_1232, %parallel_loop3A_1259 : i32
        %parallel_loop3A_1261 = vector.broadcast %parallel_loop3A_1260 : i32 to vector<16xi32>
        %parallel_loop3A_1262 = arith.addi %iota3A, %parallel_loop3A_1261 : vector<16xi32>
        %parallel_loop3A_1263 = arith.constant 112 : i32
        %parallel_loop3A_1264 = arith.addi %parallel_loop3A_1232, %parallel_loop3A_1263 : i32
        %parallel_loop3A_1265 = vector.broadcast %parallel_loop3A_1264 : i32 to vector<16xi32>
        %parallel_loop3A_1266 = arith.addi %iota3A, %parallel_loop3A_1265 : vector<16xi32>
        %parallel_loop3A_1267 = arith.constant 0 : i32
        %parallel_loop3A_1268 = vector.broadcast %parallel_loop3A_1267 : i32 to vector<16xi32>
        %parallel_loop3A_1269 = arith.addi %iota3A, %parallel_loop3A_1268 : vector<16xi32>
        %parallel_loop3A_1270 = arith.constant 16 : i32
        %parallel_loop3A_1271 = vector.broadcast %parallel_loop3A_1270 : i32 to vector<16xi32>
        %parallel_loop3A_1272 = arith.addi %iota3A, %parallel_loop3A_1271 : vector<16xi32>
        %parallel_loop3A_1273 = arith.constant 32 : i32
        %parallel_loop3A_1274 = vector.broadcast %parallel_loop3A_1273 : i32 to vector<16xi32>
        %parallel_loop3A_1275 = arith.addi %iota3A, %parallel_loop3A_1274 : vector<16xi32>
        %parallel_loop3A_1276 = arith.constant 48 : i32
        %parallel_loop3A_1277 = vector.broadcast %parallel_loop3A_1276 : i32 to vector<16xi32>
        %parallel_loop3A_1278 = arith.addi %iota3A, %parallel_loop3A_1277 : vector<16xi32>
        %parallel_loop3A_1279 = arith.constant 64 : i32
        %parallel_loop3A_1280 = vector.broadcast %parallel_loop3A_1279 : i32 to vector<16xi32>
        %parallel_loop3A_1281 = arith.addi %iota3A, %parallel_loop3A_1280 : vector<16xi32>
        %parallel_loop3A_1282 = arith.constant 80 : i32
        %parallel_loop3A_1283 = vector.broadcast %parallel_loop3A_1282 : i32 to vector<16xi32>
        %parallel_loop3A_1284 = arith.addi %iota3A, %parallel_loop3A_1283 : vector<16xi32>
        %parallel_loop3A_1285 = arith.constant 96 : i32
        %parallel_loop3A_1286 = vector.broadcast %parallel_loop3A_1285 : i32 to vector<16xi32>
        %parallel_loop3A_1287 = arith.addi %iota3A, %parallel_loop3A_1286 : vector<16xi32>
        %parallel_loop3A_1288 = arith.constant 112 : i32
        %parallel_loop3A_1289 = vector.broadcast %parallel_loop3A_1288 : i32 to vector<16xi32>
        %parallel_loop3A_1290 = arith.addi %iota3A, %parallel_loop3A_1289 : vector<16xi32>
        %parallel_loop3A_1291 = arith.constant 0 : i32
        %parallel_loop3A_1292 = arith.constant 16 : i32
        %parallel_loop3A_1293 = arith.constant 1 : i32
        scf.for %parallel_loop3A_1294 = %parallel_loop3A_1291 to %parallel_loop3A_1292 step %parallel_loop3A_1293  : i32 {
          %parallel_loop3A_1295 = vector.broadcast %parallel_loop3A_1294 : i32 to vector<16xi32>
          %parallel_loop3A_1296 = arith.addi %iota3A, %parallel_loop3A_1295 : vector<16xi32>
          %parallel_loop3A_1297 = arith.constant 15 : i32
          %parallel_loop3A_1298 = vector.broadcast %parallel_loop3A_1297 : i32 to vector<16xi32>
          %parallel_loop3A_1299 = arith.andi %parallel_loop3A_1296, %parallel_loop3A_1298 : vector<16xi32>
          %parallel_loop3A_1300 = arith.constant 0 : i32
          %parallel_loop3A_1301 = vector.broadcast %parallel_loop3A_1300 : i32 to vector<16xi32>
          %parallel_loop3A_1302 = arith.addi %parallel_loop3A_1299, %parallel_loop3A_1301 : vector<16xi32>
          %parallel_loop3A_1303 = arith.constant 3 : i32
          %parallel_loop3A_1304 = vector.broadcast %parallel_loop3A_1303 : i32 to vector<16xi32>
          %parallel_loop3A_1305 = arith.shrsi %parallel_loop3A_1299, %parallel_loop3A_1304 : vector<16xi32>
          %parallel_loop3A_1306 = arith.constant 0 : i32
          %parallel_loop3A_1307 = vector.broadcast %parallel_loop3A_1306 : i32 to vector<16xi32>
          %parallel_loop3A_1308 = arith.addi %parallel_loop3A_1305, %parallel_loop3A_1307 : vector<16xi32>
          %parallel_loop3A_1309 = arith.constant 7 : i32
          %parallel_loop3A_1310 = vector.broadcast %parallel_loop3A_1309 : i32 to vector<16xi32>
          %parallel_loop3A_1311 = arith.andi %parallel_loop3A_1299, %parallel_loop3A_1310 : vector<16xi32>
          %parallel_loop3A_1312 = tpu.vector_load_idx %arg6[%parallel_loop3A_1238, %parallel_loop3A_1302] : memref<2048x32xf32, #tpu.memory_space<vmem>>[vector<16xi32>, vector<16xi32>], vector<16xf32>,
          %parallel_loop3A_1313 = tpu.vector_load_idx %arg6[%parallel_loop3A_1242, %parallel_loop3A_1302] : memref<2048x32xf32, #tpu.memory_space<vmem>>[vector<16xi32>, vector<16xi32>], vector<16xf32>,
          %parallel_loop3A_1314 = tpu.vector_load_idx %arg6[%parallel_loop3A_1246, %parallel_loop3A_1302] : memref<2048x32xf32, #tpu.memory_space<vmem>>[vector<16xi32>, vector<16xi32>], vector<16xf32>,
          %parallel_loop3A_1315 = tpu.vector_load_idx %arg6[%parallel_loop3A_1250, %parallel_loop3A_1302] : memref<2048x32xf32, #tpu.memory_space<vmem>>[vector<16xi32>, vector<16xi32>], vector<16xf32>,
          %parallel_loop3A_1316 = tpu.vector_load_idx %arg6[%parallel_loop3A_1254, %parallel_loop3A_1302] : memref<2048x32xf32, #tpu.memory_space<vmem>>[vector<16xi32>, vector<16xi32>], vector<16xf32>,
          %parallel_loop3A_1317 = tpu.vector_load_idx %arg6[%parallel_loop3A_1258, %parallel_loop3A_1302] : memref<2048x32xf32, #tpu.memory_space<vmem>>[vector<16xi32>, vector<16xi32>], vector<16xf32>,
          %parallel_loop3A_1318 = tpu.vector_load_idx %arg6[%parallel_loop3A_1262, %parallel_loop3A_1302] : memref<2048x32xf32, #tpu.memory_space<vmem>>[vector<16xi32>, vector<16xi32>], vector<16xf32>,
          %parallel_loop3A_1319 = tpu.vector_load_idx %arg6[%parallel_loop3A_1266, %parallel_loop3A_1302] : memref<2048x32xf32, #tpu.memory_space<vmem>>[vector<16xi32>, vector<16xi32>], vector<16xf32>,
          tpu.vector_store_idx %arg7[%parallel_loop3A_1234, %parallel_loop3A_1308, %parallel_loop3A_1311, %parallel_loop3A_1269], %parallel_loop3A_1312 : memref<8x4x8x128xf32, #tpu.memory_space<vmem>>[vector<16xi32>, vector<16xi32>, vector<16xi32>, vector<16xi32>], vector<16xf32>,
          tpu.vector_store_idx %arg7[%parallel_loop3A_1234, %parallel_loop3A_1308, %parallel_loop3A_1311, %parallel_loop3A_1272], %parallel_loop3A_1313 : memref<8x4x8x128xf32, #tpu.memory_space<vmem>>[vector<16xi32>, vector<16xi32>, vector<16xi32>, vector<16xi32>], vector<16xf32>,
          tpu.vector_store_idx %arg7[%parallel_loop3A_1234, %parallel_loop3A_1308, %parallel_loop3A_1311, %parallel_loop3A_1275], %parallel_loop3A_1314 : memref<8x4x8x128xf32, #tpu.memory_space<vmem>>[vector<16xi32>, vector<16xi32>, vector<16xi32>, vector<16xi32>], vector<16xf32>,
          tpu.vector_store_idx %arg7[%parallel_loop3A_1234, %parallel_loop3A_1308, %parallel_loop3A_1311, %parallel_loop3A_1278], %parallel_loop3A_1315 : memref<8x4x8x128xf32, #tpu.memory_space<vmem>>[vector<16xi32>, vector<16xi32>, vector<16xi32>, vector<16xi32>], vector<16xf32>,
          tpu.vector_store_idx %arg7[%parallel_loop3A_1234, %parallel_loop3A_1308, %parallel_loop3A_1311, %parallel_loop3A_1281], %parallel_loop3A_1316 : memref<8x4x8x128xf32, #tpu.memory_space<vmem>>[vector<16xi32>, vector<16xi32>, vector<16xi32>, vector<16xi32>], vector<16xf32>,
          tpu.vector_store_idx %arg7[%parallel_loop3A_1234, %parallel_loop3A_1308, %parallel_loop3A_1311, %parallel_loop3A_1284], %parallel_loop3A_1317 : memref<8x4x8x128xf32, #tpu.memory_space<vmem>>[vector<16xi32>, vector<16xi32>, vector<16xi32>, vector<16xi32>], vector<16xf32>,
          tpu.vector_store_idx %arg7[%parallel_loop3A_1234, %parallel_loop3A_1308, %parallel_loop3A_1311, %parallel_loop3A_1287], %parallel_loop3A_1318 : memref<8x4x8x128xf32, #tpu.memory_space<vmem>>[vector<16xi32>, vector<16xi32>, vector<16xi32>, vector<16xi32>], vector<16xf32>,
          tpu.vector_store_idx %arg7[%parallel_loop3A_1234, %parallel_loop3A_1308, %parallel_loop3A_1311, %parallel_loop3A_1290], %parallel_loop3A_1319 : memref<8x4x8x128xf32, #tpu.memory_space<vmem>>[vector<16xi32>, vector<16xi32>, vector<16xi32>, vector<16xi32>], vector<16xf32>,
          %parallel_loop3A_1320 = arith.constant 16 : i32
          %parallel_loop3A_1321 = vector.broadcast %parallel_loop3A_1320 : i32 to vector<16xi32>
          %parallel_loop3A_1322 = arith.addi %parallel_loop3A_1299, %parallel_loop3A_1321 : vector<16xi32>
          %parallel_loop3A_1323 = arith.constant 3 : i32
          %parallel_loop3A_1324 = vector.broadcast %parallel_loop3A_1323 : i32 to vector<16xi32>
          %parallel_loop3A_1325 = arith.shrsi %parallel_loop3A_1299, %parallel_loop3A_1324 : vector<16xi32>
          %parallel_loop3A_1326 = arith.constant 2 : i32
          %parallel_loop3A_1327 = vector.broadcast %parallel_loop3A_1326 : i32 to vector<16xi32>
          %parallel_loop3A_1328 = arith.addi %parallel_loop3A_1325, %parallel_loop3A_1327 : vector<16xi32>
          %parallel_loop3A_1329 = arith.constant 7 : i32
          %parallel_loop3A_1330 = vector.broadcast %parallel_loop3A_1329 : i32 to vector<16xi32>
          %parallel_loop3A_1331 = arith.andi %parallel_loop3A_1299, %parallel_loop3A_1330 : vector<16xi32>
          %parallel_loop3A_1332 = tpu.vector_load_idx %arg6[%parallel_loop3A_1238, %parallel_loop3A_1322] : memref<2048x32xf32, #tpu.memory_space<vmem>>[vector<16xi32>, vector<16xi32>], vector<16xf32>,
          %parallel_loop3A_1333 = tpu.vector_load_idx %arg6[%parallel_loop3A_1242, %parallel_loop3A_1322] : memref<2048x32xf32, #tpu.memory_space<vmem>>[vector<16xi32>, vector<16xi32>], vector<16xf32>,
          %parallel_loop3A_1334 = tpu.vector_load_idx %arg6[%parallel_loop3A_1246, %parallel_loop3A_1322] : memref<2048x32xf32, #tpu.memory_space<vmem>>[vector<16xi32>, vector<16xi32>], vector<16xf32>,
          %parallel_loop3A_1335 = tpu.vector_load_idx %arg6[%parallel_loop3A_1250, %parallel_loop3A_1322] : memref<2048x32xf32, #tpu.memory_space<vmem>>[vector<16xi32>, vector<16xi32>], vector<16xf32>,
          %parallel_loop3A_1336 = tpu.vector_load_idx %arg6[%parallel_loop3A_1254, %parallel_loop3A_1322] : memref<2048x32xf32, #tpu.memory_space<vmem>>[vector<16xi32>, vector<16xi32>], vector<16xf32>,
          %parallel_loop3A_1337 = tpu.vector_load_idx %arg6[%parallel_loop3A_1258, %parallel_loop3A_1322] : memref<2048x32xf32, #tpu.memory_space<vmem>>[vector<16xi32>, vector<16xi32>], vector<16xf32>,
          %parallel_loop3A_1338 = tpu.vector_load_idx %arg6[%parallel_loop3A_1262, %parallel_loop3A_1322] : memref<2048x32xf32, #tpu.memory_space<vmem>>[vector<16xi32>, vector<16xi32>], vector<16xf32>,
          %parallel_loop3A_1339 = tpu.vector_load_idx %arg6[%parallel_loop3A_1266, %parallel_loop3A_1322] : memref<2048x32xf32, #tpu.memory_space<vmem>>[vector<16xi32>, vector<16xi32>], vector<16xf32>,
          tpu.vector_store_idx %arg7[%parallel_loop3A_1234, %parallel_loop3A_1328, %parallel_loop3A_1331, %parallel_loop3A_1269], %parallel_loop3A_1332 : memref<8x4x8x128xf32, #tpu.memory_space<vmem>>[vector<16xi32>, vector<16xi32>, vector<16xi32>, vector<16xi32>], vector<16xf32>,
          tpu.vector_store_idx %arg7[%parallel_loop3A_1234, %parallel_loop3A_1328, %parallel_loop3A_1331, %parallel_loop3A_1272], %parallel_loop3A_1333 : memref<8x4x8x128xf32, #tpu.memory_space<vmem>>[vector<16xi32>, vector<16xi32>, vector<16xi32>, vector<16xi32>], vector<16xf32>,
          tpu.vector_store_idx %arg7[%parallel_loop3A_1234, %parallel_loop3A_1328, %parallel_loop3A_1331, %parallel_loop3A_1275], %parallel_loop3A_1334 : memref<8x4x8x128xf32, #tpu.memory_space<vmem>>[vector<16xi32>, vector<16xi32>, vector<16xi32>, vector<16xi32>], vector<16xf32>,
          tpu.vector_store_idx %arg7[%parallel_loop3A_1234, %parallel_loop3A_1328, %parallel_loop3A_1331, %parallel_loop3A_1278], %parallel_loop3A_1335 : memref<8x4x8x128xf32, #tpu.memory_space<vmem>>[vector<16xi32>, vector<16xi32>, vector<16xi32>, vector<16xi32>], vector<16xf32>,
          tpu.vector_store_idx %arg7[%parallel_loop3A_1234, %parallel_loop3A_1328, %parallel_loop3A_1331, %parallel_loop3A_1281], %parallel_loop3A_1336 : memref<8x4x8x128xf32, #tpu.memory_space<vmem>>[vector<16xi32>, vector<16xi32>, vector<16xi32>, vector<16xi32>], vector<16xf32>,
          tpu.vector_store_idx %arg7[%parallel_loop3A_1234, %parallel_loop3A_1328, %parallel_loop3A_1331, %parallel_loop3A_1284], %parallel_loop3A_1337 : memref<8x4x8x128xf32, #tpu.memory_space<vmem>>[vector<16xi32>, vector<16xi32>, vector<16xi32>, vector<16xi32>], vector<16xf32>,
          tpu.vector_store_idx %arg7[%parallel_loop3A_1234, %parallel_loop3A_1328, %parallel_loop3A_1331, %parallel_loop3A_1287], %parallel_loop3A_1338 : memref<8x4x8x128xf32, #tpu.memory_space<vmem>>[vector<16xi32>, vector<16xi32>, vector<16xi32>, vector<16xi32>], vector<16xf32>,
          tpu.vector_store_idx %arg7[%parallel_loop3A_1234, %parallel_loop3A_1328, %parallel_loop3A_1331, %parallel_loop3A_1290], %parallel_loop3A_1339 : memref<8x4x8x128xf32, #tpu.memory_space<vmem>>[vector<16xi32>, vector<16xi32>, vector<16xi32>, vector<16xi32>], vector<16xf32>,
        } {sc.loop_unroll_factor = 1 : i64, sc.parallel_access}
      } {sc.loop_unroll_factor = 2 : i64, sc.parallel_access}
      %mul3A_1021 = arith.constant 8 : i32
      %mul3A_1022 = arith.muli %mul3A_1021, %shift_right_arithmetic3A_1009 : i32
      %add3A_1023 = arith.constant 0 : i32
      %add3A_1024 = arith.addi %mul3A_1022, %add3A_1023 : i32
      %add3A_1025 = arith.addi %mul3A_2, %and3A_1011 : i32
      %dma_start3A_1026 = arith.constant 0 : i32
      %dma_start3A_1027 = arith.constant 0 : i32
      %dma_start3A_1028 = arith.constant 0 : i32
      %dma_start3A_1029 = arith.constant 0 : i32
      %dma_start3A_1030 = tpu.memref_slice %arg7[%dma_start3A_1026, %dma_start3A_1027, %dma_start3A_1028, %dma_start3A_1029] : memref<8x4x8x128xf32, #tpu.memory_space<vmem>> -> memref<1x4x8x128xf32, #tpu.memory_space<vmem>>
      %dma_start3A_1031 = tpu.memref_squeeze %dma_start3A_1030 : memref<1x4x8x128xf32, #tpu.memory_space<vmem>> -> memref<4x8x128xf32, #tpu.memory_space<vmem>>
      %dma_start3A_1032 = arith.constant 0 : i32
      %dma_start3A_1033 = arith.constant 0 : i32
      %dma_start3A_1034 = arith.constant 0 : i32
      %dma_start3A_1035 = tpu.memref_slice %arg4[%add3A_1024, %dma_start3A_1032, %add3A_1025, %dma_start3A_1033, %dma_start3A_1034] : memref<200x4x128x8x128xf32, #tpu.memory_space<hbm>> -> memref<1x4x1x8x128xf32, #tpu.memory_space<hbm>>
      %dma_start3A_1036 = tpu.memref_squeeze %dma_start3A_1035 : memref<1x4x1x8x128xf32, #tpu.memory_space<hbm>> -> memref<4x8x128xf32, #tpu.memory_space<hbm>>
      %dma_start3A_1037 = arith.constant 0 : i32
      %dma_start3A_1038 = arith.constant 0 : i32
      %dma_start3A_1039 = arith.constant 0 : i32
      %dma_start3A_1040 = tpu.memref_slice %arg4[%add3A_1024, %dma_start3A_1037, %add3A_1025, %dma_start3A_1038, %dma_start3A_1039] : memref<200x4x128x8x128xf32, #tpu.memory_space<hbm>> -> memref<1x4x1x8x128xf32, #tpu.memory_space<hbm>>
      %dma_start3A_1041 = tpu.memref_squeeze %dma_start3A_1040 : memref<1x4x1x8x128xf32, #tpu.memory_space<hbm>> -> memref<4x8x128xf32, #tpu.memory_space<hbm>>
      %dma_start3A_1042 = arith.constant 0 : i32
      %dma_start3A_1043 = arith.constant 0 : i32
      %dma_start3A_1044 = arith.constant 0 : i32
      %dma_start3A_1045 = tpu.memref_slice %arg7[%dma_start3A_1026, %dma_start3A_1042, %dma_start3A_1043, %dma_start3A_1044] : memref<8x4x8x128xf32, #tpu.memory_space<vmem>> -> memref<1x4x8x128xf32, #tpu.memory_space<vmem>>
      %dma_start3A_1046 = tpu.memref_squeeze %dma_start3A_1045 : memref<1x4x8x128xf32, #tpu.memory_space<vmem>> -> memref<4x8x128xf32, #tpu.memory_space<vmem>>
      tpu.enqueue_dma source(%dma_start3A_1046 : memref<4x8x128xf32, #tpu.memory_space<vmem>>) target(%dma_start3A_1041 : memref<4x8x128xf32, #tpu.memory_space<hbm>>) target_semaphore(%arg9 : memref<!tpu.dma_semaphore, #tpu.memory_space<semaphore_mem>>)
      %mul3A_1047 = arith.constant 8 : i32
      %mul3A_1048 = arith.muli %mul3A_1047, %shift_right_arithmetic3A_1009 : i32
      %add3A_1049 = arith.constant 1 : i32
      %add3A_1050 = arith.addi %mul3A_1048, %add3A_1049 : i32
      %add3A_1051 = arith.addi %mul3A_2, %and3A_1011 : i32
      %dma_start3A_1052 = arith.constant 1 : i32
      %dma_start3A_1053 = arith.constant 0 : i32
      %dma_start3A_1054 = arith.constant 0 : i32
      %dma_start3A_1055 = arith.constant 0 : i32
      %dma_start3A_1056 = tpu.memref_slice %arg7[%dma_start3A_1052, %dma_start3A_1053, %dma_start3A_1054, %dma_start3A_1055] : memref<8x4x8x128xf32, #tpu.memory_space<vmem>> -> memref<1x4x8x128xf32, #tpu.memory_space<vmem>>
      %dma_start3A_1057 = tpu.memref_squeeze %dma_start3A_1056 : memref<1x4x8x128xf32, #tpu.memory_space<vmem>> -> memref<4x8x128xf32, #tpu.memory_space<vmem>>
      %dma_start3A_1058 = arith.constant 0 : i32
      %dma_start3A_1059 = arith.constant 0 : i32
      %dma_start3A_1060 = arith.constant 0 : i32
      %dma_start3A_1061 = tpu.memref_slice %arg4[%add3A_1050, %dma_start3A_1058, %add3A_1051, %dma_start3A_1059, %dma_start3A_1060] : memref<200x4x128x8x128xf32, #tpu.memory_space<hbm>> -> memref<1x4x1x8x128xf32, #tpu.memory_space<hbm>>
      %dma_start3A_1062 = tpu.memref_squeeze %dma_start3A_1061 : memref<1x4x1x8x128xf32, #tpu.memory_space<hbm>> -> memref<4x8x128xf32, #tpu.memory_space<hbm>>
      %dma_start3A_1063 = arith.constant 0 : i32
      %dma_start3A_1064 = arith.constant 0 : i32
      %dma_start3A_1065 = arith.constant 0 : i32
      %dma_start3A_1066 = tpu.memref_slice %arg4[%add3A_1050, %dma_start3A_1063, %add3A_1051, %dma_start3A_1064, %dma_start3A_1065] : memref<200x4x128x8x128xf32, #tpu.memory_space<hbm>> -> memref<1x4x1x8x128xf32, #tpu.memory_space<hbm>>
      %dma_start3A_1067 = tpu.memref_squeeze %dma_start3A_1066 : memref<1x4x1x8x128xf32, #tpu.memory_space<hbm>> -> memref<4x8x128xf32, #tpu.memory_space<hbm>>
      %dma_start3A_1068 = arith.constant 0 : i32
      %dma_start3A_1069 = arith.constant 0 : i32
      %dma_start3A_1070 = arith.constant 0 : i32
      %dma_start3A_1071 = tpu.memref_slice %arg7[%dma_start3A_1052, %dma_start3A_1068, %dma_start3A_1069, %dma_start3A_1070] : memref<8x4x8x128xf32, #tpu.memory_space<vmem>> -> memref<1x4x8x128xf32, #tpu.memory_space<vmem>>
      %dma_start3A_1072 = tpu.memref_squeeze %dma_start3A_1071 : memref<1x4x8x128xf32, #tpu.memory_space<vmem>> -> memref<4x8x128xf32, #tpu.memory_space<vmem>>
      tpu.enqueue_dma source(%dma_start3A_1072 : memref<4x8x128xf32, #tpu.memory_space<vmem>>) target(%dma_start3A_1067 : memref<4x8x128xf32, #tpu.memory_space<hbm>>) target_semaphore(%arg9 : memref<!tpu.dma_semaphore, #tpu.memory_space<semaphore_mem>>)
      %mul3A_1073 = arith.constant 8 : i32
      %mul3A_1074 = arith.muli %mul3A_1073, %shift_right_arithmetic3A_1009 : i32
      %add3A_1075 = arith.constant 2 : i32
      %add3A_1076 = arith.addi %mul3A_1074, %add3A_1075 : i32
      %add3A_1077 = arith.addi %mul3A_2, %and3A_1011 : i32
      %dma_start3A_1078 = arith.constant 2 : i32
      %dma_start3A_1079 = arith.constant 0 : i32
      %dma_start3A_1080 = arith.constant 0 : i32
      %dma_start3A_1081 = arith.constant 0 : i32
      %dma_start3A_1082 = tpu.memref_slice %arg7[%dma_start3A_1078, %dma_start3A_1079, %dma_start3A_1080, %dma_start3A_1081] : memref<8x4x8x128xf32, #tpu.memory_space<vmem>> -> memref<1x4x8x128xf32, #tpu.memory_space<vmem>>
      %dma_start3A_1083 = tpu.memref_squeeze %dma_start3A_1082 : memref<1x4x8x128xf32, #tpu.memory_space<vmem>> -> memref<4x8x128xf32, #tpu.memory_space<vmem>>
      %dma_start3A_1084 = arith.constant 0 : i32
      %dma_start3A_1085 = arith.constant 0 : i32
      %dma_start3A_1086 = arith.constant 0 : i32
      %dma_start3A_1087 = tpu.memref_slice %arg4[%add3A_1076, %dma_start3A_1084, %add3A_1077, %dma_start3A_1085, %dma_start3A_1086] : memref<200x4x128x8x128xf32, #tpu.memory_space<hbm>> -> memref<1x4x1x8x128xf32, #tpu.memory_space<hbm>>
      %dma_start3A_1088 = tpu.memref_squeeze %dma_start3A_1087 : memref<1x4x1x8x128xf32, #tpu.memory_space<hbm>> -> memref<4x8x128xf32, #tpu.memory_space<hbm>>
      %dma_start3A_1089 = arith.constant 0 : i32
      %dma_start3A_1090 = arith.constant 0 : i32
      %dma_start3A_1091 = arith.constant 0 : i32
      %dma_start3A_1092 = tpu.memref_slice %arg4[%add3A_1076, %dma_start3A_1089, %add3A_1077, %dma_start3A_1090, %dma_start3A_1091] : memref<200x4x128x8x128xf32, #tpu.memory_space<hbm>> -> memref<1x4x1x8x128xf32, #tpu.memory_space<hbm>>
      %dma_start3A_1093 = tpu.memref_squeeze %dma_start3A_1092 : memref<1x4x1x8x128xf32, #tpu.memory_space<hbm>> -> memref<4x8x128xf32, #tpu.memory_space<hbm>>
      %dma_start3A_1094 = arith.constant 0 : i32
      %dma_start3A_1095 = arith.constant 0 : i32
      %dma_start3A_1096 = arith.constant 0 : i32
      %dma_start3A_1097 = tpu.memref_slice %arg7[%dma_start3A_1078, %dma_start3A_1094, %dma_start3A_1095, %dma_start3A_1096] : memref<8x4x8x128xf32, #tpu.memory_space<vmem>> -> memref<1x4x8x128xf32, #tpu.memory_space<vmem>>
      %dma_start3A_1098 = tpu.memref_squeeze %dma_start3A_1097 : memref<1x4x8x128xf32, #tpu.memory_space<vmem>> -> memref<4x8x128xf32, #tpu.memory_space<vmem>>
      tpu.enqueue_dma source(%dma_start3A_1098 : memref<4x8x128xf32, #tpu.memory_space<vmem>>) target(%dma_start3A_1093 : memref<4x8x128xf32, #tpu.memory_space<hbm>>) target_semaphore(%arg9 : memref<!tpu.dma_semaphore, #tpu.memory_space<semaphore_mem>>)
      %mul3A_1099 = arith.constant 8 : i32
      %mul3A_1100 = arith.muli %mul3A_1099, %shift_right_arithmetic3A_1009 : i32
      %add3A_1101 = arith.constant 3 : i32
      %add3A_1102 = arith.addi %mul3A_1100, %add3A_1101 : i32
      %add3A_1103 = arith.addi %mul3A_2, %and3A_1011 : i32
      %dma_start3A_1104 = arith.constant 3 : i32
      %dma_start3A_1105 = arith.constant 0 : i32
      %dma_start3A_1106 = arith.constant 0 : i32
      %dma_start3A_1107 = arith.constant 0 : i32
      %dma_start3A_1108 = tpu.memref_slice %arg7[%dma_start3A_1104, %dma_start3A_1105, %dma_start3A_1106, %dma_start3A_1107] : memref<8x4x8x128xf32, #tpu.memory_space<vmem>> -> memref<1x4x8x128xf32, #tpu.memory_space<vmem>>
      %dma_start3A_1109 = tpu.memref_squeeze %dma_start3A_1108 : memref<1x4x8x128xf32, #tpu.memory_space<vmem>> -> memref<4x8x128xf32, #tpu.memory_space<vmem>>
      %dma_start3A_1110 = arith.constant 0 : i32
      %dma_start3A_1111 = arith.constant 0 : i32
      %dma_start3A_1112 = arith.constant 0 : i32
      %dma_start3A_1113 = tpu.memref_slice %arg4[%add3A_1102, %dma_start3A_1110, %add3A_1103, %dma_start3A_1111, %dma_start3A_1112] : memref<200x4x128x8x128xf32, #tpu.memory_space<hbm>> -> memref<1x4x1x8x128xf32, #tpu.memory_space<hbm>>
      %dma_start3A_1114 = tpu.memref_squeeze %dma_start3A_1113 : memref<1x4x1x8x128xf32, #tpu.memory_space<hbm>> -> memref<4x8x128xf32, #tpu.memory_space<hbm>>
      %dma_start3A_1115 = arith.constant 0 : i32
      %dma_start3A_1116 = arith.constant 0 : i32
      %dma_start3A_1117 = arith.constant 0 : i32
      %dma_start3A_1118 = tpu.memref_slice %arg4[%add3A_1102, %dma_start3A_1115, %add3A_1103, %dma_start3A_1116, %dma_start3A_1117] : memref<200x4x128x8x128xf32, #tpu.memory_space<hbm>> -> memref<1x4x1x8x128xf32, #tpu.memory_space<hbm>>
      %dma_start3A_1119 = tpu.memref_squeeze %dma_start3A_1118 : memref<1x4x1x8x128xf32, #tpu.memory_space<hbm>> -> memref<4x8x128xf32, #tpu.memory_space<hbm>>
      %dma_start3A_1120 = arith.constant 0 : i32
      %dma_start3A_1121 = arith.constant 0 : i32
      %dma_start3A_1122 = arith.constant 0 : i32
      %dma_start3A_1123 = tpu.memref_slice %arg7[%dma_start3A_1104, %dma_start3A_1120, %dma_start3A_1121, %dma_start3A_1122] : memref<8x4x8x128xf32, #tpu.memory_space<vmem>> -> memref<1x4x8x128xf32, #tpu.memory_space<vmem>>
      %dma_start3A_1124 = tpu.memref_squeeze %dma_start3A_1123 : memref<1x4x8x128xf32, #tpu.memory_space<vmem>> -> memref<4x8x128xf32, #tpu.memory_space<vmem>>
      tpu.enqueue_dma source(%dma_start3A_1124 : memref<4x8x128xf32, #tpu.memory_space<vmem>>) target(%dma_start3A_1119 : memref<4x8x128xf32, #tpu.memory_space<hbm>>) target_semaphore(%arg9 : memref<!tpu.dma_semaphore, #tpu.memory_space<semaphore_mem>>)
      %mul3A_1125 = arith.constant 8 : i32
      %mul3A_1126 = arith.muli %mul3A_1125, %shift_right_arithmetic3A_1009 : i32
      %add3A_1127 = arith.constant 4 : i32
      %add3A_1128 = arith.addi %mul3A_1126, %add3A_1127 : i32
      %add3A_1129 = arith.addi %mul3A_2, %and3A_1011 : i32
      %dma_start3A_1130 = arith.constant 4 : i32
      %dma_start3A_1131 = arith.constant 0 : i32
      %dma_start3A_1132 = arith.constant 0 : i32
      %dma_start3A_1133 = arith.constant 0 : i32
      %dma_start3A_1134 = tpu.memref_slice %arg7[%dma_start3A_1130, %dma_start3A_1131, %dma_start3A_1132, %dma_start3A_1133] : memref<8x4x8x128xf32, #tpu.memory_space<vmem>> -> memref<1x4x8x128xf32, #tpu.memory_space<vmem>>
      %dma_start3A_1135 = tpu.memref_squeeze %dma_start3A_1134 : memref<1x4x8x128xf32, #tpu.memory_space<vmem>> -> memref<4x8x128xf32, #tpu.memory_space<vmem>>
      %dma_start3A_1136 = arith.constant 0 : i32
      %dma_start3A_1137 = arith.constant 0 : i32
      %dma_start3A_1138 = arith.constant 0 : i32
      %dma_start3A_1139 = tpu.memref_slice %arg4[%add3A_1128, %dma_start3A_1136, %add3A_1129, %dma_start3A_1137, %dma_start3A_1138] : memref<200x4x128x8x128xf32, #tpu.memory_space<hbm>> -> memref<1x4x1x8x128xf32, #tpu.memory_space<hbm>>
      %dma_start3A_1140 = tpu.memref_squeeze %dma_start3A_1139 : memref<1x4x1x8x128xf32, #tpu.memory_space<hbm>> -> memref<4x8x128xf32, #tpu.memory_space<hbm>>
      %dma_start3A_1141 = arith.constant 0 : i32
      %dma_start3A_1142 = arith.constant 0 : i32
      %dma_start3A_1143 = arith.constant 0 : i32
      %dma_start3A_1144 = tpu.memref_slice %arg4[%add3A_1128, %dma_start3A_1141, %add3A_1129, %dma_start3A_1142, %dma_start3A_1143] : memref<200x4x128x8x128xf32, #tpu.memory_space<hbm>> -> memref<1x4x1x8x128xf32, #tpu.memory_space<hbm>>
      %dma_start3A_1145 = tpu.memref_squeeze %dma_start3A_1144 : memref<1x4x1x8x128xf32, #tpu.memory_space<hbm>> -> memref<4x8x128xf32, #tpu.memory_space<hbm>>
      %dma_start3A_1146 = arith.constant 0 : i32
      %dma_start3A_1147 = arith.constant 0 : i32
      %dma_start3A_1148 = arith.constant 0 : i32
      %dma_start3A_1149 = tpu.memref_slice %arg7[%dma_start3A_1130, %dma_start3A_1146, %dma_start3A_1147, %dma_start3A_1148] : memref<8x4x8x128xf32, #tpu.memory_space<vmem>> -> memref<1x4x8x128xf32, #tpu.memory_space<vmem>>
      %dma_start3A_1150 = tpu.memref_squeeze %dma_start3A_1149 : memref<1x4x8x128xf32, #tpu.memory_space<vmem>> -> memref<4x8x128xf32, #tpu.memory_space<vmem>>
      tpu.enqueue_dma source(%dma_start3A_1150 : memref<4x8x128xf32, #tpu.memory_space<vmem>>) target(%dma_start3A_1145 : memref<4x8x128xf32, #tpu.memory_space<hbm>>) target_semaphore(%arg9 : memref<!tpu.dma_semaphore, #tpu.memory_space<semaphore_mem>>)
      %mul3A_1151 = arith.constant 8 : i32
      %mul3A_1152 = arith.muli %mul3A_1151, %shift_right_arithmetic3A_1009 : i32
      %add3A_1153 = arith.constant 5 : i32
      %add3A_1154 = arith.addi %mul3A_1152, %add3A_1153 : i32
      %add3A_1155 = arith.addi %mul3A_2, %and3A_1011 : i32
      %dma_start3A_1156 = arith.constant 5 : i32
      %dma_start3A_1157 = arith.constant 0 : i32
      %dma_start3A_1158 = arith.constant 0 : i32
      %dma_start3A_1159 = arith.constant 0 : i32
      %dma_start3A_1160 = tpu.memref_slice %arg7[%dma_start3A_1156, %dma_start3A_1157, %dma_start3A_1158, %dma_start3A_1159] : memref<8x4x8x128xf32, #tpu.memory_space<vmem>> -> memref<1x4x8x128xf32, #tpu.memory_space<vmem>>
      %dma_start3A_1161 = tpu.memref_squeeze %dma_start3A_1160 : memref<1x4x8x128xf32, #tpu.memory_space<vmem>> -> memref<4x8x128xf32, #tpu.memory_space<vmem>>
      %dma_start3A_1162 = arith.constant 0 : i32
      %dma_start3A_1163 = arith.constant 0 : i32
      %dma_start3A_1164 = arith.constant 0 : i32
      %dma_start3A_1165 = tpu.memref_slice %arg4[%add3A_1154, %dma_start3A_1162, %add3A_1155, %dma_start3A_1163, %dma_start3A_1164] : memref<200x4x128x8x128xf32, #tpu.memory_space<hbm>> -> memref<1x4x1x8x128xf32, #tpu.memory_space<hbm>>
      %dma_start3A_1166 = tpu.memref_squeeze %dma_start3A_1165 : memref<1x4x1x8x128xf32, #tpu.memory_space<hbm>> -> memref<4x8x128xf32, #tpu.memory_space<hbm>>
      %dma_start3A_1167 = arith.constant 0 : i32
      %dma_start3A_1168 = arith.constant 0 : i32
      %dma_start3A_1169 = arith.constant 0 : i32
      %dma_start3A_1170 = tpu.memref_slice %arg4[%add3A_1154, %dma_start3A_1167, %add3A_1155, %dma_start3A_1168, %dma_start3A_1169] : memref<200x4x128x8x128xf32, #tpu.memory_space<hbm>> -> memref<1x4x1x8x128xf32, #tpu.memory_space<hbm>>
      %dma_start3A_1171 = tpu.memref_squeeze %dma_start3A_1170 : memref<1x4x1x8x128xf32, #tpu.memory_space<hbm>> -> memref<4x8x128xf32, #tpu.memory_space<hbm>>
      %dma_start3A_1172 = arith.constant 0 : i32
      %dma_start3A_1173 = arith.constant 0 : i32
      %dma_start3A_1174 = arith.constant 0 : i32
      %dma_start3A_1175 = tpu.memref_slice %arg7[%dma_start3A_1156, %dma_start3A_1172, %dma_start3A_1173, %dma_start3A_1174] : memref<8x4x8x128xf32, #tpu.memory_space<vmem>> -> memref<1x4x8x128xf32, #tpu.memory_space<vmem>>
      %dma_start3A_1176 = tpu.memref_squeeze %dma_start3A_1175 : memref<1x4x8x128xf32, #tpu.memory_space<vmem>> -> memref<4x8x128xf32, #tpu.memory_space<vmem>>
      tpu.enqueue_dma source(%dma_start3A_1176 : memref<4x8x128xf32, #tpu.memory_space<vmem>>) target(%dma_start3A_1171 : memref<4x8x128xf32, #tpu.memory_space<hbm>>) target_semaphore(%arg9 : memref<!tpu.dma_semaphore, #tpu.memory_space<semaphore_mem>>)
      %mul3A_1177 = arith.constant 8 : i32
      %mul3A_1178 = arith.muli %mul3A_1177, %shift_right_arithmetic3A_1009 : i32
      %add3A_1179 = arith.constant 6 : i32
      %add3A_1180 = arith.addi %mul3A_1178, %add3A_1179 : i32
      %add3A_1181 = arith.addi %mul3A_2, %and3A_1011 : i32
      %dma_start3A_1182 = arith.constant 6 : i32
      %dma_start3A_1183 = arith.constant 0 : i32
      %dma_start3A_1184 = arith.constant 0 : i32
      %dma_start3A_1185 = arith.constant 0 : i32
      %dma_start3A_1186 = tpu.memref_slice %arg7[%dma_start3A_1182, %dma_start3A_1183, %dma_start3A_1184, %dma_start3A_1185] : memref<8x4x8x128xf32, #tpu.memory_space<vmem>> -> memref<1x4x8x128xf32, #tpu.memory_space<vmem>>
      %dma_start3A_1187 = tpu.memref_squeeze %dma_start3A_1186 : memref<1x4x8x128xf32, #tpu.memory_space<vmem>> -> memref<4x8x128xf32, #tpu.memory_space<vmem>>
      %dma_start3A_1188 = arith.constant 0 : i32
      %dma_start3A_1189 = arith.constant 0 : i32
      %dma_start3A_1190 = arith.constant 0 : i32
      %dma_start3A_1191 = tpu.memref_slice %arg4[%add3A_1180, %dma_start3A_1188, %add3A_1181, %dma_start3A_1189, %dma_start3A_1190] : memref<200x4x128x8x128xf32, #tpu.memory_space<hbm>> -> memref<1x4x1x8x128xf32, #tpu.memory_space<hbm>>
      %dma_start3A_1192 = tpu.memref_squeeze %dma_start3A_1191 : memref<1x4x1x8x128xf32, #tpu.memory_space<hbm>> -> memref<4x8x128xf32, #tpu.memory_space<hbm>>
      %dma_start3A_1193 = arith.constant 0 : i32
      %dma_start3A_1194 = arith.constant 0 : i32
      %dma_start3A_1195 = arith.constant 0 : i32
      %dma_start3A_1196 = tpu.memref_slice %arg4[%add3A_1180, %dma_start3A_1193, %add3A_1181, %dma_start3A_1194, %dma_start3A_1195] : memref<200x4x128x8x128xf32, #tpu.memory_space<hbm>> -> memref<1x4x1x8x128xf32, #tpu.memory_space<hbm>>
      %dma_start3A_1197 = tpu.memref_squeeze %dma_start3A_1196 : memref<1x4x1x8x128xf32, #tpu.memory_space<hbm>> -> memref<4x8x128xf32, #tpu.memory_space<hbm>>
      %dma_start3A_1198 = arith.constant 0 : i32
      %dma_start3A_1199 = arith.constant 0 : i32
      %dma_start3A_1200 = arith.constant 0 : i32
      %dma_start3A_1201 = tpu.memref_slice %arg7[%dma_start3A_1182, %dma_start3A_1198, %dma_start3A_1199, %dma_start3A_1200] : memref<8x4x8x128xf32, #tpu.memory_space<vmem>> -> memref<1x4x8x128xf32, #tpu.memory_space<vmem>>
      %dma_start3A_1202 = tpu.memref_squeeze %dma_start3A_1201 : memref<1x4x8x128xf32, #tpu.memory_space<vmem>> -> memref<4x8x128xf32, #tpu.memory_space<vmem>>
      tpu.enqueue_dma source(%dma_start3A_1202 : memref<4x8x128xf32, #tpu.memory_space<vmem>>) target(%dma_start3A_1197 : memref<4x8x128xf32, #tpu.memory_space<hbm>>) target_semaphore(%arg9 : memref<!tpu.dma_semaphore, #tpu.memory_space<semaphore_mem>>)
      %mul3A_1203 = arith.constant 8 : i32
      %mul3A_1204 = arith.muli %mul3A_1203, %shift_right_arithmetic3A_1009 : i32
      %add3A_1205 = arith.constant 7 : i32
      %add3A_1206 = arith.addi %mul3A_1204, %add3A_1205 : i32
      %add3A_1207 = arith.addi %mul3A_2, %and3A_1011 : i32
      %dma_start3A_1208 = arith.constant 7 : i32
      %dma_start3A_1209 = arith.constant 0 : i32
      %dma_start3A_1210 = arith.constant 0 : i32
      %dma_start3A_1211 = arith.constant 0 : i32
      %dma_start3A_1212 = tpu.memref_slice %arg7[%dma_start3A_1208, %dma_start3A_1209, %dma_start3A_1210, %dma_start3A_1211] : memref<8x4x8x128xf32, #tpu.memory_space<vmem>> -> memref<1x4x8x128xf32, #tpu.memory_space<vmem>>
      %dma_start3A_1213 = tpu.memref_squeeze %dma_start3A_1212 : memref<1x4x8x128xf32, #tpu.memory_space<vmem>> -> memref<4x8x128xf32, #tpu.memory_space<vmem>>
      %dma_start3A_1214 = arith.constant 0 : i32
      %dma_start3A_1215 = arith.constant 0 : i32
      %dma_start3A_1216 = arith.constant 0 : i32
      %dma_start3A_1217 = tpu.memref_slice %arg4[%add3A_1206, %dma_start3A_1214, %add3A_1207, %dma_start3A_1215, %dma_start3A_1216] : memref<200x4x128x8x128xf32, #tpu.memory_space<hbm>> -> memref<1x4x1x8x128xf32, #tpu.memory_space<hbm>>
      %dma_start3A_1218 = tpu.memref_squeeze %dma_start3A_1217 : memref<1x4x1x8x128xf32, #tpu.memory_space<hbm>> -> memref<4x8x128xf32, #tpu.memory_space<hbm>>
      %dma_start3A_1219 = arith.constant 0 : i32
      %dma_start3A_1220 = arith.constant 0 : i32
      %dma_start3A_1221 = arith.constant 0 : i32
      %dma_start3A_1222 = tpu.memref_slice %arg4[%add3A_1206, %dma_start3A_1219, %add3A_1207, %dma_start3A_1220, %dma_start3A_1221] : memref<200x4x128x8x128xf32, #tpu.memory_space<hbm>> -> memref<1x4x1x8x128xf32, #tpu.memory_space<hbm>>
      %dma_start3A_1223 = tpu.memref_squeeze %dma_start3A_1222 : memref<1x4x1x8x128xf32, #tpu.memory_space<hbm>> -> memref<4x8x128xf32, #tpu.memory_space<hbm>>
      %dma_start3A_1224 = arith.constant 0 : i32
      %dma_start3A_1225 = arith.constant 0 : i32
      %dma_start3A_1226 = arith.constant 0 : i32
      %dma_start3A_1227 = tpu.memref_slice %arg7[%dma_start3A_1208, %dma_start3A_1224, %dma_start3A_1225, %dma_start3A_1226] : memref<8x4x8x128xf32, #tpu.memory_space<vmem>> -> memref<1x4x8x128xf32, #tpu.memory_space<vmem>>
      %dma_start3A_1228 = tpu.memref_squeeze %dma_start3A_1227 : memref<1x4x8x128xf32, #tpu.memory_space<vmem>> -> memref<4x8x128xf32, #tpu.memory_space<vmem>>
      tpu.enqueue_dma source(%dma_start3A_1228 : memref<4x8x128xf32, #tpu.memory_space<vmem>>) target(%dma_start3A_1223 : memref<4x8x128xf32, #tpu.memory_space<hbm>>) target_semaphore(%arg9 : memref<!tpu.dma_semaphore, #tpu.memory_space<semaphore_mem>>)
    }
    %scan3A_123 = arith.constant 99 : i32
    %dma_wait3A = arith.constant 0 : i32
    %dma_wait3A_124 = arith.constant 0 : i32
    %dma_wait3A_125 = arith.constant 0 : i32
    %dma_wait3A_126 = arith.constant 0 : i32
    %dma_wait3A_127 = arith.constant 0 : i32
    %dma_wait3A_128 = arith.constant 0 : i32
    %dma_wait3A_129 = tpu.memref_slice %arg7[%dma_wait3A, %dma_wait3A_126, %dma_wait3A_127, %dma_wait3A_128] : memref<8x4x8x128xf32, #tpu.memory_space<vmem>> -> memref<1x4x8x128xf32, #tpu.memory_space<vmem>>
    %dma_wait3A_130 = tpu.memref_squeeze %dma_wait3A_129 : memref<1x4x8x128xf32, #tpu.memory_space<vmem>> -> memref<4x8x128xf32, #tpu.memory_space<vmem>>
    %dma_wait3A_131 = arith.constant 0 : i32
    %dma_wait3A_132 = arith.constant 0 : i32
    %dma_wait3A_133 = arith.constant 0 : i32
    %dma_wait3A_134 = tpu.memref_slice %arg4[%dma_wait3A_124, %dma_wait3A_131, %dma_wait3A_125, %dma_wait3A_132, %dma_wait3A_133] : memref<200x4x128x8x128xf32, #tpu.memory_space<hbm>> -> memref<1x4x1x8x128xf32, #tpu.memory_space<hbm>>
    %dma_wait3A_135 = tpu.memref_squeeze %dma_wait3A_134 : memref<1x4x1x8x128xf32, #tpu.memory_space<hbm>> -> memref<4x8x128xf32, #tpu.memory_space<hbm>>
    %dma_wait3A_136 = arith.constant 0 : i32
    %dma_wait3A_137 = arith.constant 0 : i32
    %dma_wait3A_138 = arith.constant 0 : i32
    %dma_wait3A_139 = tpu.memref_slice %arg4[%dma_wait3A_124, %dma_wait3A_136, %dma_wait3A_125, %dma_wait3A_137, %dma_wait3A_138] : memref<200x4x128x8x128xf32, #tpu.memory_space<hbm>> -> memref<1x4x1x8x128xf32, #tpu.memory_space<hbm>>
    %dma_wait3A_140 = tpu.memref_squeeze %dma_wait3A_139 : memref<1x4x1x8x128xf32, #tpu.memory_space<hbm>> -> memref<4x8x128xf32, #tpu.memory_space<hbm>>
    %dma_wait3A_141 = arith.constant 0 : i32
    %dma_wait3A_142 = arith.constant 0 : i32
    %dma_wait3A_143 = arith.constant 0 : i32
    %dma_wait3A_144 = tpu.memref_slice %arg7[%dma_wait3A, %dma_wait3A_141, %dma_wait3A_142, %dma_wait3A_143] : memref<8x4x8x128xf32, #tpu.memory_space<vmem>> -> memref<1x4x8x128xf32, #tpu.memory_space<vmem>>
    %dma_wait3A_145 = tpu.memref_squeeze %dma_wait3A_144 : memref<1x4x8x128xf32, #tpu.memory_space<vmem>> -> memref<4x8x128xf32, #tpu.memory_space<vmem>>
    tpu.wait_dma2 semaphore(%arg9 : memref<!tpu.dma_semaphore, #tpu.memory_space<semaphore_mem>>) src(%dma_wait3A_145 : memref<4x8x128xf32, #tpu.memory_space<vmem>>) dst(%dma_wait3A_140 : memref<4x8x128xf32, #tpu.memory_space<hbm>>)
    %dma_wait3A_146 = arith.constant 1 : i32
    %dma_wait3A_147 = arith.constant 0 : i32
    %dma_wait3A_148 = arith.constant 0 : i32
    %dma_wait3A_149 = arith.constant 0 : i32
    %dma_wait3A_150 = arith.constant 0 : i32
    %dma_wait3A_151 = arith.constant 0 : i32
    %dma_wait3A_152 = tpu.memref_slice %arg7[%dma_wait3A_146, %dma_wait3A_149, %dma_wait3A_150, %dma_wait3A_151] : memref<8x4x8x128xf32, #tpu.memory_space<vmem>> -> memref<1x4x8x128xf32, #tpu.memory_space<vmem>>
    %dma_wait3A_153 = tpu.memref_squeeze %dma_wait3A_152 : memref<1x4x8x128xf32, #tpu.memory_space<vmem>> -> memref<4x8x128xf32, #tpu.memory_space<vmem>>
    %dma_wait3A_154 = arith.constant 0 : i32
    %dma_wait3A_155 = arith.constant 0 : i32
    %dma_wait3A_156 = arith.constant 0 : i32
    %dma_wait3A_157 = tpu.memref_slice %arg4[%dma_wait3A_147, %dma_wait3A_154, %dma_wait3A_148, %dma_wait3A_155, %dma_wait3A_156] : memref<200x4x128x8x128xf32, #tpu.memory_space<hbm>> -> memref<1x4x1x8x128xf32, #tpu.memory_space<hbm>>
    %dma_wait3A_158 = tpu.memref_squeeze %dma_wait3A_157 : memref<1x4x1x8x128xf32, #tpu.memory_space<hbm>> -> memref<4x8x128xf32, #tpu.memory_space<hbm>>
    %dma_wait3A_159 = arith.constant 0 : i32
    %dma_wait3A_160 = arith.constant 0 : i32
    %dma_wait3A_161 = arith.constant 0 : i32
    %dma_wait3A_162 = tpu.memref_slice %arg4[%dma_wait3A_147, %dma_wait3A_159, %dma_wait3A_148, %dma_wait3A_160, %dma_wait3A_161] : memref<200x4x128x8x128xf32, #tpu.memory_space<hbm>> -> memref<1x4x1x8x128xf32, #tpu.memory_space<hbm>>
    %dma_wait3A_163 = tpu.memref_squeeze %dma_wait3A_162 : memref<1x4x1x8x128xf32, #tpu.memory_space<hbm>> -> memref<4x8x128xf32, #tpu.memory_space<hbm>>
    %dma_wait3A_164 = arith.constant 0 : i32
    %dma_wait3A_165 = arith.constant 0 : i32
    %dma_wait3A_166 = arith.constant 0 : i32
    %dma_wait3A_167 = tpu.memref_slice %arg7[%dma_wait3A_146, %dma_wait3A_164, %dma_wait3A_165, %dma_wait3A_166] : memref<8x4x8x128xf32, #tpu.memory_space<vmem>> -> memref<1x4x8x128xf32, #tpu.memory_space<vmem>>
    %dma_wait3A_168 = tpu.memref_squeeze %dma_wait3A_167 : memref<1x4x8x128xf32, #tpu.memory_space<vmem>> -> memref<4x8x128xf32, #tpu.memory_space<vmem>>
    tpu.wait_dma2 semaphore(%arg9 : memref<!tpu.dma_semaphore, #tpu.memory_space<semaphore_mem>>) src(%dma_wait3A_168 : memref<4x8x128xf32, #tpu.memory_space<vmem>>) dst(%dma_wait3A_163 : memref<4x8x128xf32, #tpu.memory_space<hbm>>)
    %dma_wait3A_169 = arith.constant 2 : i32
    %dma_wait3A_170 = arith.constant 0 : i32
    %dma_wait3A_171 = arith.constant 0 : i32
    %dma_wait3A_172 = arith.constant 0 : i32
    %dma_wait3A_173 = arith.constant 0 : i32
    %dma_wait3A_174 = arith.constant 0 : i32
    %dma_wait3A_175 = tpu.memref_slice %arg7[%dma_wait3A_169, %dma_wait3A_172, %dma_wait3A_173, %dma_wait3A_174] : memref<8x4x8x128xf32, #tpu.memory_space<vmem>> -> memref<1x4x8x128xf32, #tpu.memory_space<vmem>>
    %dma_wait3A_176 = tpu.memref_squeeze %dma_wait3A_175 : memref<1x4x8x128xf32, #tpu.memory_space<vmem>> -> memref<4x8x128xf32, #tpu.memory_space<vmem>>
    %dma_wait3A_177 = arith.constant 0 : i32
    %dma_wait3A_178 = arith.constant 0 : i32
    %dma_wait3A_179 = arith.constant 0 : i32
    %dma_wait3A_180 = tpu.memref_slice %arg4[%dma_wait3A_170, %dma_wait3A_177, %dma_wait3A_171, %dma_wait3A_178, %dma_wait3A_179] : memref<200x4x128x8x128xf32, #tpu.memory_space<hbm>> -> memref<1x4x1x8x128xf32, #tpu.memory_space<hbm>>
    %dma_wait3A_181 = tpu.memref_squeeze %dma_wait3A_180 : memref<1x4x1x8x128xf32, #tpu.memory_space<hbm>> -> memref<4x8x128xf32, #tpu.memory_space<hbm>>
    %dma_wait3A_182 = arith.constant 0 : i32
    %dma_wait3A_183 = arith.constant 0 : i32
    %dma_wait3A_184 = arith.constant 0 : i32
    %dma_wait3A_185 = tpu.memref_slice %arg4[%dma_wait3A_170, %dma_wait3A_182, %dma_wait3A_171, %dma_wait3A_183, %dma_wait3A_184] : memref<200x4x128x8x128xf32, #tpu.memory_space<hbm>> -> memref<1x4x1x8x128xf32, #tpu.memory_space<hbm>>
    %dma_wait3A_186 = tpu.memref_squeeze %dma_wait3A_185 : memref<1x4x1x8x128xf32, #tpu.memory_space<hbm>> -> memref<4x8x128xf32, #tpu.memory_space<hbm>>
    %dma_wait3A_187 = arith.constant 0 : i32
    %dma_wait3A_188 = arith.constant 0 : i32
    %dma_wait3A_189 = arith.constant 0 : i32
    %dma_wait3A_190 = tpu.memref_slice %arg7[%dma_wait3A_169, %dma_wait3A_187, %dma_wait3A_188, %dma_wait3A_189] : memref<8x4x8x128xf32, #tpu.memory_space<vmem>> -> memref<1x4x8x128xf32, #tpu.memory_space<vmem>>
    %dma_wait3A_191 = tpu.memref_squeeze %dma_wait3A_190 : memref<1x4x8x128xf32, #tpu.memory_space<vmem>> -> memref<4x8x128xf32, #tpu.memory_space<vmem>>
    tpu.wait_dma2 semaphore(%arg9 : memref<!tpu.dma_semaphore, #tpu.memory_space<semaphore_mem>>) src(%dma_wait3A_191 : memref<4x8x128xf32, #tpu.memory_space<vmem>>) dst(%dma_wait3A_186 : memref<4x8x128xf32, #tpu.memory_space<hbm>>)
    %dma_wait3A_192 = arith.constant 3 : i32
    %dma_wait3A_193 = arith.constant 0 : i32
    %dma_wait3A_194 = arith.constant 0 : i32
    %dma_wait3A_195 = arith.constant 0 : i32
    %dma_wait3A_196 = arith.constant 0 : i32
    %dma_wait3A_197 = arith.constant 0 : i32
    %dma_wait3A_198 = tpu.memref_slice %arg7[%dma_wait3A_192, %dma_wait3A_195, %dma_wait3A_196, %dma_wait3A_197] : memref<8x4x8x128xf32, #tpu.memory_space<vmem>> -> memref<1x4x8x128xf32, #tpu.memory_space<vmem>>
    %dma_wait3A_199 = tpu.memref_squeeze %dma_wait3A_198 : memref<1x4x8x128xf32, #tpu.memory_space<vmem>> -> memref<4x8x128xf32, #tpu.memory_space<vmem>>
    %dma_wait3A_200 = arith.constant 0 : i32
    %dma_wait3A_201 = arith.constant 0 : i32
    %dma_wait3A_202 = arith.constant 0 : i32
    %dma_wait3A_203 = tpu.memref_slice %arg4[%dma_wait3A_193, %dma_wait3A_200, %dma_wait3A_194, %dma_wait3A_201, %dma_wait3A_202] : memref<200x4x128x8x128xf32, #tpu.memory_space<hbm>> -> memref<1x4x1x8x128xf32, #tpu.memory_space<hbm>>
    %dma_wait3A_204 = tpu.memref_squeeze %dma_wait3A_203 : memref<1x4x1x8x128xf32, #tpu.memory_space<hbm>> -> memref<4x8x128xf32, #tpu.memory_space<hbm>>
    %dma_wait3A_205 = arith.constant 0 : i32
    %dma_wait3A_206 = arith.constant 0 : i32
    %dma_wait3A_207 = arith.constant 0 : i32
    %dma_wait3A_208 = tpu.memref_slice %arg4[%dma_wait3A_193, %dma_wait3A_205, %dma_wait3A_194, %dma_wait3A_206, %dma_wait3A_207] : memref<200x4x128x8x128xf32, #tpu.memory_space<hbm>> -> memref<1x4x1x8x128xf32, #tpu.memory_space<hbm>>
    %dma_wait3A_209 = tpu.memref_squeeze %dma_wait3A_208 : memref<1x4x1x8x128xf32, #tpu.memory_space<hbm>> -> memref<4x8x128xf32, #tpu.memory_space<hbm>>
    %dma_wait3A_210 = arith.constant 0 : i32
    %dma_wait3A_211 = arith.constant 0 : i32
    %dma_wait3A_212 = arith.constant 0 : i32
    %dma_wait3A_213 = tpu.memref_slice %arg7[%dma_wait3A_192, %dma_wait3A_210, %dma_wait3A_211, %dma_wait3A_212] : memref<8x4x8x128xf32, #tpu.memory_space<vmem>> -> memref<1x4x8x128xf32, #tpu.memory_space<vmem>>
    %dma_wait3A_214 = tpu.memref_squeeze %dma_wait3A_213 : memref<1x4x8x128xf32, #tpu.memory_space<vmem>> -> memref<4x8x128xf32, #tpu.memory_space<vmem>>
    tpu.wait_dma2 semaphore(%arg9 : memref<!tpu.dma_semaphore, #tpu.memory_space<semaphore_mem>>) src(%dma_wait3A_214 : memref<4x8x128xf32, #tpu.memory_space<vmem>>) dst(%dma_wait3A_209 : memref<4x8x128xf32, #tpu.memory_space<hbm>>)
    %dma_wait3A_215 = arith.constant 4 : i32
    %dma_wait3A_216 = arith.constant 0 : i32
    %dma_wait3A_217 = arith.constant 0 : i32
    %dma_wait3A_218 = arith.constant 0 : i32
    %dma_wait3A_219 = arith.constant 0 : i32
    %dma_wait3A_220 = arith.constant 0 : i32
    %dma_wait3A_221 = tpu.memref_slice %arg7[%dma_wait3A_215, %dma_wait3A_218, %dma_wait3A_219, %dma_wait3A_220] : memref<8x4x8x128xf32, #tpu.memory_space<vmem>> -> memref<1x4x8x128xf32, #tpu.memory_space<vmem>>
    %dma_wait3A_222 = tpu.memref_squeeze %dma_wait3A_221 : memref<1x4x8x128xf32, #tpu.memory_space<vmem>> -> memref<4x8x128xf32, #tpu.memory_space<vmem>>
    %dma_wait3A_223 = arith.constant 0 : i32
    %dma_wait3A_224 = arith.constant 0 : i32
    %dma_wait3A_225 = arith.constant 0 : i32
    %dma_wait3A_226 = tpu.memref_slice %arg4[%dma_wait3A_216, %dma_wait3A_223, %dma_wait3A_217, %dma_wait3A_224, %dma_wait3A_225] : memref<200x4x128x8x128xf32, #tpu.memory_space<hbm>> -> memref<1x4x1x8x128xf32, #tpu.memory_space<hbm>>
    %dma_wait3A_227 = tpu.memref_squeeze %dma_wait3A_226 : memref<1x4x1x8x128xf32, #tpu.memory_space<hbm>> -> memref<4x8x128xf32, #tpu.memory_space<hbm>>
    %dma_wait3A_228 = arith.constant 0 : i32
    %dma_wait3A_229 = arith.constant 0 : i32
    %dma_wait3A_230 = arith.constant 0 : i32
    %dma_wait3A_231 = tpu.memref_slice %arg4[%dma_wait3A_216, %dma_wait3A_228, %dma_wait3A_217, %dma_wait3A_229, %dma_wait3A_230] : memref<200x4x128x8x128xf32, #tpu.memory_space<hbm>> -> memref<1x4x1x8x128xf32, #tpu.memory_space<hbm>>
    %dma_wait3A_232 = tpu.memref_squeeze %dma_wait3A_231 : memref<1x4x1x8x128xf32, #tpu.memory_space<hbm>> -> memref<4x8x128xf32, #tpu.memory_space<hbm>>
    %dma_wait3A_233 = arith.constant 0 : i32
    %dma_wait3A_234 = arith.constant 0 : i32
    %dma_wait3A_235 = arith.constant 0 : i32
    %dma_wait3A_236 = tpu.memref_slice %arg7[%dma_wait3A_215, %dma_wait3A_233, %dma_wait3A_234, %dma_wait3A_235] : memref<8x4x8x128xf32, #tpu.memory_space<vmem>> -> memref<1x4x8x128xf32, #tpu.memory_space<vmem>>
    %dma_wait3A_237 = tpu.memref_squeeze %dma_wait3A_236 : memref<1x4x8x128xf32, #tpu.memory_space<vmem>> -> memref<4x8x128xf32, #tpu.memory_space<vmem>>
    tpu.wait_dma2 semaphore(%arg9 : memref<!tpu.dma_semaphore, #tpu.memory_space<semaphore_mem>>) src(%dma_wait3A_237 : memref<4x8x128xf32, #tpu.memory_space<vmem>>) dst(%dma_wait3A_232 : memref<4x8x128xf32, #tpu.memory_space<hbm>>)
    %dma_wait3A_238 = arith.constant 5 : i32
    %dma_wait3A_239 = arith.constant 0 : i32
    %dma_wait3A_240 = arith.constant 0 : i32
    %dma_wait3A_241 = arith.constant 0 : i32
    %dma_wait3A_242 = arith.constant 0 : i32
    %dma_wait3A_243 = arith.constant 0 : i32
    %dma_wait3A_244 = tpu.memref_slice %arg7[%dma_wait3A_238, %dma_wait3A_241, %dma_wait3A_242, %dma_wait3A_243] : memref<8x4x8x128xf32, #tpu.memory_space<vmem>> -> memref<1x4x8x128xf32, #tpu.memory_space<vmem>>
    %dma_wait3A_245 = tpu.memref_squeeze %dma_wait3A_244 : memref<1x4x8x128xf32, #tpu.memory_space<vmem>> -> memref<4x8x128xf32, #tpu.memory_space<vmem>>
    %dma_wait3A_246 = arith.constant 0 : i32
    %dma_wait3A_247 = arith.constant 0 : i32
    %dma_wait3A_248 = arith.constant 0 : i32
    %dma_wait3A_249 = tpu.memref_slice %arg4[%dma_wait3A_239, %dma_wait3A_246, %dma_wait3A_240, %dma_wait3A_247, %dma_wait3A_248] : memref<200x4x128x8x128xf32, #tpu.memory_space<hbm>> -> memref<1x4x1x8x128xf32, #tpu.memory_space<hbm>>
    %dma_wait3A_250 = tpu.memref_squeeze %dma_wait3A_249 : memref<1x4x1x8x128xf32, #tpu.memory_space<hbm>> -> memref<4x8x128xf32, #tpu.memory_space<hbm>>
    %dma_wait3A_251 = arith.constant 0 : i32
    %dma_wait3A_252 = arith.constant 0 : i32
    %dma_wait3A_253 = arith.constant 0 : i32
    %dma_wait3A_254 = tpu.memref_slice %arg4[%dma_wait3A_239, %dma_wait3A_251, %dma_wait3A_240, %dma_wait3A_252, %dma_wait3A_253] : memref<200x4x128x8x128xf32, #tpu.memory_space<hbm>> -> memref<1x4x1x8x128xf32, #tpu.memory_space<hbm>>
    %dma_wait3A_255 = tpu.memref_squeeze %dma_wait3A_254 : memref<1x4x1x8x128xf32, #tpu.memory_space<hbm>> -> memref<4x8x128xf32, #tpu.memory_space<hbm>>
    %dma_wait3A_256 = arith.constant 0 : i32
    %dma_wait3A_257 = arith.constant 0 : i32
    %dma_wait3A_258 = arith.constant 0 : i32
    %dma_wait3A_259 = tpu.memref_slice %arg7[%dma_wait3A_238, %dma_wait3A_256, %dma_wait3A_257, %dma_wait3A_258] : memref<8x4x8x128xf32, #tpu.memory_space<vmem>> -> memref<1x4x8x128xf32, #tpu.memory_space<vmem>>
    %dma_wait3A_260 = tpu.memref_squeeze %dma_wait3A_259 : memref<1x4x8x128xf32, #tpu.memory_space<vmem>> -> memref<4x8x128xf32, #tpu.memory_space<vmem>>
    tpu.wait_dma2 semaphore(%arg9 : memref<!tpu.dma_semaphore, #tpu.memory_space<semaphore_mem>>) src(%dma_wait3A_260 : memref<4x8x128xf32, #tpu.memory_space<vmem>>) dst(%dma_wait3A_255 : memref<4x8x128xf32, #tpu.memory_space<hbm>>)
    %dma_wait3A_261 = arith.constant 6 : i32
    %dma_wait3A_262 = arith.constant 0 : i32
    %dma_wait3A_263 = arith.constant 0 : i32
    %dma_wait3A_264 = arith.constant 0 : i32
    %dma_wait3A_265 = arith.constant 0 : i32
    %dma_wait3A_266 = arith.constant 0 : i32
    %dma_wait3A_267 = tpu.memref_slice %arg7[%dma_wait3A_261, %dma_wait3A_264, %dma_wait3A_265, %dma_wait3A_266] : memref<8x4x8x128xf32, #tpu.memory_space<vmem>> -> memref<1x4x8x128xf32, #tpu.memory_space<vmem>>
    %dma_wait3A_268 = tpu.memref_squeeze %dma_wait3A_267 : memref<1x4x8x128xf32, #tpu.memory_space<vmem>> -> memref<4x8x128xf32, #tpu.memory_space<vmem>>
    %dma_wait3A_269 = arith.constant 0 : i32
    %dma_wait3A_270 = arith.constant 0 : i32
    %dma_wait3A_271 = arith.constant 0 : i32
    %dma_wait3A_272 = tpu.memref_slice %arg4[%dma_wait3A_262, %dma_wait3A_269, %dma_wait3A_263, %dma_wait3A_270, %dma_wait3A_271] : memref<200x4x128x8x128xf32, #tpu.memory_space<hbm>> -> memref<1x4x1x8x128xf32, #tpu.memory_space<hbm>>
    %dma_wait3A_273 = tpu.memref_squeeze %dma_wait3A_272 : memref<1x4x1x8x128xf32, #tpu.memory_space<hbm>> -> memref<4x8x128xf32, #tpu.memory_space<hbm>>
    %dma_wait3A_274 = arith.constant 0 : i32
    %dma_wait3A_275 = arith.constant 0 : i32
    %dma_wait3A_276 = arith.constant 0 : i32
    %dma_wait3A_277 = tpu.memref_slice %arg4[%dma_wait3A_262, %dma_wait3A_274, %dma_wait3A_263, %dma_wait3A_275, %dma_wait3A_276] : memref<200x4x128x8x128xf32, #tpu.memory_space<hbm>> -> memref<1x4x1x8x128xf32, #tpu.memory_space<hbm>>
    %dma_wait3A_278 = tpu.memref_squeeze %dma_wait3A_277 : memref<1x4x1x8x128xf32, #tpu.memory_space<hbm>> -> memref<4x8x128xf32, #tpu.memory_space<hbm>>
    %dma_wait3A_279 = arith.constant 0 : i32
    %dma_wait3A_280 = arith.constant 0 : i32
    %dma_wait3A_281 = arith.constant 0 : i32
    %dma_wait3A_282 = tpu.memref_slice %arg7[%dma_wait3A_261, %dma_wait3A_279, %dma_wait3A_280, %dma_wait3A_281] : memref<8x4x8x128xf32, #tpu.memory_space<vmem>> -> memref<1x4x8x128xf32, #tpu.memory_space<vmem>>
    %dma_wait3A_283 = tpu.memref_squeeze %dma_wait3A_282 : memref<1x4x8x128xf32, #tpu.memory_space<vmem>> -> memref<4x8x128xf32, #tpu.memory_space<vmem>>
    tpu.wait_dma2 semaphore(%arg9 : memref<!tpu.dma_semaphore, #tpu.memory_space<semaphore_mem>>) src(%dma_wait3A_283 : memref<4x8x128xf32, #tpu.memory_space<vmem>>) dst(%dma_wait3A_278 : memref<4x8x128xf32, #tpu.memory_space<hbm>>)
    %dma_wait3A_284 = arith.constant 7 : i32
    %dma_wait3A_285 = arith.constant 0 : i32
    %dma_wait3A_286 = arith.constant 0 : i32
    %dma_wait3A_287 = arith.constant 0 : i32
    %dma_wait3A_288 = arith.constant 0 : i32
    %dma_wait3A_289 = arith.constant 0 : i32
    %dma_wait3A_290 = tpu.memref_slice %arg7[%dma_wait3A_284, %dma_wait3A_287, %dma_wait3A_288, %dma_wait3A_289] : memref<8x4x8x128xf32, #tpu.memory_space<vmem>> -> memref<1x4x8x128xf32, #tpu.memory_space<vmem>>
    %dma_wait3A_291 = tpu.memref_squeeze %dma_wait3A_290 : memref<1x4x8x128xf32, #tpu.memory_space<vmem>> -> memref<4x8x128xf32, #tpu.memory_space<vmem>>
    %dma_wait3A_292 = arith.constant 0 : i32
    %dma_wait3A_293 = arith.constant 0 : i32
    %dma_wait3A_294 = arith.constant 0 : i32
    %dma_wait3A_295 = tpu.memref_slice %arg4[%dma_wait3A_285, %dma_wait3A_292, %dma_wait3A_286, %dma_wait3A_293, %dma_wait3A_294] : memref<200x4x128x8x128xf32, #tpu.memory_space<hbm>> -> memref<1x4x1x8x128xf32, #tpu.memory_space<hbm>>
    %dma_wait3A_296 = tpu.memref_squeeze %dma_wait3A_295 : memref<1x4x1x8x128xf32, #tpu.memory_space<hbm>> -> memref<4x8x128xf32, #tpu.memory_space<hbm>>
    %dma_wait3A_297 = arith.constant 0 : i32
    %dma_wait3A_298 = arith.constant 0 : i32
    %dma_wait3A_299 = arith.constant 0 : i32
    %dma_wait3A_300 = tpu.memref_slice %arg4[%dma_wait3A_285, %dma_wait3A_297, %dma_wait3A_286, %dma_wait3A_298, %dma_wait3A_299] : memref<200x4x128x8x128xf32, #tpu.memory_space<hbm>> -> memref<1x4x1x8x128xf32, #tpu.memory_space<hbm>>
    %dma_wait3A_301 = tpu.memref_squeeze %dma_wait3A_300 : memref<1x4x1x8x128xf32, #tpu.memory_space<hbm>> -> memref<4x8x128xf32, #tpu.memory_space<hbm>>
    %dma_wait3A_302 = arith.constant 0 : i32
    %dma_wait3A_303 = arith.constant 0 : i32
    %dma_wait3A_304 = arith.constant 0 : i32
    %dma_wait3A_305 = tpu.memref_slice %arg7[%dma_wait3A_284, %dma_wait3A_302, %dma_wait3A_303, %dma_wait3A_304] : memref<8x4x8x128xf32, #tpu.memory_space<vmem>> -> memref<1x4x8x128xf32, #tpu.memory_space<vmem>>
    %dma_wait3A_306 = tpu.memref_squeeze %dma_wait3A_305 : memref<1x4x8x128xf32, #tpu.memory_space<vmem>> -> memref<4x8x128xf32, #tpu.memory_space<vmem>>
    tpu.wait_dma2 semaphore(%arg9 : memref<!tpu.dma_semaphore, #tpu.memory_space<semaphore_mem>>) src(%dma_wait3A_306 : memref<4x8x128xf32, #tpu.memory_space<vmem>>) dst(%dma_wait3A_301 : memref<4x8x128xf32, #tpu.memory_space<hbm>>)
    %dma_wait3A_307 = arith.constant 0 : i32
    %dma_wait3A_308 = arith.constant 0 : i32
    %dma_wait3A_309 = tpu.memref_slice %arg6[%dma_wait3A_307, %dma_wait3A_308] : memref<2048x32xf32, #tpu.memory_space<vmem>> -> memref<128x32xf32, #tpu.memory_space<vmem>>
    %dma_wait3A_310 = arith.constant 0 : i32
    %dma_wait3A_311 = arith.constant 0 : i32
    %dma_wait3A_312 = tpu.memref_slice %arg3[%dma_wait3A_310, %dma_wait3A_311] : memref<100000x32xf32, #tpu.memory_space<hbm>> -> memref<128x32xf32, #tpu.memory_space<hbm>>
    %dma_wait3A_313 = arith.constant 0 : i32
    %dma_wait3A_314 = arith.constant 0 : i32
    %dma_wait3A_315 = tpu.memref_slice %arg6[%dma_wait3A_313, %dma_wait3A_314] : memref<2048x32xf32, #tpu.memory_space<vmem>> -> memref<128x32xf32, #tpu.memory_space<vmem>>
    %dma_wait3A_316 = arith.constant 0 : i32
    %dma_wait3A_317 = arith.constant 0 : i32
    %dma_wait3A_318 = tpu.memref_slice %arg3[%dma_wait3A_316, %dma_wait3A_317] : memref<100000x32xf32, #tpu.memory_space<hbm>> -> memref<128x32xf32, #tpu.memory_space<hbm>>
    tpu.wait_dma2 semaphore(%arg8 : memref<!tpu.dma_semaphore, #tpu.memory_space<semaphore_mem>>) src(%dma_wait3A_318 : memref<128x32xf32, #tpu.memory_space<hbm>>) dst(%dma_wait3A_315 : memref<128x32xf32, #tpu.memory_space<vmem>>)
    %dma_wait3A_319 = arith.constant 128 : i32
    %dma_wait3A_320 = arith.constant 0 : i32
    %dma_wait3A_321 = tpu.memref_slice %arg6[%dma_wait3A_319, %dma_wait3A_320] : memref<2048x32xf32, #tpu.memory_space<vmem>> -> memref<128x32xf32, #tpu.memory_space<vmem>>
    %dma_wait3A_322 = arith.constant 0 : i32
    %dma_wait3A_323 = arith.constant 0 : i32
    %dma_wait3A_324 = tpu.memref_slice %arg3[%dma_wait3A_322, %dma_wait3A_323] : memref<100000x32xf32, #tpu.memory_space<hbm>> -> memref<128x32xf32, #tpu.memory_space<hbm>>
    %dma_wait3A_325 = arith.constant 128 : i32
    %dma_wait3A_326 = arith.constant 0 : i32
    %dma_wait3A_327 = tpu.memref_slice %arg6[%dma_wait3A_325, %dma_wait3A_326] : memref<2048x32xf32, #tpu.memory_space<vmem>> -> memref<128x32xf32, #tpu.memory_space<vmem>>
    %dma_wait3A_328 = arith.constant 0 : i32
    %dma_wait3A_329 = arith.constant 0 : i32
    %dma_wait3A_330 = tpu.memref_slice %arg3[%dma_wait3A_328, %dma_wait3A_329] : memref<100000x32xf32, #tpu.memory_space<hbm>> -> memref<128x32xf32, #tpu.memory_space<hbm>>
    tpu.wait_dma2 semaphore(%arg8 : memref<!tpu.dma_semaphore, #tpu.memory_space<semaphore_mem>>) src(%dma_wait3A_330 : memref<128x32xf32, #tpu.memory_space<hbm>>) dst(%dma_wait3A_327 : memref<128x32xf32, #tpu.memory_space<vmem>>)
    %dma_wait3A_331 = arith.constant 256 : i32
    %dma_wait3A_332 = arith.constant 0 : i32
    %dma_wait3A_333 = tpu.memref_slice %arg6[%dma_wait3A_331, %dma_wait3A_332] : memref<2048x32xf32, #tpu.memory_space<vmem>> -> memref<128x32xf32, #tpu.memory_space<vmem>>
    %dma_wait3A_334 = arith.constant 0 : i32
    %dma_wait3A_335 = arith.constant 0 : i32
    %dma_wait3A_336 = tpu.memref_slice %arg3[%dma_wait3A_334, %dma_wait3A_335] : memref<100000x32xf32, #tpu.memory_space<hbm>> -> memref<128x32xf32, #tpu.memory_space<hbm>>
    %dma_wait3A_337 = arith.constant 256 : i32
    %dma_wait3A_338 = arith.constant 0 : i32
    %dma_wait3A_339 = tpu.memref_slice %arg6[%dma_wait3A_337, %dma_wait3A_338] : memref<2048x32xf32, #tpu.memory_space<vmem>> -> memref<128x32xf32, #tpu.memory_space<vmem>>
    %dma_wait3A_340 = arith.constant 0 : i32
    %dma_wait3A_341 = arith.constant 0 : i32
    %dma_wait3A_342 = tpu.memref_slice %arg3[%dma_wait3A_340, %dma_wait3A_341] : memref<100000x32xf32, #tpu.memory_space<hbm>> -> memref<128x32xf32, #tpu.memory_space<hbm>>
    tpu.wait_dma2 semaphore(%arg8 : memref<!tpu.dma_semaphore, #tpu.memory_space<semaphore_mem>>) src(%dma_wait3A_342 : memref<128x32xf32, #tpu.memory_space<hbm>>) dst(%dma_wait3A_339 : memref<128x32xf32, #tpu.memory_space<vmem>>)
    %dma_wait3A_343 = arith.constant 384 : i32
    %dma_wait3A_344 = arith.constant 0 : i32
    %dma_wait3A_345 = tpu.memref_slice %arg6[%dma_wait3A_343, %dma_wait3A_344] : memref<2048x32xf32, #tpu.memory_space<vmem>> -> memref<128x32xf32, #tpu.memory_space<vmem>>
    %dma_wait3A_346 = arith.constant 0 : i32
    %dma_wait3A_347 = arith.constant 0 : i32
    %dma_wait3A_348 = tpu.memref_slice %arg3[%dma_wait3A_346, %dma_wait3A_347] : memref<100000x32xf32, #tpu.memory_space<hbm>> -> memref<128x32xf32, #tpu.memory_space<hbm>>
    %dma_wait3A_349 = arith.constant 384 : i32
    %dma_wait3A_350 = arith.constant 0 : i32
    %dma_wait3A_351 = tpu.memref_slice %arg6[%dma_wait3A_349, %dma_wait3A_350] : memref<2048x32xf32, #tpu.memory_space<vmem>> -> memref<128x32xf32, #tpu.memory_space<vmem>>
    %dma_wait3A_352 = arith.constant 0 : i32
    %dma_wait3A_353 = arith.constant 0 : i32
    %dma_wait3A_354 = tpu.memref_slice %arg3[%dma_wait3A_352, %dma_wait3A_353] : memref<100000x32xf32, #tpu.memory_space<hbm>> -> memref<128x32xf32, #tpu.memory_space<hbm>>
    tpu.wait_dma2 semaphore(%arg8 : memref<!tpu.dma_semaphore, #tpu.memory_space<semaphore_mem>>) src(%dma_wait3A_354 : memref<128x32xf32, #tpu.memory_space<hbm>>) dst(%dma_wait3A_351 : memref<128x32xf32, #tpu.memory_space<vmem>>)
    %dma_wait3A_355 = arith.constant 512 : i32
    %dma_wait3A_356 = arith.constant 0 : i32
    %dma_wait3A_357 = tpu.memref_slice %arg6[%dma_wait3A_355, %dma_wait3A_356] : memref<2048x32xf32, #tpu.memory_space<vmem>> -> memref<128x32xf32, #tpu.memory_space<vmem>>
    %dma_wait3A_358 = arith.constant 0 : i32
    %dma_wait3A_359 = arith.constant 0 : i32
    %dma_wait3A_360 = tpu.memref_slice %arg3[%dma_wait3A_358, %dma_wait3A_359] : memref<100000x32xf32, #tpu.memory_space<hbm>> -> memref<128x32xf32, #tpu.memory_space<hbm>>
    %dma_wait3A_361 = arith.constant 512 : i32
    %dma_wait3A_362 = arith.constant 0 : i32
    %dma_wait3A_363 = tpu.memref_slice %arg6[%dma_wait3A_361, %dma_wait3A_362] : memref<2048x32xf32, #tpu.memory_space<vmem>> -> memref<128x32xf32, #tpu.memory_space<vmem>>
    %dma_wait3A_364 = arith.constant 0 : i32
    %dma_wait3A_365 = arith.constant 0 : i32
    %dma_wait3A_366 = tpu.memref_slice %arg3[%dma_wait3A_364, %dma_wait3A_365] : memref<100000x32xf32, #tpu.memory_space<hbm>> -> memref<128x32xf32, #tpu.memory_space<hbm>>
    tpu.wait_dma2 semaphore(%arg8 : memref<!tpu.dma_semaphore, #tpu.memory_space<semaphore_mem>>) src(%dma_wait3A_366 : memref<128x32xf32, #tpu.memory_space<hbm>>) dst(%dma_wait3A_363 : memref<128x32xf32, #tpu.memory_space<vmem>>)
    %dma_wait3A_367 = arith.constant 640 : i32
    %dma_wait3A_368 = arith.constant 0 : i32
    %dma_wait3A_369 = tpu.memref_slice %arg6[%dma_wait3A_367, %dma_wait3A_368] : memref<2048x32xf32, #tpu.memory_space<vmem>> -> memref<128x32xf32, #tpu.memory_space<vmem>>
    %dma_wait3A_370 = arith.constant 0 : i32
    %dma_wait3A_371 = arith.constant 0 : i32
    %dma_wait3A_372 = tpu.memref_slice %arg3[%dma_wait3A_370, %dma_wait3A_371] : memref<100000x32xf32, #tpu.memory_space<hbm>> -> memref<128x32xf32, #tpu.memory_space<hbm>>
    %dma_wait3A_373 = arith.constant 640 : i32
    %dma_wait3A_374 = arith.constant 0 : i32
    %dma_wait3A_375 = tpu.memref_slice %arg6[%dma_wait3A_373, %dma_wait3A_374] : memref<2048x32xf32, #tpu.memory_space<vmem>> -> memref<128x32xf32, #tpu.memory_space<vmem>>
    %dma_wait3A_376 = arith.constant 0 : i32
    %dma_wait3A_377 = arith.constant 0 : i32
    %dma_wait3A_378 = tpu.memref_slice %arg3[%dma_wait3A_376, %dma_wait3A_377] : memref<100000x32xf32, #tpu.memory_space<hbm>> -> memref<128x32xf32, #tpu.memory_space<hbm>>
    tpu.wait_dma2 semaphore(%arg8 : memref<!tpu.dma_semaphore, #tpu.memory_space<semaphore_mem>>) src(%dma_wait3A_378 : memref<128x32xf32, #tpu.memory_space<hbm>>) dst(%dma_wait3A_375 : memref<128x32xf32, #tpu.memory_space<vmem>>)
    %dma_wait3A_379 = arith.constant 768 : i32
    %dma_wait3A_380 = arith.constant 0 : i32
    %dma_wait3A_381 = tpu.memref_slice %arg6[%dma_wait3A_379, %dma_wait3A_380] : memref<2048x32xf32, #tpu.memory_space<vmem>> -> memref<128x32xf32, #tpu.memory_space<vmem>>
    %dma_wait3A_382 = arith.constant 0 : i32
    %dma_wait3A_383 = arith.constant 0 : i32
    %dma_wait3A_384 = tpu.memref_slice %arg3[%dma_wait3A_382, %dma_wait3A_383] : memref<100000x32xf32, #tpu.memory_space<hbm>> -> memref<128x32xf32, #tpu.memory_space<hbm>>
    %dma_wait3A_385 = arith.constant 768 : i32
    %dma_wait3A_386 = arith.constant 0 : i32
    %dma_wait3A_387 = tpu.memref_slice %arg6[%dma_wait3A_385, %dma_wait3A_386] : memref<2048x32xf32, #tpu.memory_space<vmem>> -> memref<128x32xf32, #tpu.memory_space<vmem>>
    %dma_wait3A_388 = arith.constant 0 : i32
    %dma_wait3A_389 = arith.constant 0 : i32
    %dma_wait3A_390 = tpu.memref_slice %arg3[%dma_wait3A_388, %dma_wait3A_389] : memref<100000x32xf32, #tpu.memory_space<hbm>> -> memref<128x32xf32, #tpu.memory_space<hbm>>
    tpu.wait_dma2 semaphore(%arg8 : memref<!tpu.dma_semaphore, #tpu.memory_space<semaphore_mem>>) src(%dma_wait3A_390 : memref<128x32xf32, #tpu.memory_space<hbm>>) dst(%dma_wait3A_387 : memref<128x32xf32, #tpu.memory_space<vmem>>)
    %dma_wait3A_391 = arith.constant 896 : i32
    %dma_wait3A_392 = arith.constant 0 : i32
    %dma_wait3A_393 = tpu.memref_slice %arg6[%dma_wait3A_391, %dma_wait3A_392] : memref<2048x32xf32, #tpu.memory_space<vmem>> -> memref<128x32xf32, #tpu.memory_space<vmem>>
    %dma_wait3A_394 = arith.constant 0 : i32
    %dma_wait3A_395 = arith.constant 0 : i32
    %dma_wait3A_396 = tpu.memref_slice %arg3[%dma_wait3A_394, %dma_wait3A_395] : memref<100000x32xf32, #tpu.memory_space<hbm>> -> memref<128x32xf32, #tpu.memory_space<hbm>>
    %dma_wait3A_397 = arith.constant 896 : i32
    %dma_wait3A_398 = arith.constant 0 : i32
    %dma_wait3A_399 = tpu.memref_slice %arg6[%dma_wait3A_397, %dma_wait3A_398] : memref<2048x32xf32, #tpu.memory_space<vmem>> -> memref<128x32xf32, #tpu.memory_space<vmem>>
    %dma_wait3A_400 = arith.constant 0 : i32
    %dma_wait3A_401 = arith.constant 0 : i32
    %dma_wait3A_402 = tpu.memref_slice %arg3[%dma_wait3A_400, %dma_wait3A_401] : memref<100000x32xf32, #tpu.memory_space<hbm>> -> memref<128x32xf32, #tpu.memory_space<hbm>>
    tpu.wait_dma2 semaphore(%arg8 : memref<!tpu.dma_semaphore, #tpu.memory_space<semaphore_mem>>) src(%dma_wait3A_402 : memref<128x32xf32, #tpu.memory_space<hbm>>) dst(%dma_wait3A_399 : memref<128x32xf32, #tpu.memory_space<vmem>>)
    %broadcast_in_dim3A = arith.constant 0 : i32
    %broadcast_in_dim3A_403 = vector.broadcast %broadcast_in_dim3A : i32 to vector<16xi32>
    %parallel_loop3A = arith.constant 0 : i32
    %parallel_loop3A_404 = arith.constant 8 : i32
    %parallel_loop3A_405 = arith.constant 1 : i32
    scf.for %parallel_loop3A_782 = %parallel_loop3A to %parallel_loop3A_404 step %parallel_loop3A_405  : i32 {
      %parallel_loop3A_783 = arith.constant 128 : i32
      %parallel_loop3A_784 = arith.muli %parallel_loop3A_782, %parallel_loop3A_783 : i32
      %parallel_loop3A_785 = arith.constant 1024 : i32
      %parallel_loop3A_786 = arith.addi %parallel_loop3A_785, %parallel_loop3A_784 : i32
      %parallel_loop3A_787 = vector.broadcast %parallel_loop3A_782 : i32 to vector<16xi32>
      %parallel_loop3A_788 = arith.addi %broadcast_in_dim3A_403, %parallel_loop3A_787 : vector<16xi32>
      %parallel_loop3A_789 = arith.constant 0 : i32
      %parallel_loop3A_790 = arith.addi %parallel_loop3A_786, %parallel_loop3A_789 : i32
      %parallel_loop3A_791 = vector.broadcast %parallel_loop3A_790 : i32 to vector<16xi32>
      %parallel_loop3A_792 = arith.addi %iota3A, %parallel_loop3A_791 : vector<16xi32>
      %parallel_loop3A_793 = arith.constant 16 : i32
      %parallel_loop3A_794 = arith.addi %parallel_loop3A_786, %parallel_loop3A_793 : i32
      %parallel_loop3A_795 = vector.broadcast %parallel_loop3A_794 : i32 to vector<16xi32>
      %parallel_loop3A_796 = arith.addi %iota3A, %parallel_loop3A_795 : vector<16xi32>
      %parallel_loop3A_797 = arith.constant 32 : i32
      %parallel_loop3A_798 = arith.addi %parallel_loop3A_786, %parallel_loop3A_797 : i32
      %parallel_loop3A_799 = vector.broadcast %parallel_loop3A_798 : i32 to vector<16xi32>
      %parallel_loop3A_800 = arith.addi %iota3A, %parallel_loop3A_799 : vector<16xi32>
      %parallel_loop3A_801 = arith.constant 48 : i32
      %parallel_loop3A_802 = arith.addi %parallel_loop3A_786, %parallel_loop3A_801 : i32
      %parallel_loop3A_803 = vector.broadcast %parallel_loop3A_802 : i32 to vector<16xi32>
      %parallel_loop3A_804 = arith.addi %iota3A, %parallel_loop3A_803 : vector<16xi32>
      %parallel_loop3A_805 = arith.constant 64 : i32
      %parallel_loop3A_806 = arith.addi %parallel_loop3A_786, %parallel_loop3A_805 : i32
      %parallel_loop3A_807 = vector.broadcast %parallel_loop3A_806 : i32 to vector<16xi32>
      %parallel_loop3A_808 = arith.addi %iota3A, %parallel_loop3A_807 : vector<16xi32>
      %parallel_loop3A_809 = arith.constant 80 : i32
      %parallel_loop3A_810 = arith.addi %parallel_loop3A_786, %parallel_loop3A_809 : i32
      %parallel_loop3A_811 = vector.broadcast %parallel_loop3A_810 : i32 to vector<16xi32>
      %parallel_loop3A_812 = arith.addi %iota3A, %parallel_loop3A_811 : vector<16xi32>
      %parallel_loop3A_813 = arith.constant 96 : i32
      %parallel_loop3A_814 = arith.addi %parallel_loop3A_786, %parallel_loop3A_813 : i32
      %parallel_loop3A_815 = vector.broadcast %parallel_loop3A_814 : i32 to vector<16xi32>
      %parallel_loop3A_816 = arith.addi %iota3A, %parallel_loop3A_815 : vector<16xi32>
      %parallel_loop3A_817 = arith.constant 112 : i32
      %parallel_loop3A_818 = arith.addi %parallel_loop3A_786, %parallel_loop3A_817 : i32
      %parallel_loop3A_819 = vector.broadcast %parallel_loop3A_818 : i32 to vector<16xi32>
      %parallel_loop3A_820 = arith.addi %iota3A, %parallel_loop3A_819 : vector<16xi32>
      %parallel_loop3A_821 = arith.constant 0 : i32
      %parallel_loop3A_822 = vector.broadcast %parallel_loop3A_821 : i32 to vector<16xi32>
      %parallel_loop3A_823 = arith.addi %iota3A, %parallel_loop3A_822 : vector<16xi32>
      %parallel_loop3A_824 = arith.constant 16 : i32
      %parallel_loop3A_825 = vector.broadcast %parallel_loop3A_824 : i32 to vector<16xi32>
      %parallel_loop3A_826 = arith.addi %iota3A, %parallel_loop3A_825 : vector<16xi32>
      %parallel_loop3A_827 = arith.constant 32 : i32
      %parallel_loop3A_828 = vector.broadcast %parallel_loop3A_827 : i32 to vector<16xi32>
      %parallel_loop3A_829 = arith.addi %iota3A, %parallel_loop3A_828 : vector<16xi32>
      %parallel_loop3A_830 = arith.constant 48 : i32
      %parallel_loop3A_831 = vector.broadcast %parallel_loop3A_830 : i32 to vector<16xi32>
      %parallel_loop3A_832 = arith.addi %iota3A, %parallel_loop3A_831 : vector<16xi32>
      %parallel_loop3A_833 = arith.constant 64 : i32
      %parallel_loop3A_834 = vector.broadcast %parallel_loop3A_833 : i32 to vector<16xi32>
      %parallel_loop3A_835 = arith.addi %iota3A, %parallel_loop3A_834 : vector<16xi32>
      %parallel_loop3A_836 = arith.constant 80 : i32
      %parallel_loop3A_837 = vector.broadcast %parallel_loop3A_836 : i32 to vector<16xi32>
      %parallel_loop3A_838 = arith.addi %iota3A, %parallel_loop3A_837 : vector<16xi32>
      %parallel_loop3A_839 = arith.constant 96 : i32
      %parallel_loop3A_840 = vector.broadcast %parallel_loop3A_839 : i32 to vector<16xi32>
      %parallel_loop3A_841 = arith.addi %iota3A, %parallel_loop3A_840 : vector<16xi32>
      %parallel_loop3A_842 = arith.constant 112 : i32
      %parallel_loop3A_843 = vector.broadcast %parallel_loop3A_842 : i32 to vector<16xi32>
      %parallel_loop3A_844 = arith.addi %iota3A, %parallel_loop3A_843 : vector<16xi32>
      %parallel_loop3A_845 = arith.constant 0 : i32
      %parallel_loop3A_846 = arith.constant 16 : i32
      %parallel_loop3A_847 = arith.constant 1 : i32
      scf.for %parallel_loop3A_848 = %parallel_loop3A_845 to %parallel_loop3A_846 step %parallel_loop3A_847  : i32 {
        %parallel_loop3A_849 = vector.broadcast %parallel_loop3A_848 : i32 to vector<16xi32>
        %parallel_loop3A_850 = arith.addi %iota3A, %parallel_loop3A_849 : vector<16xi32>
        %parallel_loop3A_851 = arith.constant 15 : i32
        %parallel_loop3A_852 = vector.broadcast %parallel_loop3A_851 : i32 to vector<16xi32>
        %parallel_loop3A_853 = arith.andi %parallel_loop3A_850, %parallel_loop3A_852 : vector<16xi32>
        %parallel_loop3A_854 = arith.constant 0 : i32
        %parallel_loop3A_855 = vector.broadcast %parallel_loop3A_854 : i32 to vector<16xi32>
        %parallel_loop3A_856 = arith.addi %parallel_loop3A_853, %parallel_loop3A_855 : vector<16xi32>
        %parallel_loop3A_857 = arith.constant 3 : i32
        %parallel_loop3A_858 = vector.broadcast %parallel_loop3A_857 : i32 to vector<16xi32>
        %parallel_loop3A_859 = arith.shrsi %parallel_loop3A_853, %parallel_loop3A_858 : vector<16xi32>
        %parallel_loop3A_860 = arith.constant 0 : i32
        %parallel_loop3A_861 = vector.broadcast %parallel_loop3A_860 : i32 to vector<16xi32>
        %parallel_loop3A_862 = arith.addi %parallel_loop3A_859, %parallel_loop3A_861 : vector<16xi32>
        %parallel_loop3A_863 = arith.constant 7 : i32
        %parallel_loop3A_864 = vector.broadcast %parallel_loop3A_863 : i32 to vector<16xi32>
        %parallel_loop3A_865 = arith.andi %parallel_loop3A_853, %parallel_loop3A_864 : vector<16xi32>
        %parallel_loop3A_866 = tpu.vector_load_idx %arg6[%parallel_loop3A_792, %parallel_loop3A_856] : memref<2048x32xf32, #tpu.memory_space<vmem>>[vector<16xi32>, vector<16xi32>], vector<16xf32>,
        %parallel_loop3A_867 = tpu.vector_load_idx %arg6[%parallel_loop3A_796, %parallel_loop3A_856] : memref<2048x32xf32, #tpu.memory_space<vmem>>[vector<16xi32>, vector<16xi32>], vector<16xf32>,
        %parallel_loop3A_868 = tpu.vector_load_idx %arg6[%parallel_loop3A_800, %parallel_loop3A_856] : memref<2048x32xf32, #tpu.memory_space<vmem>>[vector<16xi32>, vector<16xi32>], vector<16xf32>,
        %parallel_loop3A_869 = tpu.vector_load_idx %arg6[%parallel_loop3A_804, %parallel_loop3A_856] : memref<2048x32xf32, #tpu.memory_space<vmem>>[vector<16xi32>, vector<16xi32>], vector<16xf32>,
        %parallel_loop3A_870 = tpu.vector_load_idx %arg6[%parallel_loop3A_808, %parallel_loop3A_856] : memref<2048x32xf32, #tpu.memory_space<vmem>>[vector<16xi32>, vector<16xi32>], vector<16xf32>,
        %parallel_loop3A_871 = tpu.vector_load_idx %arg6[%parallel_loop3A_812, %parallel_loop3A_856] : memref<2048x32xf32, #tpu.memory_space<vmem>>[vector<16xi32>, vector<16xi32>], vector<16xf32>,
        %parallel_loop3A_872 = tpu.vector_load_idx %arg6[%parallel_loop3A_816, %parallel_loop3A_856] : memref<2048x32xf32, #tpu.memory_space<vmem>>[vector<16xi32>, vector<16xi32>], vector<16xf32>,
        %parallel_loop3A_873 = tpu.vector_load_idx %arg6[%parallel_loop3A_820, %parallel_loop3A_856] : memref<2048x32xf32, #tpu.memory_space<vmem>>[vector<16xi32>, vector<16xi32>], vector<16xf32>,
        tpu.vector_store_idx %arg7[%parallel_loop3A_788, %parallel_loop3A_862, %parallel_loop3A_865, %parallel_loop3A_823], %parallel_loop3A_866 : memref<8x4x8x128xf32, #tpu.memory_space<vmem>>[vector<16xi32>, vector<16xi32>, vector<16xi32>, vector<16xi32>], vector<16xf32>,
        tpu.vector_store_idx %arg7[%parallel_loop3A_788, %parallel_loop3A_862, %parallel_loop3A_865, %parallel_loop3A_826], %parallel_loop3A_867 : memref<8x4x8x128xf32, #tpu.memory_space<vmem>>[vector<16xi32>, vector<16xi32>, vector<16xi32>, vector<16xi32>], vector<16xf32>,
        tpu.vector_store_idx %arg7[%parallel_loop3A_788, %parallel_loop3A_862, %parallel_loop3A_865, %parallel_loop3A_829], %parallel_loop3A_868 : memref<8x4x8x128xf32, #tpu.memory_space<vmem>>[vector<16xi32>, vector<16xi32>, vector<16xi32>, vector<16xi32>], vector<16xf32>,
        tpu.vector_store_idx %arg7[%parallel_loop3A_788, %parallel_loop3A_862, %parallel_loop3A_865, %parallel_loop3A_832], %parallel_loop3A_869 : memref<8x4x8x128xf32, #tpu.memory_space<vmem>>[vector<16xi32>, vector<16xi32>, vector<16xi32>, vector<16xi32>], vector<16xf32>,
        tpu.vector_store_idx %arg7[%parallel_loop3A_788, %parallel_loop3A_862, %parallel_loop3A_865, %parallel_loop3A_835], %parallel_loop3A_870 : memref<8x4x8x128xf32, #tpu.memory_space<vmem>>[vector<16xi32>, vector<16xi32>, vector<16xi32>, vector<16xi32>], vector<16xf32>,
        tpu.vector_store_idx %arg7[%parallel_loop3A_788, %parallel_loop3A_862, %parallel_loop3A_865, %parallel_loop3A_838], %parallel_loop3A_871 : memref<8x4x8x128xf32, #tpu.memory_space<vmem>>[vector<16xi32>, vector<16xi32>, vector<16xi32>, vector<16xi32>], vector<16xf32>,
        tpu.vector_store_idx %arg7[%parallel_loop3A_788, %parallel_loop3A_862, %parallel_loop3A_865, %parallel_loop3A_841], %parallel_loop3A_872 : memref<8x4x8x128xf32, #tpu.memory_space<vmem>>[vector<16xi32>, vector<16xi32>, vector<16xi32>, vector<16xi32>], vector<16xf32>,
        tpu.vector_store_idx %arg7[%parallel_loop3A_788, %parallel_loop3A_862, %parallel_loop3A_865, %parallel_loop3A_844], %parallel_loop3A_873 : memref<8x4x8x128xf32, #tpu.memory_space<vmem>>[vector<16xi32>, vector<16xi32>, vector<16xi32>, vector<16xi32>], vector<16xf32>,
        %parallel_loop3A_874 = arith.constant 16 : i32
        %parallel_loop3A_875 = vector.broadcast %parallel_loop3A_874 : i32 to vector<16xi32>
        %parallel_loop3A_876 = arith.addi %parallel_loop3A_853, %parallel_loop3A_875 : vector<16xi32>
        %parallel_loop3A_877 = arith.constant 3 : i32
        %parallel_loop3A_878 = vector.broadcast %parallel_loop3A_877 : i32 to vector<16xi32>
        %parallel_loop3A_879 = arith.shrsi %parallel_loop3A_853, %parallel_loop3A_878 : vector<16xi32>
        %parallel_loop3A_880 = arith.constant 2 : i32
        %parallel_loop3A_881 = vector.broadcast %parallel_loop3A_880 : i32 to vector<16xi32>
        %parallel_loop3A_882 = arith.addi %parallel_loop3A_879, %parallel_loop3A_881 : vector<16xi32>
        %parallel_loop3A_883 = arith.constant 7 : i32
        %parallel_loop3A_884 = vector.broadcast %parallel_loop3A_883 : i32 to vector<16xi32>
        %parallel_loop3A_885 = arith.andi %parallel_loop3A_853, %parallel_loop3A_884 : vector<16xi32>
        %parallel_loop3A_886 = tpu.vector_load_idx %arg6[%parallel_loop3A_792, %parallel_loop3A_876] : memref<2048x32xf32, #tpu.memory_space<vmem>>[vector<16xi32>, vector<16xi32>], vector<16xf32>,
        %parallel_loop3A_887 = tpu.vector_load_idx %arg6[%parallel_loop3A_796, %parallel_loop3A_876] : memref<2048x32xf32, #tpu.memory_space<vmem>>[vector<16xi32>, vector<16xi32>], vector<16xf32>,
        %parallel_loop3A_888 = tpu.vector_load_idx %arg6[%parallel_loop3A_800, %parallel_loop3A_876] : memref<2048x32xf32, #tpu.memory_space<vmem>>[vector<16xi32>, vector<16xi32>], vector<16xf32>,
        %parallel_loop3A_889 = tpu.vector_load_idx %arg6[%parallel_loop3A_804, %parallel_loop3A_876] : memref<2048x32xf32, #tpu.memory_space<vmem>>[vector<16xi32>, vector<16xi32>], vector<16xf32>,
        %parallel_loop3A_890 = tpu.vector_load_idx %arg6[%parallel_loop3A_808, %parallel_loop3A_876] : memref<2048x32xf32, #tpu.memory_space<vmem>>[vector<16xi32>, vector<16xi32>], vector<16xf32>,
        %parallel_loop3A_891 = tpu.vector_load_idx %arg6[%parallel_loop3A_812, %parallel_loop3A_876] : memref<2048x32xf32, #tpu.memory_space<vmem>>[vector<16xi32>, vector<16xi32>], vector<16xf32>,
        %parallel_loop3A_892 = tpu.vector_load_idx %arg6[%parallel_loop3A_816, %parallel_loop3A_876] : memref<2048x32xf32, #tpu.memory_space<vmem>>[vector<16xi32>, vector<16xi32>], vector<16xf32>,
        %parallel_loop3A_893 = tpu.vector_load_idx %arg6[%parallel_loop3A_820, %parallel_loop3A_876] : memref<2048x32xf32, #tpu.memory_space<vmem>>[vector<16xi32>, vector<16xi32>], vector<16xf32>,
        tpu.vector_store_idx %arg7[%parallel_loop3A_788, %parallel_loop3A_882, %parallel_loop3A_885, %parallel_loop3A_823], %parallel_loop3A_886 : memref<8x4x8x128xf32, #tpu.memory_space<vmem>>[vector<16xi32>, vector<16xi32>, vector<16xi32>, vector<16xi32>], vector<16xf32>,
        tpu.vector_store_idx %arg7[%parallel_loop3A_788, %parallel_loop3A_882, %parallel_loop3A_885, %parallel_loop3A_826], %parallel_loop3A_887 : memref<8x4x8x128xf32, #tpu.memory_space<vmem>>[vector<16xi32>, vector<16xi32>, vector<16xi32>, vector<16xi32>], vector<16xf32>,
        tpu.vector_store_idx %arg7[%parallel_loop3A_788, %parallel_loop3A_882, %parallel_loop3A_885, %parallel_loop3A_829], %parallel_loop3A_888 : memref<8x4x8x128xf32, #tpu.memory_space<vmem>>[vector<16xi32>, vector<16xi32>, vector<16xi32>, vector<16xi32>], vector<16xf32>,
        tpu.vector_store_idx %arg7[%parallel_loop3A_788, %parallel_loop3A_882, %parallel_loop3A_885, %parallel_loop3A_832], %parallel_loop3A_889 : memref<8x4x8x128xf32, #tpu.memory_space<vmem>>[vector<16xi32>, vector<16xi32>, vector<16xi32>, vector<16xi32>], vector<16xf32>,
        tpu.vector_store_idx %arg7[%parallel_loop3A_788, %parallel_loop3A_882, %parallel_loop3A_885, %parallel_loop3A_835], %parallel_loop3A_890 : memref<8x4x8x128xf32, #tpu.memory_space<vmem>>[vector<16xi32>, vector<16xi32>, vector<16xi32>, vector<16xi32>], vector<16xf32>,
        tpu.vector_store_idx %arg7[%parallel_loop3A_788, %parallel_loop3A_882, %parallel_loop3A_885, %parallel_loop3A_838], %parallel_loop3A_891 : memref<8x4x8x128xf32, #tpu.memory_space<vmem>>[vector<16xi32>, vector<16xi32>, vector<16xi32>, vector<16xi32>], vector<16xf32>,
        tpu.vector_store_idx %arg7[%parallel_loop3A_788, %parallel_loop3A_882, %parallel_loop3A_885, %parallel_loop3A_841], %parallel_loop3A_892 : memref<8x4x8x128xf32, #tpu.memory_space<vmem>>[vector<16xi32>, vector<16xi32>, vector<16xi32>, vector<16xi32>], vector<16xf32>,
        tpu.vector_store_idx %arg7[%parallel_loop3A_788, %parallel_loop3A_882, %parallel_loop3A_885, %parallel_loop3A_844], %parallel_loop3A_893 : memref<8x4x8x128xf32, #tpu.memory_space<vmem>>[vector<16xi32>, vector<16xi32>, vector<16xi32>, vector<16xi32>], vector<16xf32>,
      } {sc.loop_unroll_factor = 1 : i64, sc.parallel_access}
    } {sc.loop_unroll_factor = 2 : i64, sc.parallel_access}
    %add3A_406 = arith.constant 3 : i32
    %add3A_407 = arith.addi %mul3A_2, %add3A_406 : i32
    %dma_start3A_408 = arith.constant 0 : i32
    %dma_start3A_409 = arith.constant 192 : i32
    %dma_start3A_410 = arith.constant 0 : i32
    %dma_start3A_411 = arith.constant 0 : i32
    %dma_start3A_412 = arith.constant 0 : i32
    %dma_start3A_413 = tpu.memref_slice %arg7[%dma_start3A_408, %dma_start3A_410, %dma_start3A_411, %dma_start3A_412] : memref<8x4x8x128xf32, #tpu.memory_space<vmem>> -> memref<1x4x8x128xf32, #tpu.memory_space<vmem>>
    %dma_start3A_414 = tpu.memref_squeeze %dma_start3A_413 : memref<1x4x8x128xf32, #tpu.memory_space<vmem>> -> memref<4x8x128xf32, #tpu.memory_space<vmem>>
    %dma_start3A_415 = arith.constant 0 : i32
    %dma_start3A_416 = arith.constant 0 : i32
    %dma_start3A_417 = arith.constant 0 : i32
    %dma_start3A_418 = tpu.memref_slice %arg4[%dma_start3A_409, %dma_start3A_415, %add3A_407, %dma_start3A_416, %dma_start3A_417] : memref<200x4x128x8x128xf32, #tpu.memory_space<hbm>> -> memref<1x4x1x8x128xf32, #tpu.memory_space<hbm>>
    %dma_start3A_419 = tpu.memref_squeeze %dma_start3A_418 : memref<1x4x1x8x128xf32, #tpu.memory_space<hbm>> -> memref<4x8x128xf32, #tpu.memory_space<hbm>>
    %dma_start3A_420 = arith.constant 0 : i32
    %dma_start3A_421 = arith.constant 0 : i32
    %dma_start3A_422 = arith.constant 0 : i32
    %dma_start3A_423 = tpu.memref_slice %arg4[%dma_start3A_409, %dma_start3A_420, %add3A_407, %dma_start3A_421, %dma_start3A_422] : memref<200x4x128x8x128xf32, #tpu.memory_space<hbm>> -> memref<1x4x1x8x128xf32, #tpu.memory_space<hbm>>
    %dma_start3A_424 = tpu.memref_squeeze %dma_start3A_423 : memref<1x4x1x8x128xf32, #tpu.memory_space<hbm>> -> memref<4x8x128xf32, #tpu.memory_space<hbm>>
    %dma_start3A_425 = arith.constant 0 : i32
    %dma_start3A_426 = arith.constant 0 : i32
    %dma_start3A_427 = arith.constant 0 : i32
    %dma_start3A_428 = tpu.memref_slice %arg7[%dma_start3A_408, %dma_start3A_425, %dma_start3A_426, %dma_start3A_427] : memref<8x4x8x128xf32, #tpu.memory_space<vmem>> -> memref<1x4x8x128xf32, #tpu.memory_space<vmem>>
    %dma_start3A_429 = tpu.memref_squeeze %dma_start3A_428 : memref<1x4x8x128xf32, #tpu.memory_space<vmem>> -> memref<4x8x128xf32, #tpu.memory_space<vmem>>
    tpu.enqueue_dma source(%dma_start3A_429 : memref<4x8x128xf32, #tpu.memory_space<vmem>>) target(%dma_start3A_424 : memref<4x8x128xf32, #tpu.memory_space<hbm>>) target_semaphore(%arg9 : memref<!tpu.dma_semaphore, #tpu.memory_space<semaphore_mem>>)
    %add3A_430 = arith.constant 3 : i32
    %add3A_431 = arith.addi %mul3A_2, %add3A_430 : i32
    %dma_start3A_432 = arith.constant 1 : i32
    %dma_start3A_433 = arith.constant 193 : i32
    %dma_start3A_434 = arith.constant 0 : i32
    %dma_start3A_435 = arith.constant 0 : i32
    %dma_start3A_436 = arith.constant 0 : i32
    %dma_start3A_437 = tpu.memref_slice %arg7[%dma_start3A_432, %dma_start3A_434, %dma_start3A_435, %dma_start3A_436] : memref<8x4x8x128xf32, #tpu.memory_space<vmem>> -> memref<1x4x8x128xf32, #tpu.memory_space<vmem>>
    %dma_start3A_438 = tpu.memref_squeeze %dma_start3A_437 : memref<1x4x8x128xf32, #tpu.memory_space<vmem>> -> memref<4x8x128xf32, #tpu.memory_space<vmem>>
    %dma_start3A_439 = arith.constant 0 : i32
    %dma_start3A_440 = arith.constant 0 : i32
    %dma_start3A_441 = arith.constant 0 : i32
    %dma_start3A_442 = tpu.memref_slice %arg4[%dma_start3A_433, %dma_start3A_439, %add3A_431, %dma_start3A_440, %dma_start3A_441] : memref<200x4x128x8x128xf32, #tpu.memory_space<hbm>> -> memref<1x4x1x8x128xf32, #tpu.memory_space<hbm>>
    %dma_start3A_443 = tpu.memref_squeeze %dma_start3A_442 : memref<1x4x1x8x128xf32, #tpu.memory_space<hbm>> -> memref<4x8x128xf32, #tpu.memory_space<hbm>>
    %dma_start3A_444 = arith.constant 0 : i32
    %dma_start3A_445 = arith.constant 0 : i32
    %dma_start3A_446 = arith.constant 0 : i32
    %dma_start3A_447 = tpu.memref_slice %arg4[%dma_start3A_433, %dma_start3A_444, %add3A_431, %dma_start3A_445, %dma_start3A_446] : memref<200x4x128x8x128xf32, #tpu.memory_space<hbm>> -> memref<1x4x1x8x128xf32, #tpu.memory_space<hbm>>
    %dma_start3A_448 = tpu.memref_squeeze %dma_start3A_447 : memref<1x4x1x8x128xf32, #tpu.memory_space<hbm>> -> memref<4x8x128xf32, #tpu.memory_space<hbm>>
    %dma_start3A_449 = arith.constant 0 : i32
    %dma_start3A_450 = arith.constant 0 : i32
    %dma_start3A_451 = arith.constant 0 : i32
    %dma_start3A_452 = tpu.memref_slice %arg7[%dma_start3A_432, %dma_start3A_449, %dma_start3A_450, %dma_start3A_451] : memref<8x4x8x128xf32, #tpu.memory_space<vmem>> -> memref<1x4x8x128xf32, #tpu.memory_space<vmem>>
    %dma_start3A_453 = tpu.memref_squeeze %dma_start3A_452 : memref<1x4x8x128xf32, #tpu.memory_space<vmem>> -> memref<4x8x128xf32, #tpu.memory_space<vmem>>
    tpu.enqueue_dma source(%dma_start3A_453 : memref<4x8x128xf32, #tpu.memory_space<vmem>>) target(%dma_start3A_448 : memref<4x8x128xf32, #tpu.memory_space<hbm>>) target_semaphore(%arg9 : memref<!tpu.dma_semaphore, #tpu.memory_space<semaphore_mem>>)
    %add3A_454 = arith.constant 3 : i32
    %add3A_455 = arith.addi %mul3A_2, %add3A_454 : i32
    %dma_start3A_456 = arith.constant 2 : i32
    %dma_start3A_457 = arith.constant 194 : i32
    %dma_start3A_458 = arith.constant 0 : i32
    %dma_start3A_459 = arith.constant 0 : i32
    %dma_start3A_460 = arith.constant 0 : i32
    %dma_start3A_461 = tpu.memref_slice %arg7[%dma_start3A_456, %dma_start3A_458, %dma_start3A_459, %dma_start3A_460] : memref<8x4x8x128xf32, #tpu.memory_space<vmem>> -> memref<1x4x8x128xf32, #tpu.memory_space<vmem>>
    %dma_start3A_462 = tpu.memref_squeeze %dma_start3A_461 : memref<1x4x8x128xf32, #tpu.memory_space<vmem>> -> memref<4x8x128xf32, #tpu.memory_space<vmem>>
    %dma_start3A_463 = arith.constant 0 : i32
    %dma_start3A_464 = arith.constant 0 : i32
    %dma_start3A_465 = arith.constant 0 : i32
    %dma_start3A_466 = tpu.memref_slice %arg4[%dma_start3A_457, %dma_start3A_463, %add3A_455, %dma_start3A_464, %dma_start3A_465] : memref<200x4x128x8x128xf32, #tpu.memory_space<hbm>> -> memref<1x4x1x8x128xf32, #tpu.memory_space<hbm>>
    %dma_start3A_467 = tpu.memref_squeeze %dma_start3A_466 : memref<1x4x1x8x128xf32, #tpu.memory_space<hbm>> -> memref<4x8x128xf32, #tpu.memory_space<hbm>>
    %dma_start3A_468 = arith.constant 0 : i32
    %dma_start3A_469 = arith.constant 0 : i32
    %dma_start3A_470 = arith.constant 0 : i32
    %dma_start3A_471 = tpu.memref_slice %arg4[%dma_start3A_457, %dma_start3A_468, %add3A_455, %dma_start3A_469, %dma_start3A_470] : memref<200x4x128x8x128xf32, #tpu.memory_space<hbm>> -> memref<1x4x1x8x128xf32, #tpu.memory_space<hbm>>
    %dma_start3A_472 = tpu.memref_squeeze %dma_start3A_471 : memref<1x4x1x8x128xf32, #tpu.memory_space<hbm>> -> memref<4x8x128xf32, #tpu.memory_space<hbm>>
    %dma_start3A_473 = arith.constant 0 : i32
    %dma_start3A_474 = arith.constant 0 : i32
    %dma_start3A_475 = arith.constant 0 : i32
    %dma_start3A_476 = tpu.memref_slice %arg7[%dma_start3A_456, %dma_start3A_473, %dma_start3A_474, %dma_start3A_475] : memref<8x4x8x128xf32, #tpu.memory_space<vmem>> -> memref<1x4x8x128xf32, #tpu.memory_space<vmem>>
    %dma_start3A_477 = tpu.memref_squeeze %dma_start3A_476 : memref<1x4x8x128xf32, #tpu.memory_space<vmem>> -> memref<4x8x128xf32, #tpu.memory_space<vmem>>
    tpu.enqueue_dma source(%dma_start3A_477 : memref<4x8x128xf32, #tpu.memory_space<vmem>>) target(%dma_start3A_472 : memref<4x8x128xf32, #tpu.memory_space<hbm>>) target_semaphore(%arg9 : memref<!tpu.dma_semaphore, #tpu.memory_space<semaphore_mem>>)
    %add3A_478 = arith.constant 3 : i32
    %add3A_479 = arith.addi %mul3A_2, %add3A_478 : i32
    %dma_start3A_480 = arith.constant 3 : i32
    %dma_start3A_481 = arith.constant 195 : i32
    %dma_start3A_482 = arith.constant 0 : i32
    %dma_start3A_483 = arith.constant 0 : i32
    %dma_start3A_484 = arith.constant 0 : i32
    %dma_start3A_485 = tpu.memref_slice %arg7[%dma_start3A_480, %dma_start3A_482, %dma_start3A_483, %dma_start3A_484] : memref<8x4x8x128xf32, #tpu.memory_space<vmem>> -> memref<1x4x8x128xf32, #tpu.memory_space<vmem>>
    %dma_start3A_486 = tpu.memref_squeeze %dma_start3A_485 : memref<1x4x8x128xf32, #tpu.memory_space<vmem>> -> memref<4x8x128xf32, #tpu.memory_space<vmem>>
    %dma_start3A_487 = arith.constant 0 : i32
    %dma_start3A_488 = arith.constant 0 : i32
    %dma_start3A_489 = arith.constant 0 : i32
    %dma_start3A_490 = tpu.memref_slice %arg4[%dma_start3A_481, %dma_start3A_487, %add3A_479, %dma_start3A_488, %dma_start3A_489] : memref<200x4x128x8x128xf32, #tpu.memory_space<hbm>> -> memref<1x4x1x8x128xf32, #tpu.memory_space<hbm>>
    %dma_start3A_491 = tpu.memref_squeeze %dma_start3A_490 : memref<1x4x1x8x128xf32, #tpu.memory_space<hbm>> -> memref<4x8x128xf32, #tpu.memory_space<hbm>>
    %dma_start3A_492 = arith.constant 0 : i32
    %dma_start3A_493 = arith.constant 0 : i32
    %dma_start3A_494 = arith.constant 0 : i32
    %dma_start3A_495 = tpu.memref_slice %arg4[%dma_start3A_481, %dma_start3A_492, %add3A_479, %dma_start3A_493, %dma_start3A_494] : memref<200x4x128x8x128xf32, #tpu.memory_space<hbm>> -> memref<1x4x1x8x128xf32, #tpu.memory_space<hbm>>
    %dma_start3A_496 = tpu.memref_squeeze %dma_start3A_495 : memref<1x4x1x8x128xf32, #tpu.memory_space<hbm>> -> memref<4x8x128xf32, #tpu.memory_space<hbm>>
    %dma_start3A_497 = arith.constant 0 : i32
    %dma_start3A_498 = arith.constant 0 : i32
    %dma_start3A_499 = arith.constant 0 : i32
    %dma_start3A_500 = tpu.memref_slice %arg7[%dma_start3A_480, %dma_start3A_497, %dma_start3A_498, %dma_start3A_499] : memref<8x4x8x128xf32, #tpu.memory_space<vmem>> -> memref<1x4x8x128xf32, #tpu.memory_space<vmem>>
    %dma_start3A_501 = tpu.memref_squeeze %dma_start3A_500 : memref<1x4x8x128xf32, #tpu.memory_space<vmem>> -> memref<4x8x128xf32, #tpu.memory_space<vmem>>
    tpu.enqueue_dma source(%dma_start3A_501 : memref<4x8x128xf32, #tpu.memory_space<vmem>>) target(%dma_start3A_496 : memref<4x8x128xf32, #tpu.memory_space<hbm>>) target_semaphore(%arg9 : memref<!tpu.dma_semaphore, #tpu.memory_space<semaphore_mem>>)
    %add3A_502 = arith.constant 3 : i32
    %add3A_503 = arith.addi %mul3A_2, %add3A_502 : i32
    %dma_start3A_504 = arith.constant 4 : i32
    %dma_start3A_505 = arith.constant 196 : i32
    %dma_start3A_506 = arith.constant 0 : i32
    %dma_start3A_507 = arith.constant 0 : i32
    %dma_start3A_508 = arith.constant 0 : i32
    %dma_start3A_509 = tpu.memref_slice %arg7[%dma_start3A_504, %dma_start3A_506, %dma_start3A_507, %dma_start3A_508] : memref<8x4x8x128xf32, #tpu.memory_space<vmem>> -> memref<1x4x8x128xf32, #tpu.memory_space<vmem>>
    %dma_start3A_510 = tpu.memref_squeeze %dma_start3A_509 : memref<1x4x8x128xf32, #tpu.memory_space<vmem>> -> memref<4x8x128xf32, #tpu.memory_space<vmem>>
    %dma_start3A_511 = arith.constant 0 : i32
    %dma_start3A_512 = arith.constant 0 : i32
    %dma_start3A_513 = arith.constant 0 : i32
    %dma_start3A_514 = tpu.memref_slice %arg4[%dma_start3A_505, %dma_start3A_511, %add3A_503, %dma_start3A_512, %dma_start3A_513] : memref<200x4x128x8x128xf32, #tpu.memory_space<hbm>> -> memref<1x4x1x8x128xf32, #tpu.memory_space<hbm>>
    %dma_start3A_515 = tpu.memref_squeeze %dma_start3A_514 : memref<1x4x1x8x128xf32, #tpu.memory_space<hbm>> -> memref<4x8x128xf32, #tpu.memory_space<hbm>>
    %dma_start3A_516 = arith.constant 0 : i32
    %dma_start3A_517 = arith.constant 0 : i32
    %dma_start3A_518 = arith.constant 0 : i32
    %dma_start3A_519 = tpu.memref_slice %arg4[%dma_start3A_505, %dma_start3A_516, %add3A_503, %dma_start3A_517, %dma_start3A_518] : memref<200x4x128x8x128xf32, #tpu.memory_space<hbm>> -> memref<1x4x1x8x128xf32, #tpu.memory_space<hbm>>
    %dma_start3A_520 = tpu.memref_squeeze %dma_start3A_519 : memref<1x4x1x8x128xf32, #tpu.memory_space<hbm>> -> memref<4x8x128xf32, #tpu.memory_space<hbm>>
    %dma_start3A_521 = arith.constant 0 : i32
    %dma_start3A_522 = arith.constant 0 : i32
    %dma_start3A_523 = arith.constant 0 : i32
    %dma_start3A_524 = tpu.memref_slice %arg7[%dma_start3A_504, %dma_start3A_521, %dma_start3A_522, %dma_start3A_523] : memref<8x4x8x128xf32, #tpu.memory_space<vmem>> -> memref<1x4x8x128xf32, #tpu.memory_space<vmem>>
    %dma_start3A_525 = tpu.memref_squeeze %dma_start3A_524 : memref<1x4x8x128xf32, #tpu.memory_space<vmem>> -> memref<4x8x128xf32, #tpu.memory_space<vmem>>
    tpu.enqueue_dma source(%dma_start3A_525 : memref<4x8x128xf32, #tpu.memory_space<vmem>>) target(%dma_start3A_520 : memref<4x8x128xf32, #tpu.memory_space<hbm>>) target_semaphore(%arg9 : memref<!tpu.dma_semaphore, #tpu.memory_space<semaphore_mem>>)
    %add3A_526 = arith.constant 3 : i32
    %add3A_527 = arith.addi %mul3A_2, %add3A_526 : i32
    %dma_start3A_528 = arith.constant 5 : i32
    %dma_start3A_529 = arith.constant 197 : i32
    %dma_start3A_530 = arith.constant 0 : i32
    %dma_start3A_531 = arith.constant 0 : i32
    %dma_start3A_532 = arith.constant 0 : i32
    %dma_start3A_533 = tpu.memref_slice %arg7[%dma_start3A_528, %dma_start3A_530, %dma_start3A_531, %dma_start3A_532] : memref<8x4x8x128xf32, #tpu.memory_space<vmem>> -> memref<1x4x8x128xf32, #tpu.memory_space<vmem>>
    %dma_start3A_534 = tpu.memref_squeeze %dma_start3A_533 : memref<1x4x8x128xf32, #tpu.memory_space<vmem>> -> memref<4x8x128xf32, #tpu.memory_space<vmem>>
    %dma_start3A_535 = arith.constant 0 : i32
    %dma_start3A_536 = arith.constant 0 : i32
    %dma_start3A_537 = arith.constant 0 : i32
    %dma_start3A_538 = tpu.memref_slice %arg4[%dma_start3A_529, %dma_start3A_535, %add3A_527, %dma_start3A_536, %dma_start3A_537] : memref<200x4x128x8x128xf32, #tpu.memory_space<hbm>> -> memref<1x4x1x8x128xf32, #tpu.memory_space<hbm>>
    %dma_start3A_539 = tpu.memref_squeeze %dma_start3A_538 : memref<1x4x1x8x128xf32, #tpu.memory_space<hbm>> -> memref<4x8x128xf32, #tpu.memory_space<hbm>>
    %dma_start3A_540 = arith.constant 0 : i32
    %dma_start3A_541 = arith.constant 0 : i32
    %dma_start3A_542 = arith.constant 0 : i32
    %dma_start3A_543 = tpu.memref_slice %arg4[%dma_start3A_529, %dma_start3A_540, %add3A_527, %dma_start3A_541, %dma_start3A_542] : memref<200x4x128x8x128xf32, #tpu.memory_space<hbm>> -> memref<1x4x1x8x128xf32, #tpu.memory_space<hbm>>
    %dma_start3A_544 = tpu.memref_squeeze %dma_start3A_543 : memref<1x4x1x8x128xf32, #tpu.memory_space<hbm>> -> memref<4x8x128xf32, #tpu.memory_space<hbm>>
    %dma_start3A_545 = arith.constant 0 : i32
    %dma_start3A_546 = arith.constant 0 : i32
    %dma_start3A_547 = arith.constant 0 : i32
    %dma_start3A_548 = tpu.memref_slice %arg7[%dma_start3A_528, %dma_start3A_545, %dma_start3A_546, %dma_start3A_547] : memref<8x4x8x128xf32, #tpu.memory_space<vmem>> -> memref<1x4x8x128xf32, #tpu.memory_space<vmem>>
    %dma_start3A_549 = tpu.memref_squeeze %dma_start3A_548 : memref<1x4x8x128xf32, #tpu.memory_space<vmem>> -> memref<4x8x128xf32, #tpu.memory_space<vmem>>
    tpu.enqueue_dma source(%dma_start3A_549 : memref<4x8x128xf32, #tpu.memory_space<vmem>>) target(%dma_start3A_544 : memref<4x8x128xf32, #tpu.memory_space<hbm>>) target_semaphore(%arg9 : memref<!tpu.dma_semaphore, #tpu.memory_space<semaphore_mem>>)
    %add3A_550 = arith.constant 3 : i32
    %add3A_551 = arith.addi %mul3A_2, %add3A_550 : i32
    %dma_start3A_552 = arith.constant 6 : i32
    %dma_start3A_553 = arith.constant 198 : i32
    %dma_start3A_554 = arith.constant 0 : i32
    %dma_start3A_555 = arith.constant 0 : i32
    %dma_start3A_556 = arith.constant 0 : i32
    %dma_start3A_557 = tpu.memref_slice %arg7[%dma_start3A_552, %dma_start3A_554, %dma_start3A_555, %dma_start3A_556] : memref<8x4x8x128xf32, #tpu.memory_space<vmem>> -> memref<1x4x8x128xf32, #tpu.memory_space<vmem>>
    %dma_start3A_558 = tpu.memref_squeeze %dma_start3A_557 : memref<1x4x8x128xf32, #tpu.memory_space<vmem>> -> memref<4x8x128xf32, #tpu.memory_space<vmem>>
    %dma_start3A_559 = arith.constant 0 : i32
    %dma_start3A_560 = arith.constant 0 : i32
    %dma_start3A_561 = arith.constant 0 : i32
    %dma_start3A_562 = tpu.memref_slice %arg4[%dma_start3A_553, %dma_start3A_559, %add3A_551, %dma_start3A_560, %dma_start3A_561] : memref<200x4x128x8x128xf32, #tpu.memory_space<hbm>> -> memref<1x4x1x8x128xf32, #tpu.memory_space<hbm>>
    %dma_start3A_563 = tpu.memref_squeeze %dma_start3A_562 : memref<1x4x1x8x128xf32, #tpu.memory_space<hbm>> -> memref<4x8x128xf32, #tpu.memory_space<hbm>>
    %dma_start3A_564 = arith.constant 0 : i32
    %dma_start3A_565 = arith.constant 0 : i32
    %dma_start3A_566 = arith.constant 0 : i32
    %dma_start3A_567 = tpu.memref_slice %arg4[%dma_start3A_553, %dma_start3A_564, %add3A_551, %dma_start3A_565, %dma_start3A_566] : memref<200x4x128x8x128xf32, #tpu.memory_space<hbm>> -> memref<1x4x1x8x128xf32, #tpu.memory_space<hbm>>
    %dma_start3A_568 = tpu.memref_squeeze %dma_start3A_567 : memref<1x4x1x8x128xf32, #tpu.memory_space<hbm>> -> memref<4x8x128xf32, #tpu.memory_space<hbm>>
    %dma_start3A_569 = arith.constant 0 : i32
    %dma_start3A_570 = arith.constant 0 : i32
    %dma_start3A_571 = arith.constant 0 : i32
    %dma_start3A_572 = tpu.memref_slice %arg7[%dma_start3A_552, %dma_start3A_569, %dma_start3A_570, %dma_start3A_571] : memref<8x4x8x128xf32, #tpu.memory_space<vmem>> -> memref<1x4x8x128xf32, #tpu.memory_space<vmem>>
    %dma_start3A_573 = tpu.memref_squeeze %dma_start3A_572 : memref<1x4x8x128xf32, #tpu.memory_space<vmem>> -> memref<4x8x128xf32, #tpu.memory_space<vmem>>
    tpu.enqueue_dma source(%dma_start3A_573 : memref<4x8x128xf32, #tpu.memory_space<vmem>>) target(%dma_start3A_568 : memref<4x8x128xf32, #tpu.memory_space<hbm>>) target_semaphore(%arg9 : memref<!tpu.dma_semaphore, #tpu.memory_space<semaphore_mem>>)
    %add3A_574 = arith.constant 3 : i32
    %add3A_575 = arith.addi %mul3A_2, %add3A_574 : i32
    %dma_start3A_576 = arith.constant 7 : i32
    %dma_start3A_577 = arith.constant 199 : i32
    %dma_start3A_578 = arith.constant 0 : i32
    %dma_start3A_579 = arith.constant 0 : i32
    %dma_start3A_580 = arith.constant 0 : i32
    %dma_start3A_581 = tpu.memref_slice %arg7[%dma_start3A_576, %dma_start3A_578, %dma_start3A_579, %dma_start3A_580] : memref<8x4x8x128xf32, #tpu.memory_space<vmem>> -> memref<1x4x8x128xf32, #tpu.memory_space<vmem>>
    %dma_start3A_582 = tpu.memref_squeeze %dma_start3A_581 : memref<1x4x8x128xf32, #tpu.memory_space<vmem>> -> memref<4x8x128xf32, #tpu.memory_space<vmem>>
    %dma_start3A_583 = arith.constant 0 : i32
    %dma_start3A_584 = arith.constant 0 : i32
    %dma_start3A_585 = arith.constant 0 : i32
    %dma_start3A_586 = tpu.memref_slice %arg4[%dma_start3A_577, %dma_start3A_583, %add3A_575, %dma_start3A_584, %dma_start3A_585] : memref<200x4x128x8x128xf32, #tpu.memory_space<hbm>> -> memref<1x4x1x8x128xf32, #tpu.memory_space<hbm>>
    %dma_start3A_587 = tpu.memref_squeeze %dma_start3A_586 : memref<1x4x1x8x128xf32, #tpu.memory_space<hbm>> -> memref<4x8x128xf32, #tpu.memory_space<hbm>>
    %dma_start3A_588 = arith.constant 0 : i32
    %dma_start3A_589 = arith.constant 0 : i32
    %dma_start3A_590 = arith.constant 0 : i32
    %dma_start3A_591 = tpu.memref_slice %arg4[%dma_start3A_577, %dma_start3A_588, %add3A_575, %dma_start3A_589, %dma_start3A_590] : memref<200x4x128x8x128xf32, #tpu.memory_space<hbm>> -> memref<1x4x1x8x128xf32, #tpu.memory_space<hbm>>
    %dma_start3A_592 = tpu.memref_squeeze %dma_start3A_591 : memref<1x4x1x8x128xf32, #tpu.memory_space<hbm>> -> memref<4x8x128xf32, #tpu.memory_space<hbm>>
    %dma_start3A_593 = arith.constant 0 : i32
    %dma_start3A_594 = arith.constant 0 : i32
    %dma_start3A_595 = arith.constant 0 : i32
    %dma_start3A_596 = tpu.memref_slice %arg7[%dma_start3A_576, %dma_start3A_593, %dma_start3A_594, %dma_start3A_595] : memref<8x4x8x128xf32, #tpu.memory_space<vmem>> -> memref<1x4x8x128xf32, #tpu.memory_space<vmem>>
    %dma_start3A_597 = tpu.memref_squeeze %dma_start3A_596 : memref<1x4x8x128xf32, #tpu.memory_space<vmem>> -> memref<4x8x128xf32, #tpu.memory_space<vmem>>
    tpu.enqueue_dma source(%dma_start3A_597 : memref<4x8x128xf32, #tpu.memory_space<vmem>>) target(%dma_start3A_592 : memref<4x8x128xf32, #tpu.memory_space<hbm>>) target_semaphore(%arg9 : memref<!tpu.dma_semaphore, #tpu.memory_space<semaphore_mem>>)
    %dma_wait3A_598 = arith.constant 0 : i32
    %dma_wait3A_599 = arith.constant 0 : i32
    %dma_wait3A_600 = arith.constant 0 : i32
    %dma_wait3A_601 = arith.constant 0 : i32
    %dma_wait3A_602 = arith.constant 0 : i32
    %dma_wait3A_603 = arith.constant 0 : i32
    %dma_wait3A_604 = tpu.memref_slice %arg7[%dma_wait3A_598, %dma_wait3A_601, %dma_wait3A_602, %dma_wait3A_603] : memref<8x4x8x128xf32, #tpu.memory_space<vmem>> -> memref<1x4x8x128xf32, #tpu.memory_space<vmem>>
    %dma_wait3A_605 = tpu.memref_squeeze %dma_wait3A_604 : memref<1x4x8x128xf32, #tpu.memory_space<vmem>> -> memref<4x8x128xf32, #tpu.memory_space<vmem>>
    %dma_wait3A_606 = arith.constant 0 : i32
    %dma_wait3A_607 = arith.constant 0 : i32
    %dma_wait3A_608 = arith.constant 0 : i32
    %dma_wait3A_609 = tpu.memref_slice %arg4[%dma_wait3A_599, %dma_wait3A_606, %dma_wait3A_600, %dma_wait3A_607, %dma_wait3A_608] : memref<200x4x128x8x128xf32, #tpu.memory_space<hbm>> -> memref<1x4x1x8x128xf32, #tpu.memory_space<hbm>>
    %dma_wait3A_610 = tpu.memref_squeeze %dma_wait3A_609 : memref<1x4x1x8x128xf32, #tpu.memory_space<hbm>> -> memref<4x8x128xf32, #tpu.memory_space<hbm>>
    %dma_wait3A_611 = arith.constant 0 : i32
    %dma_wait3A_612 = arith.constant 0 : i32
    %dma_wait3A_613 = arith.constant 0 : i32
    %dma_wait3A_614 = tpu.memref_slice %arg4[%dma_wait3A_599, %dma_wait3A_611, %dma_wait3A_600, %dma_wait3A_612, %dma_wait3A_613] : memref<200x4x128x8x128xf32, #tpu.memory_space<hbm>> -> memref<1x4x1x8x128xf32, #tpu.memory_space<hbm>>
    %dma_wait3A_615 = tpu.memref_squeeze %dma_wait3A_614 : memref<1x4x1x8x128xf32, #tpu.memory_space<hbm>> -> memref<4x8x128xf32, #tpu.memory_space<hbm>>
    %dma_wait3A_616 = arith.constant 0 : i32
    %dma_wait3A_617 = arith.constant 0 : i32
    %dma_wait3A_618 = arith.constant 0 : i32
    %dma_wait3A_619 = tpu.memref_slice %arg7[%dma_wait3A_598, %dma_wait3A_616, %dma_wait3A_617, %dma_wait3A_618] : memref<8x4x8x128xf32, #tpu.memory_space<vmem>> -> memref<1x4x8x128xf32, #tpu.memory_space<vmem>>
    %dma_wait3A_620 = tpu.memref_squeeze %dma_wait3A_619 : memref<1x4x8x128xf32, #tpu.memory_space<vmem>> -> memref<4x8x128xf32, #tpu.memory_space<vmem>>
    tpu.wait_dma2 semaphore(%arg9 : memref<!tpu.dma_semaphore, #tpu.memory_space<semaphore_mem>>) src(%dma_wait3A_620 : memref<4x8x128xf32, #tpu.memory_space<vmem>>) dst(%dma_wait3A_615 : memref<4x8x128xf32, #tpu.memory_space<hbm>>)
    %dma_wait3A_621 = arith.constant 1 : i32
    %dma_wait3A_622 = arith.constant 0 : i32
    %dma_wait3A_623 = arith.constant 0 : i32
    %dma_wait3A_624 = arith.constant 0 : i32
    %dma_wait3A_625 = arith.constant 0 : i32
    %dma_wait3A_626 = arith.constant 0 : i32
    %dma_wait3A_627 = tpu.memref_slice %arg7[%dma_wait3A_621, %dma_wait3A_624, %dma_wait3A_625, %dma_wait3A_626] : memref<8x4x8x128xf32, #tpu.memory_space<vmem>> -> memref<1x4x8x128xf32, #tpu.memory_space<vmem>>
    %dma_wait3A_628 = tpu.memref_squeeze %dma_wait3A_627 : memref<1x4x8x128xf32, #tpu.memory_space<vmem>> -> memref<4x8x128xf32, #tpu.memory_space<vmem>>
    %dma_wait3A_629 = arith.constant 0 : i32
    %dma_wait3A_630 = arith.constant 0 : i32
    %dma_wait3A_631 = arith.constant 0 : i32
    %dma_wait3A_632 = tpu.memref_slice %arg4[%dma_wait3A_622, %dma_wait3A_629, %dma_wait3A_623, %dma_wait3A_630, %dma_wait3A_631] : memref<200x4x128x8x128xf32, #tpu.memory_space<hbm>> -> memref<1x4x1x8x128xf32, #tpu.memory_space<hbm>>
    %dma_wait3A_633 = tpu.memref_squeeze %dma_wait3A_632 : memref<1x4x1x8x128xf32, #tpu.memory_space<hbm>> -> memref<4x8x128xf32, #tpu.memory_space<hbm>>
    %dma_wait3A_634 = arith.constant 0 : i32
    %dma_wait3A_635 = arith.constant 0 : i32
    %dma_wait3A_636 = arith.constant 0 : i32
    %dma_wait3A_637 = tpu.memref_slice %arg4[%dma_wait3A_622, %dma_wait3A_634, %dma_wait3A_623, %dma_wait3A_635, %dma_wait3A_636] : memref<200x4x128x8x128xf32, #tpu.memory_space<hbm>> -> memref<1x4x1x8x128xf32, #tpu.memory_space<hbm>>
    %dma_wait3A_638 = tpu.memref_squeeze %dma_wait3A_637 : memref<1x4x1x8x128xf32, #tpu.memory_space<hbm>> -> memref<4x8x128xf32, #tpu.memory_space<hbm>>
    %dma_wait3A_639 = arith.constant 0 : i32
    %dma_wait3A_640 = arith.constant 0 : i32
    %dma_wait3A_641 = arith.constant 0 : i32
    %dma_wait3A_642 = tpu.memref_slice %arg7[%dma_wait3A_621, %dma_wait3A_639, %dma_wait3A_640, %dma_wait3A_641] : memref<8x4x8x128xf32, #tpu.memory_space<vmem>> -> memref<1x4x8x128xf32, #tpu.memory_space<vmem>>
    %dma_wait3A_643 = tpu.memref_squeeze %dma_wait3A_642 : memref<1x4x8x128xf32, #tpu.memory_space<vmem>> -> memref<4x8x128xf32, #tpu.memory_space<vmem>>
    tpu.wait_dma2 semaphore(%arg9 : memref<!tpu.dma_semaphore, #tpu.memory_space<semaphore_mem>>) src(%dma_wait3A_643 : memref<4x8x128xf32, #tpu.memory_space<vmem>>) dst(%dma_wait3A_638 : memref<4x8x128xf32, #tpu.memory_space<hbm>>)
    %dma_wait3A_644 = arith.constant 2 : i32
    %dma_wait3A_645 = arith.constant 0 : i32
    %dma_wait3A_646 = arith.constant 0 : i32
    %dma_wait3A_647 = arith.constant 0 : i32
    %dma_wait3A_648 = arith.constant 0 : i32
    %dma_wait3A_649 = arith.constant 0 : i32
    %dma_wait3A_650 = tpu.memref_slice %arg7[%dma_wait3A_644, %dma_wait3A_647, %dma_wait3A_648, %dma_wait3A_649] : memref<8x4x8x128xf32, #tpu.memory_space<vmem>> -> memref<1x4x8x128xf32, #tpu.memory_space<vmem>>
    %dma_wait3A_651 = tpu.memref_squeeze %dma_wait3A_650 : memref<1x4x8x128xf32, #tpu.memory_space<vmem>> -> memref<4x8x128xf32, #tpu.memory_space<vmem>>
    %dma_wait3A_652 = arith.constant 0 : i32
    %dma_wait3A_653 = arith.constant 0 : i32
    %dma_wait3A_654 = arith.constant 0 : i32
    %dma_wait3A_655 = tpu.memref_slice %arg4[%dma_wait3A_645, %dma_wait3A_652, %dma_wait3A_646, %dma_wait3A_653, %dma_wait3A_654] : memref<200x4x128x8x128xf32, #tpu.memory_space<hbm>> -> memref<1x4x1x8x128xf32, #tpu.memory_space<hbm>>
    %dma_wait3A_656 = tpu.memref_squeeze %dma_wait3A_655 : memref<1x4x1x8x128xf32, #tpu.memory_space<hbm>> -> memref<4x8x128xf32, #tpu.memory_space<hbm>>
    %dma_wait3A_657 = arith.constant 0 : i32
    %dma_wait3A_658 = arith.constant 0 : i32
    %dma_wait3A_659 = arith.constant 0 : i32
    %dma_wait3A_660 = tpu.memref_slice %arg4[%dma_wait3A_645, %dma_wait3A_657, %dma_wait3A_646, %dma_wait3A_658, %dma_wait3A_659] : memref<200x4x128x8x128xf32, #tpu.memory_space<hbm>> -> memref<1x4x1x8x128xf32, #tpu.memory_space<hbm>>
    %dma_wait3A_661 = tpu.memref_squeeze %dma_wait3A_660 : memref<1x4x1x8x128xf32, #tpu.memory_space<hbm>> -> memref<4x8x128xf32, #tpu.memory_space<hbm>>
    %dma_wait3A_662 = arith.constant 0 : i32
    %dma_wait3A_663 = arith.constant 0 : i32
    %dma_wait3A_664 = arith.constant 0 : i32
    %dma_wait3A_665 = tpu.memref_slice %arg7[%dma_wait3A_644, %dma_wait3A_662, %dma_wait3A_663, %dma_wait3A_664] : memref<8x4x8x128xf32, #tpu.memory_space<vmem>> -> memref<1x4x8x128xf32, #tpu.memory_space<vmem>>
    %dma_wait3A_666 = tpu.memref_squeeze %dma_wait3A_665 : memref<1x4x8x128xf32, #tpu.memory_space<vmem>> -> memref<4x8x128xf32, #tpu.memory_space<vmem>>
    tpu.wait_dma2 semaphore(%arg9 : memref<!tpu.dma_semaphore, #tpu.memory_space<semaphore_mem>>) src(%dma_wait3A_666 : memref<4x8x128xf32, #tpu.memory_space<vmem>>) dst(%dma_wait3A_661 : memref<4x8x128xf32, #tpu.memory_space<hbm>>)
    %dma_wait3A_667 = arith.constant 3 : i32
    %dma_wait3A_668 = arith.constant 0 : i32
    %dma_wait3A_669 = arith.constant 0 : i32
    %dma_wait3A_670 = arith.constant 0 : i32
    %dma_wait3A_671 = arith.constant 0 : i32
    %dma_wait3A_672 = arith.constant 0 : i32
    %dma_wait3A_673 = tpu.memref_slice %arg7[%dma_wait3A_667, %dma_wait3A_670, %dma_wait3A_671, %dma_wait3A_672] : memref<8x4x8x128xf32, #tpu.memory_space<vmem>> -> memref<1x4x8x128xf32, #tpu.memory_space<vmem>>
    %dma_wait3A_674 = tpu.memref_squeeze %dma_wait3A_673 : memref<1x4x8x128xf32, #tpu.memory_space<vmem>> -> memref<4x8x128xf32, #tpu.memory_space<vmem>>
    %dma_wait3A_675 = arith.constant 0 : i32
    %dma_wait3A_676 = arith.constant 0 : i32
    %dma_wait3A_677 = arith.constant 0 : i32
    %dma_wait3A_678 = tpu.memref_slice %arg4[%dma_wait3A_668, %dma_wait3A_675, %dma_wait3A_669, %dma_wait3A_676, %dma_wait3A_677] : memref<200x4x128x8x128xf32, #tpu.memory_space<hbm>> -> memref<1x4x1x8x128xf32, #tpu.memory_space<hbm>>
    %dma_wait3A_679 = tpu.memref_squeeze %dma_wait3A_678 : memref<1x4x1x8x128xf32, #tpu.memory_space<hbm>> -> memref<4x8x128xf32, #tpu.memory_space<hbm>>
    %dma_wait3A_680 = arith.constant 0 : i32
    %dma_wait3A_681 = arith.constant 0 : i32
    %dma_wait3A_682 = arith.constant 0 : i32
    %dma_wait3A_683 = tpu.memref_slice %arg4[%dma_wait3A_668, %dma_wait3A_680, %dma_wait3A_669, %dma_wait3A_681, %dma_wait3A_682] : memref<200x4x128x8x128xf32, #tpu.memory_space<hbm>> -> memref<1x4x1x8x128xf32, #tpu.memory_space<hbm>>
    %dma_wait3A_684 = tpu.memref_squeeze %dma_wait3A_683 : memref<1x4x1x8x128xf32, #tpu.memory_space<hbm>> -> memref<4x8x128xf32, #tpu.memory_space<hbm>>
    %dma_wait3A_685 = arith.constant 0 : i32
    %dma_wait3A_686 = arith.constant 0 : i32
    %dma_wait3A_687 = arith.constant 0 : i32
    %dma_wait3A_688 = tpu.memref_slice %arg7[%dma_wait3A_667, %dma_wait3A_685, %dma_wait3A_686, %dma_wait3A_687] : memref<8x4x8x128xf32, #tpu.memory_space<vmem>> -> memref<1x4x8x128xf32, #tpu.memory_space<vmem>>
    %dma_wait3A_689 = tpu.memref_squeeze %dma_wait3A_688 : memref<1x4x8x128xf32, #tpu.memory_space<vmem>> -> memref<4x8x128xf32, #tpu.memory_space<vmem>>
    tpu.wait_dma2 semaphore(%arg9 : memref<!tpu.dma_semaphore, #tpu.memory_space<semaphore_mem>>) src(%dma_wait3A_689 : memref<4x8x128xf32, #tpu.memory_space<vmem>>) dst(%dma_wait3A_684 : memref<4x8x128xf32, #tpu.memory_space<hbm>>)
    %dma_wait3A_690 = arith.constant 4 : i32
    %dma_wait3A_691 = arith.constant 0 : i32
    %dma_wait3A_692 = arith.constant 0 : i32
    %dma_wait3A_693 = arith.constant 0 : i32
    %dma_wait3A_694 = arith.constant 0 : i32
    %dma_wait3A_695 = arith.constant 0 : i32
    %dma_wait3A_696 = tpu.memref_slice %arg7[%dma_wait3A_690, %dma_wait3A_693, %dma_wait3A_694, %dma_wait3A_695] : memref<8x4x8x128xf32, #tpu.memory_space<vmem>> -> memref<1x4x8x128xf32, #tpu.memory_space<vmem>>
    %dma_wait3A_697 = tpu.memref_squeeze %dma_wait3A_696 : memref<1x4x8x128xf32, #tpu.memory_space<vmem>> -> memref<4x8x128xf32, #tpu.memory_space<vmem>>
    %dma_wait3A_698 = arith.constant 0 : i32
    %dma_wait3A_699 = arith.constant 0 : i32
    %dma_wait3A_700 = arith.constant 0 : i32
    %dma_wait3A_701 = tpu.memref_slice %arg4[%dma_wait3A_691, %dma_wait3A_698, %dma_wait3A_692, %dma_wait3A_699, %dma_wait3A_700] : memref<200x4x128x8x128xf32, #tpu.memory_space<hbm>> -> memref<1x4x1x8x128xf32, #tpu.memory_space<hbm>>
    %dma_wait3A_702 = tpu.memref_squeeze %dma_wait3A_701 : memref<1x4x1x8x128xf32, #tpu.memory_space<hbm>> -> memref<4x8x128xf32, #tpu.memory_space<hbm>>
    %dma_wait3A_703 = arith.constant 0 : i32
    %dma_wait3A_704 = arith.constant 0 : i32
    %dma_wait3A_705 = arith.constant 0 : i32
    %dma_wait3A_706 = tpu.memref_slice %arg4[%dma_wait3A_691, %dma_wait3A_703, %dma_wait3A_692, %dma_wait3A_704, %dma_wait3A_705] : memref<200x4x128x8x128xf32, #tpu.memory_space<hbm>> -> memref<1x4x1x8x128xf32, #tpu.memory_space<hbm>>
    %dma_wait3A_707 = tpu.memref_squeeze %dma_wait3A_706 : memref<1x4x1x8x128xf32, #tpu.memory_space<hbm>> -> memref<4x8x128xf32, #tpu.memory_space<hbm>>
    %dma_wait3A_708 = arith.constant 0 : i32
    %dma_wait3A_709 = arith.constant 0 : i32
    %dma_wait3A_710 = arith.constant 0 : i32
    %dma_wait3A_711 = tpu.memref_slice %arg7[%dma_wait3A_690, %dma_wait3A_708, %dma_wait3A_709, %dma_wait3A_710] : memref<8x4x8x128xf32, #tpu.memory_space<vmem>> -> memref<1x4x8x128xf32, #tpu.memory_space<vmem>>
    %dma_wait3A_712 = tpu.memref_squeeze %dma_wait3A_711 : memref<1x4x8x128xf32, #tpu.memory_space<vmem>> -> memref<4x8x128xf32, #tpu.memory_space<vmem>>
    tpu.wait_dma2 semaphore(%arg9 : memref<!tpu.dma_semaphore, #tpu.memory_space<semaphore_mem>>) src(%dma_wait3A_712 : memref<4x8x128xf32, #tpu.memory_space<vmem>>) dst(%dma_wait3A_707 : memref<4x8x128xf32, #tpu.memory_space<hbm>>)
    %dma_wait3A_713 = arith.constant 5 : i32
    %dma_wait3A_714 = arith.constant 0 : i32
    %dma_wait3A_715 = arith.constant 0 : i32
    %dma_wait3A_716 = arith.constant 0 : i32
    %dma_wait3A_717 = arith.constant 0 : i32
    %dma_wait3A_718 = arith.constant 0 : i32
    %dma_wait3A_719 = tpu.memref_slice %arg7[%dma_wait3A_713, %dma_wait3A_716, %dma_wait3A_717, %dma_wait3A_718] : memref<8x4x8x128xf32, #tpu.memory_space<vmem>> -> memref<1x4x8x128xf32, #tpu.memory_space<vmem>>
    %dma_wait3A_720 = tpu.memref_squeeze %dma_wait3A_719 : memref<1x4x8x128xf32, #tpu.memory_space<vmem>> -> memref<4x8x128xf32, #tpu.memory_space<vmem>>
    %dma_wait3A_721 = arith.constant 0 : i32
    %dma_wait3A_722 = arith.constant 0 : i32
    %dma_wait3A_723 = arith.constant 0 : i32
    %dma_wait3A_724 = tpu.memref_slice %arg4[%dma_wait3A_714, %dma_wait3A_721, %dma_wait3A_715, %dma_wait3A_722, %dma_wait3A_723] : memref<200x4x128x8x128xf32, #tpu.memory_space<hbm>> -> memref<1x4x1x8x128xf32, #tpu.memory_space<hbm>>
    %dma_wait3A_725 = tpu.memref_squeeze %dma_wait3A_724 : memref<1x4x1x8x128xf32, #tpu.memory_space<hbm>> -> memref<4x8x128xf32, #tpu.memory_space<hbm>>
    %dma_wait3A_726 = arith.constant 0 : i32
    %dma_wait3A_727 = arith.constant 0 : i32
    %dma_wait3A_728 = arith.constant 0 : i32
    %dma_wait3A_729 = tpu.memref_slice %arg4[%dma_wait3A_714, %dma_wait3A_726, %dma_wait3A_715, %dma_wait3A_727, %dma_wait3A_728] : memref<200x4x128x8x128xf32, #tpu.memory_space<hbm>> -> memref<1x4x1x8x128xf32, #tpu.memory_space<hbm>>
    %dma_wait3A_730 = tpu.memref_squeeze %dma_wait3A_729 : memref<1x4x1x8x128xf32, #tpu.memory_space<hbm>> -> memref<4x8x128xf32, #tpu.memory_space<hbm>>
    %dma_wait3A_731 = arith.constant 0 : i32
    %dma_wait3A_732 = arith.constant 0 : i32
    %dma_wait3A_733 = arith.constant 0 : i32
    %dma_wait3A_734 = tpu.memref_slice %arg7[%dma_wait3A_713, %dma_wait3A_731, %dma_wait3A_732, %dma_wait3A_733] : memref<8x4x8x128xf32, #tpu.memory_space<vmem>> -> memref<1x4x8x128xf32, #tpu.memory_space<vmem>>
    %dma_wait3A_735 = tpu.memref_squeeze %dma_wait3A_734 : memref<1x4x8x128xf32, #tpu.memory_space<vmem>> -> memref<4x8x128xf32, #tpu.memory_space<vmem>>
    tpu.wait_dma2 semaphore(%arg9 : memref<!tpu.dma_semaphore, #tpu.memory_space<semaphore_mem>>) src(%dma_wait3A_735 : memref<4x8x128xf32, #tpu.memory_space<vmem>>) dst(%dma_wait3A_730 : memref<4x8x128xf32, #tpu.memory_space<hbm>>)
    %dma_wait3A_736 = arith.constant 6 : i32
    %dma_wait3A_737 = arith.constant 0 : i32
    %dma_wait3A_738 = arith.constant 0 : i32
    %dma_wait3A_739 = arith.constant 0 : i32
    %dma_wait3A_740 = arith.constant 0 : i32
    %dma_wait3A_741 = arith.constant 0 : i32
    %dma_wait3A_742 = tpu.memref_slice %arg7[%dma_wait3A_736, %dma_wait3A_739, %dma_wait3A_740, %dma_wait3A_741] : memref<8x4x8x128xf32, #tpu.memory_space<vmem>> -> memref<1x4x8x128xf32, #tpu.memory_space<vmem>>
    %dma_wait3A_743 = tpu.memref_squeeze %dma_wait3A_742 : memref<1x4x8x128xf32, #tpu.memory_space<vmem>> -> memref<4x8x128xf32, #tpu.memory_space<vmem>>
    %dma_wait3A_744 = arith.constant 0 : i32
    %dma_wait3A_745 = arith.constant 0 : i32
    %dma_wait3A_746 = arith.constant 0 : i32
    %dma_wait3A_747 = tpu.memref_slice %arg4[%dma_wait3A_737, %dma_wait3A_744, %dma_wait3A_738, %dma_wait3A_745, %dma_wait3A_746] : memref<200x4x128x8x128xf32, #tpu.memory_space<hbm>> -> memref<1x4x1x8x128xf32, #tpu.memory_space<hbm>>
    %dma_wait3A_748 = tpu.memref_squeeze %dma_wait3A_747 : memref<1x4x1x8x128xf32, #tpu.memory_space<hbm>> -> memref<4x8x128xf32, #tpu.memory_space<hbm>>
    %dma_wait3A_749 = arith.constant 0 : i32
    %dma_wait3A_750 = arith.constant 0 : i32
    %dma_wait3A_751 = arith.constant 0 : i32
    %dma_wait3A_752 = tpu.memref_slice %arg4[%dma_wait3A_737, %dma_wait3A_749, %dma_wait3A_738, %dma_wait3A_750, %dma_wait3A_751] : memref<200x4x128x8x128xf32, #tpu.memory_space<hbm>> -> memref<1x4x1x8x128xf32, #tpu.memory_space<hbm>>
    %dma_wait3A_753 = tpu.memref_squeeze %dma_wait3A_752 : memref<1x4x1x8x128xf32, #tpu.memory_space<hbm>> -> memref<4x8x128xf32, #tpu.memory_space<hbm>>
    %dma_wait3A_754 = arith.constant 0 : i32
    %dma_wait3A_755 = arith.constant 0 : i32
    %dma_wait3A_756 = arith.constant 0 : i32
    %dma_wait3A_757 = tpu.memref_slice %arg7[%dma_wait3A_736, %dma_wait3A_754, %dma_wait3A_755, %dma_wait3A_756] : memref<8x4x8x128xf32, #tpu.memory_space<vmem>> -> memref<1x4x8x128xf32, #tpu.memory_space<vmem>>
    %dma_wait3A_758 = tpu.memref_squeeze %dma_wait3A_757 : memref<1x4x8x128xf32, #tpu.memory_space<vmem>> -> memref<4x8x128xf32, #tpu.memory_space<vmem>>
    tpu.wait_dma2 semaphore(%arg9 : memref<!tpu.dma_semaphore, #tpu.memory_space<semaphore_mem>>) src(%dma_wait3A_758 : memref<4x8x128xf32, #tpu.memory_space<vmem>>) dst(%dma_wait3A_753 : memref<4x8x128xf32, #tpu.memory_space<hbm>>)
    %dma_wait3A_759 = arith.constant 7 : i32
    %dma_wait3A_760 = arith.constant 0 : i32
    %dma_wait3A_761 = arith.constant 0 : i32
    %dma_wait3A_762 = arith.constant 0 : i32
    %dma_wait3A_763 = arith.constant 0 : i32
    %dma_wait3A_764 = arith.constant 0 : i32
    %dma_wait3A_765 = tpu.memref_slice %arg7[%dma_wait3A_759, %dma_wait3A_762, %dma_wait3A_763, %dma_wait3A_764] : memref<8x4x8x128xf32, #tpu.memory_space<vmem>> -> memref<1x4x8x128xf32, #tpu.memory_space<vmem>>
    %dma_wait3A_766 = tpu.memref_squeeze %dma_wait3A_765 : memref<1x4x8x128xf32, #tpu.memory_space<vmem>> -> memref<4x8x128xf32, #tpu.memory_space<vmem>>
    %dma_wait3A_767 = arith.constant 0 : i32
    %dma_wait3A_768 = arith.constant 0 : i32
    %dma_wait3A_769 = arith.constant 0 : i32
    %dma_wait3A_770 = tpu.memref_slice %arg4[%dma_wait3A_760, %dma_wait3A_767, %dma_wait3A_761, %dma_wait3A_768, %dma_wait3A_769] : memref<200x4x128x8x128xf32, #tpu.memory_space<hbm>> -> memref<1x4x1x8x128xf32, #tpu.memory_space<hbm>>
    %dma_wait3A_771 = tpu.memref_squeeze %dma_wait3A_770 : memref<1x4x1x8x128xf32, #tpu.memory_space<hbm>> -> memref<4x8x128xf32, #tpu.memory_space<hbm>>
    %dma_wait3A_772 = arith.constant 0 : i32
    %dma_wait3A_773 = arith.constant 0 : i32
    %dma_wait3A_774 = arith.constant 0 : i32
    %dma_wait3A_775 = tpu.memref_slice %arg4[%dma_wait3A_760, %dma_wait3A_772, %dma_wait3A_761, %dma_wait3A_773, %dma_wait3A_774] : memref<200x4x128x8x128xf32, #tpu.memory_space<hbm>> -> memref<1x4x1x8x128xf32, #tpu.memory_space<hbm>>
    %dma_wait3A_776 = tpu.memref_squeeze %dma_wait3A_775 : memref<1x4x1x8x128xf32, #tpu.memory_space<hbm>> -> memref<4x8x128xf32, #tpu.memory_space<hbm>>
    %dma_wait3A_777 = arith.constant 0 : i32
    %dma_wait3A_778 = arith.constant 0 : i32
    %dma_wait3A_779 = arith.constant 0 : i32
    %dma_wait3A_780 = tpu.memref_slice %arg7[%dma_wait3A_759, %dma_wait3A_777, %dma_wait3A_778, %dma_wait3A_779] : memref<8x4x8x128xf32, #tpu.memory_space<vmem>> -> memref<1x4x8x128xf32, #tpu.memory_space<vmem>>
    %dma_wait3A_781 = tpu.memref_squeeze %dma_wait3A_780 : memref<1x4x8x128xf32, #tpu.memory_space<vmem>> -> memref<4x8x128xf32, #tpu.memory_space<vmem>>
    tpu.wait_dma2 semaphore(%arg9 : memref<!tpu.dma_semaphore, #tpu.memory_space<semaphore_mem>>) src(%dma_wait3A_781 : memref<4x8x128xf32, #tpu.memory_space<vmem>>) dst(%dma_wait3A_776 : memref<4x8x128xf32, #tpu.memory_space<hbm>>)
    return
  }
}

</mosaic_0001>

<sc_bundles>
// kernel: kernel.3.cloned.1.call-start
scs
__scs_entry_jumppad:
0x0: {  	(pc) =	sbr.rel $0x88, $3  }
0x1: {  	(tag) =	ssettag $0x0;
	lr =	simm.s32 $0x1  }
0x2: {  	[smem:$0x3F9F] =	sst lr;
	_ =	strace $0xD0000000  }
0x3: {  	_ = 	snop  }
0x4: {  	_ = 	snop  }
0x5: {  	_ = 	snop  }
0x6: {  	_ = 	snop  }
0x7: {  	_ = 	snop  }
__scs_overlays_trampoline_lowered:
0x8: {  	[smem:$0x3FAE] =	sst s0  }
0x9: {  	[smem:$0x3FAF] =	sst s1  }
0xa: {  	[smem:$0x3FB0] =	sst s2  }
0xb: {  	[smem:$0x3FB1] =	sst s3  }
0xc: {  	[smem:$0x3FB2] =	sst s4  }
0xd: {  	[smem:$0x3FB3] =	sst s5  }
0xe: {  	[smem:$0x3FB4] =	sst s6  }
0xf: {  	[smem:$0x3FB5] =	sst s7  }
0x10: {  	[smem:$0x3FB6] =	sst s8  }
0x11: {  	[smem:$0x3FB7] =	sst s9;
	s0 =	simm.s32 @!p0 $0x0  }
0x12: {  	s1 =	sld [smem:$0x3F9D];
	s0 =	simm.s32 @p0 $0x1  }
0x13: {  	[smem:$0x3FB8] =	sst s0;
	s0 =	simm.s32 @!p1 $0x0  }
0x14: {  	s2 =	sld [smem:$0x3F9C];
	s0 =	simm.s32 @p1 $0x1  }
0x15: {  	[smem:$0x3FB9] =	sst s0;
	s0 =	simm.s32 @!p2 $0x0  }
0x16: {  	s3 =	sld [smem:$0x3FDB];
	s0 =	simm.s32 @p2 $0x1  }
0x17: {  	s4 =	simm.s32 $0x1BF5;
	[smem:$0x3FBB] =	sst s0  }
0x18: {  	s0 =	sld [smem:$0x3F9E];
	_ =	swait.ge [sflag:s4], $0x0  }
0x19: {  	s7 =	sld [smem:$0x3F9F]  }
0x1a: {  	s8 =	sadd.s32 $0xFFFFE003, lr  }
0x1b: {  	s9 =	sadd.s32 $0xFFFFFEF7, lr;
	s5 =	simm.s32 $0xFFFFFFFF;
	p2 =	slt.u32 s8, $0xFFFFF086  }
0x1c: {  	p1 =	slt.u32 s9, $0xF7A;
	s5 =	simm.s32 @!p2 $0x0  }
0x1d: {  	s5 =	simm.s32 @p1 $0x1;
	p0 =	seq.s32 s7, s2  }
0x1e: {  	s7 =	smul.u32 @!p0 $0xF7A, s2;
	p2 =	seq.s32 @!p0 s5, $0x0  }
0x1f: {  	s9 =	smul.u32 $0xF7A, s1;
	s8 =	simm.s32 @!p0 $0x1BF5;
	p2 =	por !p2, p0  }
0x20: {  	[sflag:s8] =	ssyncset.s32 @!p0 $0xFFFFF086;
	s6 =	sadd.s32 @!p0 s3, s7;
	s7 =	simm.s32 @!p0 $0x108  }
0x21: {  	s3 =	sadd.s32 s3, s9;
	s6 =	sadd.s32 @!p0 $0x88, s6;
	s7 =	simm.s32 @p2 $0x1082  }
0x22: {  	[simem:s7], [sflag:s8] =	dma.local @!p0 [hbm:s6], $0xF7A  }
0x23: {  	s9 =	sor.u32 $0xD0000000, s2;
	s6 =	simm.s32 $0x108;
	_ =	swait.ge @!p0 [sflag:s8], $0x0  }
0x24: {  	s3 =	sadd.s32 $0x88, s3;
	s6 =	simm.s32 @!p1 $0x1082;
	[sflag:s4] =	ssyncset.s32 $0xFFFFF086  }
0x25: {  	[simem:s6], [sflag:s4] =	dma.local [hbm:s3], $0xF7A  }
0x26: {  	[smem:$0x3F9F] =	sst s1;
	(tag) =	ssettag s2;
	_ =	strace s9  }
0x27: {  	s1 =	sld [smem:$0x3FAF]  }
0x28: {  	s2 =	sld [smem:$0x3FB0]  }
0x29: {  	s4 =	sld [smem:$0x3FB2]  }
0x2a: {  	p0 =	seq.s32 s5, $0x0;
	s5 =	sld [smem:$0x3FB3]  }
0x2b: {  	s6 =	sld [smem:$0x3FB4]  }
0x2c: {  	s7 =	sld [smem:$0x3FB5]  }
0x2d: {  	s3 =	simm.s32 $0x108;
	s8 =	sld [smem:$0x3FB6]  }
0x2e: {  	s3 =	simm.s32 @!p0 $0x1082;
	s9 =	sld [smem:$0x3FB7]  }
0x2f: {  	lr =	sadd.s32 s0, s3;
	s0 =	sld [smem:$0x3FAE]  }
0x30: {  	s3 =	sld [smem:$0x3FB1]  }
0x31: {  	[smem:$0x3FBA] =	sst s10  }
0x32: {  	s10 =	sld [smem:$0x3FB8];
	_ =	sdelay $0x3  }
0x33: {  	p0 =	seq.s32 s10, $0x1;
	s10 =	sld [smem:$0x3FBA];
	_ =	sdelay $0x3  }
0x34: {  	[smem:$0x3FBA] =	sst s10  }
0x35: {  	s10 =	sld [smem:$0x3FB9];
	_ =	sdelay $0x3  }
0x36: {  	p1 =	seq.s32 s10, $0x1;
	s10 =	sld [smem:$0x3FBA];
	_ =	sdelay $0x3  }
0x37: {  	[smem:$0x3FBA] =	sst s10  }
0x38: {  	s10 =	sld [smem:$0x3FBB]  }
0x39: {  	_ = 	snop;
	(pc) =	sbr.ind lr, $3  }
0x3a: {  	_ = 	snop  }
0x3b: {  	_ = 	snop  }
0x3c: {  	p2 =	seq.s32 s10, $0x1;
	s10 =	sld [smem:$0x3FBA]  }
0x3d: {  	_ =	shalt  }
0x3e: {  	_ =	shalt  }
0x3f: {  	_ =	shalt  }
0x40: {  	_ =	shalt  }
0x41: {  	_ =	shalt  }
0x42: {  	_ =	shalt  }
0x43: {  	_ =	shalt  }
0x44: {  	_ =	shalt  }
0x45: {  	_ =	shalt  }
0x46: {  	_ =	shalt  }
0x47: {  	_ =	shalt  }
0x48: {  	_ =	shalt  }
0x49: {  	_ =	shalt  }
0x4a: {  	_ =	shalt  }
0x4b: {  	_ =	shalt  }
0x4c: {  	_ =	shalt  }
0x4d: {  	_ =	shalt  }
0x4e: {  	_ =	shalt  }
0x4f: {  	_ =	shalt  }
0x50: {  	_ =	shalt  }
0x51: {  	_ =	shalt  }
0x52: {  	_ =	shalt  }
0x53: {  	_ =	shalt  }
0x54: {  	_ =	shalt  }
0x55: {  	_ =	shalt  }
0x56: {  	_ =	shalt  }
0x57: {  	_ =	shalt  }
0x58: {  	_ =	shalt  }
0x59: {  	_ =	shalt  }
0x5a: {  	_ =	shalt  }
0x5b: {  	_ =	shalt  }
0x5c: {  	_ =	shalt  }
0x5d: {  	_ =	shalt  }
0x5e: {  	_ =	shalt  }
0x5f: {  	_ =	shalt  }
0x60: {  	_ =	shalt  }
0x61: {  	_ =	shalt  }
0x62: {  	_ =	shalt  }
0x63: {  	_ =	shalt  }
0x64: {  	_ =	shalt  }
0x65: {  	_ =	shalt  }
0x66: {  	_ =	shalt  }
0x67: {  	_ =	shalt  }
0x68: {  	_ =	shalt  }
0x69: {  	_ =	shalt  }
0x6a: {  	_ =	shalt  }
0x6b: {  	_ =	shalt  }
0x6c: {  	_ =	shalt  }
0x6d: {  	_ =	shalt  }
0x6e: {  	_ =	shalt  }
0x6f: {  	_ =	shalt  }
0x70: {  	_ =	shalt  }
0x71: {  	_ =	shalt  }
0x72: {  	_ =	shalt  }
0x73: {  	_ =	shalt  }
0x74: {  	_ =	shalt  }
0x75: {  	_ =	shalt  }
0x76: {  	_ =	shalt  }
0x77: {  	_ =	shalt  }
0x78: {  	_ =	shalt  }
0x79: {  	_ =	shalt  }
0x7a: {  	_ =	shalt  }
0x7b: {  	_ =	shalt  }
0x7c: {  	_ =	shalt  }
0x7d: {  	_ =	shalt  }
0x7e: {  	_ =	shalt  }
0x7f: {  	_ =	shalt  }
0x80: {  	_ =	shalt  }
0x81: {  	_ =	shalt  }
0x82: {  	_ =	shalt  }
0x83: {  	_ =	shalt  }
0x84: {  	_ =	shalt  }
0x85: {  	_ =	shalt  }
0x86: {  	_ =	shalt  }
0x87: {  	_ =	shalt  }
.Lfunc_end0:
.L_simem_size_0:
called_computation_lowered:
.L_overlay_start_0:
0x88: {  	s2 =	sld [smem:$0x3FD9]  }
0x89: {  	s3 =	sld [smem:$0x3FFE];
	_ =	sdelay $0x1  }
0x8a: {  	s1 =	srdreg.scid  }
0x8b: {  	s0 =	sand.u32 $0x1, s1  }
0x8c: {  	s17 =	sshll.u32 s0, $0xA;
	s2 =	sadd.s32 s3, s2  }
0x8d: {  	s2 =	sadd.s32 s2, s17  }
0x8e: {  	[smem:$0x3FC6] =	sst s2  }
0x8f: {  	_ = 	snop  }
0x90: {  	s2 =	sld [smem:$0x3FC9]  }
0x91: {  	s18 =	sld [smem:$0x3FD0];
	(tm) =	ssettm $0x1  }
0x92: {  	s4 =	sld [smem:$0x3FFB];
	_ =	sdelay $0x3  }
0x93: {  	_ =	strace s4  }
0x94: {  	s4 =	sld [smem:$0x3FFC];
	_ =	sdelay $0x3  }
0x95: {  	_ =	strace s4  }
0x96: {  	s4 =	sld [smem:$0x3FFD];
	_ =	sdelay $0x3  }
0x97: {  	_ =	strace s4  }
0x98: {  	_ =	strace $0x8FFFFFFF  }
0x99: {  	s19 =	sld [smem:$0x3FDB];
	_ =	sdelay $0x1  }
0x9a: {  	s5 =	simm.s32 $_scs_section_size  }
0x9b: {  	s6 =	simm.s32 $_size__tile_overlayer_lowered;
	s7 =	simm.s32 $_tile_overlayer_lowered  }
0x9c: {  	s22 =	simm.s32 $0x1BFF;
	s21 =	sshll.u32 s7, $0x1;
	s4 =	sadd.s32 s5, s19  }
0x9d: {  	s8 =	simm.s32 $0x0;
	s20 =	sshll.u32 s6, $0x1;
	s6 =	sadd.s32 s21, s4  }
0x9e: {  	[timem:s8], [sflag:s22] =	dma.local [hbm:s6], s20  }
0x9f: {  	_ =	swait.ge [sflag:s22], s20  }
0xa0: {  	s5 =	ssub.s32 $0x0, s20;
	[sflag:s22] =	ssyncset.done $0x0  }
0xa1: {  	[sflag:s22] =	ssyncadd.s32 s5;
	_ =	sdelay $0x1  }
0xa2: {  	s23 =	simm.s32 $0x1B8B  }
0xa3: {  	_ =	swait.ge [sflag:s23], $0x1  }
0xa4: {  	[sflag:s23] =	ssyncset.done $0x0  }
0xa5: {  	s25 =	simm.s32 $0x1B8E;
	s24 =	sld [smem:$0x3FFE];
	[sflag:s23] =	ssyncadd.s32 $0xFFFFFFFF  }
0xa6: {  	s26 =	simm.s32 $execute0_lowered;
	[smem:$0x3FD2] =	sst s25  }
0xa7: {  	s6 =	sshll.u32 s26, $0x1;
	_ =	strace $0x80000046;
	[dreg:$0x1] =	wrdreg $0xFFFFFFFF  }
0xa8: {  	s28 =	simm.s32 $_size_execute0_lowered;
	s4 =	sadd.s32 s4, s6;
	[dreg:$0x0] =	wrdreg $0x0  }
0xa9: {  	s6 =	sshll.u32 s28, $0x1;
	[dreg:$0x2] =	wrdreg s4  }
0xaa: {  	[dreg:$0x3] =	wrdreg s6  }
0xab: {  	[dreg:$0x4] =	wrdreg $0xC0  }
0xac: {  	_ =	task [dreg:s8], $0x5FFFF  }
0xad: {  	[dreg:$0x1] =	wrdreg $0xFFFFFFFF  }
0xae: {  	[dreg:$0x0] =	wrdreg $0x60  }
0xaf: {  	[dreg:$0x2] =	wrdreg s2  }
0xb0: {  	[dreg:$0x3] =	wrdreg s24  }
0xb1: {  	[dreg:$0x4] =	wrdreg s18  }
0xb2: {  	[dreg:$0x5] =	wrdreg $0x9  }
0xb3: {  	_ =	task.clear_ibuf [dreg:s8], $0x6FFFF;
	_ =	strace $0x90000046  }
0xb4: {  	s29 =	simm.s32 $0x9;
	_ =	strace $0x80000048  }
0xb5: {  	_ =	swait.ge [sflag:s29], $0x1  }
0xb6: {  	[sflag:s29] =	ssyncadd.s32 $0xFFFFFFFF  }
0xb7: {  	_ =	strace $0x90000048  }
0xb8: {  	_ =	sfence  }
0xb9: {  	s30 =	sld [smem:$0x0];
	_ =	sdelay $0x2  }
0xba: {  	s31 =	sshll.u32 s1, $0xD;
	s1 =	sshrl.u32 s1, $0x2  }
0xbb: {  	s3 =	sand.u32 $0x4000, s31;
	s1 =	sadd.s32 s1, s30  }
0xbc: {  	s0 =	sor.u32 s3, s0;
	s1 =	sshll.u32 s1, $0x11  }
0xbd: {  	s0 =	sor.u32 s1, s0  }
0xbe: {  	s0 =	sadd.s32 $0x8F2B, s0  }
0xbf: {  	[sflag:s0] =	ssyncadd.remote.s32 $0x1  }
0xc0: {  	_ =	sfence.sel $0xFFFF  }
0xc1: {  	[dreg:$0x0] =	wrdreg $0xFFFFFFFF;
	(pc) =	sbr.abs _section_cstart, $3  }
0xc2: {  	[dreg:$0x1] =	wrdreg $0xFFFFFFFF  }
0xc3: {  	_ =	task.clear_ibuf [dreg:s8], $0x2FFFF;
	_ =	strace $0x9FFFFFFF  }
0xc4: {  	(tm) =	ssettm $0x7FFFFFFF  }
0xc5: {  	_ =	shalt  }
tec
execute0_lowered:
.L_overlay_start_1:
0x0: {  	(tag) =	ssettag $0x1  }
0x1: {  	s0 =	rddreg [dreg:$0x0]  }
0x2: {  	s1 =	srdreg.scid;
	s6 =	rddreg [dreg:$0x1]  }
0x3: {  	s3 =	stileid.u32;
	s2 =	rddreg [dreg:$0x2]  }
0x4: {  	s17 =	simm.s32 $0x4;
	s18 =	simm.s32 $0x80;
	s1 =	sand.u32 $0x1, s1  }
0x5: {  	s19 =	simm.s32 $0x2000;
	s4 =	sshll.u32 s3, $0x3;
	s5 =	sshll.u32 s1, $0x2  }
0x6: {  	s28 =	simm.s32 $0x15000;
	s29 =	simm.s32 $0x16000;
	s4 =	sor.u32 s5, s4  }
0x7: {  	s30 =	simm.s32 $0x17000;
	s31 =	simm.s32 $0x18000;
	s7 =	sshll.u32 s4, $0x7  }
0x8: {  	s3 =	simm.s32 $0x0;
	s6 =	sadd.s32 $0x400, s6;
	s5 =	sadd.s32 s0, s7  }
0x9: {  	[smem:$0x7FF] =	sst s3;
	s20 =	sadd.s32 s7, s2;
	s0 =	sadd.s32 $0x4000, s5  }
0xa: {  	_ =	strace $0x80000047;
	s7 =	sadd.s32 $0xC00180, s20;
	[dreg:$0x4] =	wrdreg s0  }
0xb: {  	s1 =	ssub.s32 $0x2, s1;
	s21 =	sadd.s32 $0xC10180, s20;
	[dreg:$0x5] =	wrdreg s7  }
0xc: {  	s22 =	sshrl.u32 s1, $0x1;
	s8 =	sadd.s32 $0xC20180, s20;
	[dreg:$0x6] =	wrdreg s21  }
0xd: {  	s1 =	ssub.s32 s1, s22;
	s23 =	sadd.s32 $0xC30180, s20;
	[dreg:$0x7] =	wrdreg s8  }
0xe: {  	s22 =	simm.s32 $0x12000;
	s24 =	sadd.s32 $0xC40180, s20;
	[dreg:$0x8] =	wrdreg s23  }
0xf: {  	s16 =	smax.u32 s1, $0x1;
	s25 =	sadd.s32 $0xC50180, s20;
	[dreg:$0x9] =	wrdreg s24  }
0x10: {  	v0 =	vlaneseq.u32;
	s1 =	simm.s32 $0x19000;
	s26 =	sadd.s32 $0xC60180, s20;
	[dreg:$0xa] =	wrdreg s25  }
0x11: {  	v1 =	vmul.u32 $0x20, v0;
	v2 =	vor.u32 $0x10, v0;
	s15 =	sadd.s32 $0xC70180, s20;
	s20 =	simm.s32 $0x0;
	[dreg:$0xb] =	wrdreg s26  }
0x12: {  	v3 =	vor.u32 $0x20, v0;
	v4 =	vor.u32 $0x30, v0;
	v5 =	vor.u32 $0x40, v0;
	s21 =	simm.s32 $0x1;
	s23 =	simm.s32 $0x400;
	s24 =	simm.s32 $0x20000  }
0x13: {  	v6 =	vor.u32 $0x50, v0;
	v7 =	vor.u32 $0x60, v0;
	v8 =	vor.u32 $0x70, v0;
	s25 =	simm.s32 $0x13000;
	s26 =	simm.s32 $0x14000;
	s0 =	simm.s32 $0x2  }
.LBB2_1:
0x14: {  	[tilespmem:s3], [sflag:$0x4] =	stream.linear.gather [hbm4b:s5+s3], $0x1000, $0x38;
	[tilespmem:$0x1A000] =	vst v63  }
0x15: {  	_ =	swait.ge [sflag:s17], $0x1000  }
0x16: {  	[sflag:s17] =	ssyncset.done $0x0  }
0x17: {  	[sflag:s17] =	ssyncadd.s32 $0xFFFFF000  }
0x18: {  	[tilespmem:s19], [sflag:$0x1] =	stream.indirect.gather [hbm4b:s6+s18], $0x20, s3, s18, $0xb8;
	[tilespmem:$0x1A000] =	vst v63  }
0x19: {  	s7 =	simm.s32 $0x3000  }
0x1a: {  	[tilespmem:s7], [sflag:$0x1] =	stream.indirect.gather [hbm4b:s6+s18], $0x20, s18, s18, $0xb8;
	[tilespmem:$0x1A000] =	vst v63  }
0x1b: {  	s14 =	simm.s32 $0x100;
	s8 =	simm.s32 $0x4000  }
0x1c: {  	[tilespmem:s8], [sflag:$0x1] =	stream.indirect.gather [hbm4b:s6+s18], $0x20, s14, s18, $0xb8;
	[tilespmem:$0x1A000] =	vst v63  }
0x1d: {  	s9 =	simm.s32 $0x180;
	s10 =	simm.s32 $0x5000  }
0x1e: {  	[tilespmem:s10], [sflag:$0x1] =	stream.indirect.gather [hbm4b:s6+s18], $0x20, s9, s18, $0xb8;
	[tilespmem:$0x1A000] =	vst v63  }
0x1f: {  	s11 =	simm.s32 $0x200;
	s12 =	simm.s32 $0x6000  }
0x20: {  	[tilespmem:s12], [sflag:$0x1] =	stream.indirect.gather [hbm4b:s6+s18], $0x20, s11, s18, $0xb8;
	[tilespmem:$0x1A000] =	vst v63  }
0x21: {  	s13 =	simm.s32 $0x280;
	s14 =	simm.s32 $0x7000  }
0x22: {  	[tilespmem:s14], [sflag:$0x1] =	stream.indirect.gather [hbm4b:s6+s18], $0x20, s13, s18, $0xb8;
	[tilespmem:$0x1A000] =	vst v63  }
0x23: {  	s9 =	simm.s32 $0x300;
	s10 =	simm.s32 $0x8000  }
0x24: {  	[tilespmem:s10], [sflag:$0x1] =	stream.indirect.gather [hbm4b:s6+s18], $0x20, s9, s18, $0xb8;
	[tilespmem:$0x1A000] =	vst v63  }
0x25: {  	s11 =	simm.s32 $0x380;
	s12 =	simm.s32 $0x9000  }
0x26: {  	[tilespmem:s12], [sflag:$0x1] =	stream.indirect.gather [hbm4b:s6+s18], $0x20, s11, s18, $0xb8;
	[tilespmem:$0x1A000] =	vst v63  }
0x27: {  	s7 =	simm.s32 $0x0;
	s13 =	rddreg [dreg:$0x4];
	s14 =	simm.s32 $0x1000  }
0x28: {  	[tilespmem:s14], [sflag:$0x3] =	stream.linear.gather [hbm4b:s13+s3], $0x1000, $0x38;
	[tilespmem:$0x1A000] =	vst v63  }
.LBB2_2:
0x29: {  	s8 =	sadd.s32 $0x1, s7  }
0x2a: {  	s9 =	sand.u32 $0x3, s8  }
0x2b: {  	p0 =	sne.s32 s9, $0x0  }
0x2c: {  	s11 =	sshll.u32 s8, $0xF;
	s10 =	simm.s32 @!p0 $0x3  }
0x2d: {  	s12 =	sshll.u32 s8, $0xA;
	s11 =	sand.u32 $0x8000, s11;
	_ =	swait.ge @!p0 [sflag:s10], $0x1000  }
0x2e: {  	s12 =	sand.u32 $0x1000, s12;
	s13 =	sshll.u32 s9, $0xA;
	[sflag:s10] =	ssyncset.done @!p0 $0x0  }
0x2f: {  	s14 =	sor.u32 $0x2000, s11;
	s12 =	sor.u32 s13, s12;
	[sflag:s10] =	ssyncadd.s32 @!p0 $0xFFFFF000  }
0x30: {  	[tilespmem:s14], [sflag:$0x1] =	stream.indirect.gather [hbm4b:s6+s18], $0x20, s12, s18, $0xb8;
	[tilespmem:$0x1A000] =	vst v63  }
0x31: {  	s13 =	sor.u32 $0x80, s12;
	s14 =	sor.u32 $0x3000, s11  }
0x32: {  	[tilespmem:s14], [sflag:$0x1] =	stream.indirect.gather [hbm4b:s6+s18], $0x20, s13, s18, $0xb8;
	[tilespmem:$0x1A000] =	vst v63  }
0x33: {  	s13 =	sor.u32 $0x4000, s11;
	s14 =	sor.u32 $0x100, s12  }
0x34: {  	[tilespmem:s13], [sflag:$0x1] =	stream.indirect.gather [hbm4b:s6+s18], $0x20, s14, s18, $0xb8;
	[tilespmem:$0x1A000] =	vst v63  }
0x35: {  	s13 =	sor.u32 $0x5000, s11;
	s14 =	sor.u32 $0x180, s12  }
0x36: {  	[tilespmem:s13], [sflag:$0x1] =	stream.indirect.gather [hbm4b:s6+s18], $0x20, s14, s18, $0xb8;
	[tilespmem:$0x1A000] =	vst v63  }
0x37: {  	s13 =	sor.u32 $0x6000, s11;
	s14 =	sor.u32 $0x200, s12  }
0x38: {  	[tilespmem:s13], [sflag:$0x1] =	stream.indirect.gather [hbm4b:s6+s18], $0x20, s14, s18, $0xb8;
	[tilespmem:$0x1A000] =	vst v63  }
0x39: {  	s13 =	sor.u32 $0x7000, s11;
	s14 =	sor.u32 $0x280, s12  }
0x3a: {  	[tilespmem:s13], [sflag:$0x1] =	stream.indirect.gather [hbm4b:s6+s18], $0x20, s14, s18, $0xb8;
	[tilespmem:$0x1A000] =	vst v63  }
0x3b: {  	s13 =	sadd.s32 $0x8000, s11;
	s14 =	sor.u32 $0x300, s12  }
0x3c: {  	[tilespmem:s13], [sflag:$0x1] =	stream.indirect.gather [hbm4b:s6+s18], $0x20, s14, s18, $0xb8;
	[tilespmem:$0x1A000] =	vst v63  }
0x3d: {  	s11 =	sadd.s32 $0x9000, s11;
	s13 =	sor.u32 $0x380, s12  }
0x3e: {  	[tilespmem:s11], [sflag:$0x1] =	stream.indirect.gather [hbm4b:s6+s18], $0x20, s13, s18, $0xb8;
	[tilespmem:$0x1A000] =	vst v63  }
0x3f: {  	_ =	swait.ge [sflag:s21], $0x1000  }
0x40: {  	[sflag:s21] =	ssyncset.done $0x0  }
0x41: {  	[sflag:s21] =	ssyncadd.s32 $0xFFFFF000  }
0x42: {  	_ =	swait.ge [sflag:s21], $0x1000  }
0x43: {  	[sflag:s21] =	ssyncset.done $0x0  }
0x44: {  	[sflag:s21] =	ssyncadd.s32 $0xFFFFF000  }
0x45: {  	_ =	swait.ge [sflag:s21], $0x1000  }
0x46: {  	[sflag:s21] =	ssyncset.done $0x0  }
0x47: {  	[sflag:s21] =	ssyncadd.s32 $0xFFFFF000  }
0x48: {  	_ =	swait.ge [sflag:s21], $0x1000  }
0x49: {  	[sflag:s21] =	ssyncset.done $0x0  }
0x4a: {  	[sflag:s21] =	ssyncadd.s32 $0xFFFFF000  }
0x4b: {  	_ =	swait.ge [sflag:s21], $0x1000  }
0x4c: {  	[sflag:s21] =	ssyncset.done $0x0  }
0x4d: {  	[sflag:s21] =	ssyncadd.s32 $0xFFFFF000  }
0x4e: {  	_ =	swait.ge [sflag:s21], $0x1000  }
0x4f: {  	[sflag:s21] =	ssyncset.done $0x0  }
0x50: {  	p0 =	sgt.u32 s7, $0x5B;
	[sflag:s21] =	ssyncadd.s32 $0xFFFFF000  }
0x51: {  	p1 =	sne.s32 @!p0 s9, $0x0;
	_ =	swait.ge [sflag:s21], $0x1000  }
0x52: {  	s9 =	sshrl.u32 s8, $0x2;
	p0 =	por p1, p0;
	[sflag:s21] =	ssyncset.done $0x0  }
0x53: {  	s9 =	sadd.s32 @!p0 $0x1, s9;
	[sflag:s21] =	ssyncadd.s32 $0xFFFFF000  }
0x54: {  	s10 =	sshll.u32 @!p0 s9, $0xE;
	s9 =	sshll.u32 @!p0 s9, $0xC;
	_ =	swait.ge [sflag:s21], $0x1000  }
0x55: {  	s9 =	sand.u32 @!p0 $0x1000, s9;
	[sflag:s21] =	ssyncset.done $0x0  }
0x56: {  	s10 =	sadd.s32 @!p0 s10, s5;
	s11 =	simm.s32 @!p0 $0x0;
	[sflag:s21] =	ssyncadd.s32 $0xFFFFF000  }
0x57: {  	[tilespmem:s9], [sflag:$0x3] =	stream.linear.gather @!p0 [hbm4b:s10+s11], $0x1000, $0x38;
	[tilespmem:$0x1A000] =	vst v63  }
0x58: {  	p0 =	seq.s32 s7, $0x0  }
0x59: {  	s9 =	simm.s32 @!p0 $0x2  }
0x5a: {  	_ =	swait.ge @!p0 [sflag:s9], $0x1000  }
0x5b: {  	[sflag:s9] =	ssyncset.done @!p0 $0x0  }
0x5c: {  	[sflag:s9] =	ssyncadd.s32 @!p0 $0xFFFFF000  }
0x5d: {  	_ =	swait.ge @!p0 [sflag:s9], $0x1000  }
0x5e: {  	[sflag:s9] =	ssyncset.done @!p0 $0x0  }
0x5f: {  	[sflag:s9] =	ssyncadd.s32 @!p0 $0xFFFFF000  }
0x60: {  	_ =	swait.ge @!p0 [sflag:s9], $0x1000  }
0x61: {  	[sflag:s9] =	ssyncset.done @!p0 $0x0  }
0x62: {  	[sflag:s9] =	ssyncadd.s32 @!p0 $0xFFFFF000  }
0x63: {  	_ =	swait.ge @!p0 [sflag:s9], $0x1000  }
0x64: {  	[sflag:s9] =	ssyncset.done @!p0 $0x0  }
0x65: {  	[sflag:s9] =	ssyncadd.s32 @!p0 $0xFFFFF000  }
0x66: {  	_ =	swait.ge @!p0 [sflag:s9], $0x1000  }
0x67: {  	[sflag:s9] =	ssyncset.done @!p0 $0x0  }
0x68: {  	[sflag:s9] =	ssyncadd.s32 @!p0 $0xFFFFF000  }
0x69: {  	_ =	swait.ge @!p0 [sflag:s9], $0x1000  }
0x6a: {  	[sflag:s9] =	ssyncset.done @!p0 $0x0  }
0x6b: {  	[sflag:s9] =	ssyncadd.s32 @!p0 $0xFFFFF000  }
0x6c: {  	_ =	swait.ge @!p0 [sflag:s9], $0x1000  }
0x6d: {  	[sflag:s9] =	ssyncset.done @!p0 $0x0  }
0x6e: {  	[sflag:s9] =	ssyncadd.s32 @!p0 $0xFFFFF000  }
0x6f: {  	_ =	swait.ge @!p0 [sflag:s9], $0x1000  }
0x70: {  	s14 =	sshll.u32 s7, $0xA;
	s10 =	simm.s32 $0x0;
	[sflag:s9] =	ssyncset.done @!p0 $0x0  }
0x71: {  	s11 =	simm.s32 $0x0;
	[sflag:s9] =	ssyncadd.s32 @!p0 $0xFFFFF000;
	s9 =	sand.u32 $0x400, s14  }
.LBB2_3:
0x72: {  	s12 =	sshll.u32 s11, $0x7  }
0x73: {  	v17 =	vadd.s32 s10, v0;
	s12 =	sadd.s32 s9, s12  }
0x74: {  	v20 =	vand.u32 $0xF, v17;
	v17 =	vshll.u32 v17, $0x7;
	s13 =	sor.u32 $0x10, s12;
	v9 =	vmov s12;
	s14 =	sor.u32 $0x30, s12  }
0x75: {  	v10 =	vmov s13;
	s13 =	sor.u32 $0x20, s12;
	v9 =	vshll.u32 v9, $0x5;
	v12 =	vmov s14  }
0x76: {  	s14 =	sor.u32 $0x40, s12;
	v11 =	vmov s13;
	v10 =	vshll.u32 v10, $0x5;
	v12 =	vshll.u32 v12, $0x5  }
0x77: {  	v14 =	vshll.u32 v11, $0x5;
	v11 =	vmov s14;
	s14 =	sor.u32 $0x50, s12;
	v10 =	vor.u32 v1, v10  }
0x78: {  	v11 =	vshll.u32 v11, $0x5;
	v13 =	vmov s14;
	s14 =	sor.u32 $0x60, s12;
	v22 =	vor.u32 v10, v20  }
0x79: {  	s12 =	sor.u32 $0x70, s12;
	v19 =	vor.u32 v1, v14;
	v16 =	vshll.u32 v13, $0x5;
	v13 =	vmov s14  }
0x7a: {  	v15 =	vmov s12;
	v24 =	vor.u32 v19, v20;
	v18 =	vshll.u32 v13, $0x5  }
0x7b: {  	v13 =	vor.u32 v1, v11;
	v21 =	vshll.u32 v15, $0x5;
	v15 =	vor.u32 v1, v9  }
0x7c: {  	v11 =	vor.u32 v1, v12;
	v14 =	vor.u32 v1, v18;
	v18 =	vor.u32 v15, v20  }
0x7d: {  	s13 =	sshll.u32 s11, $0xC;
	v12 =	vor.u32 v1, v16;
	v9 =	vor.u32 v11, v20;
	v16 =	vor.u32 v1, v21  }
0x7e: {  	v26 =	vand.u32 $0x400, v17;
	v21 =	vmov s13;
	v25 =	vor.u32 v16, v20  }
0x7f: {  	v17 =	vand.u32 $0x380, v17;
	v27 =	vor.u32 v12, v20;
	v28 =	vor.u32 v21, v26;
	v22 =	vld.idx.msk [tilespmem:v22+s19+$0x0], $0xffff  }
0x80: {  	v23 =	vor.u32 v13, v20;
	v28 =	vor.u32 v17, v28;
	v24 =	vld.idx.msk [tilespmem:v24+s19+$0x0], $0xffff  }
0x81: {  	v29 =	vor.u32 v14, v20;
	v30 =	vor.u32 v0, v28;
	v18 =	vld.idx.msk [tilespmem:v18+s19+$0x0], $0xffff  }
0x82: {  	v31 =	vor.u32 v2, v28;
	v9 =	vld.idx.msk [tilespmem:v9+s19+$0x0], $0xffff  }
0x83: {  	v32 =	vor.u32 v3, v28;
	v33 =	vld.idx.msk [tilespmem:v25+s19+$0x0], $0xffff  }
0x84: {  	v25 =	vld.idx.msk [tilespmem:v27+s19+$0x0], $0xffff;
	v27 =	vor.u32 v4, v28  }
0x85: {  	v34 =	vor.u32 v5, v28;
	v23 =	vld.idx.msk [tilespmem:v23+s19+$0x0], $0xffff  }
0x86: {  	v29 =	vld.idx.msk [tilespmem:v29+s19+$0x0], $0xffff;
	[tilespmem:v30+s22+$0x0] =	vst.idx.msk $0xffff, v18;
	v18 =	vor.u32 v6, v28  }
0x87: {  	[tilespmem:v31+s22+$0x0] =	vst.idx.msk $0xffff, v22;
	v22 =	vor.u32 v7, v28  }
0x88: {  	v46 =	vor.u32 $0x10, v20;
	s14 =	simm.s32 $0x1;
	v20 =	vor.u32 v8, v28;
	[tilespmem:v32+s22+$0x0] =	vst.idx.msk $0xffff, v24  }
0x89: {  	v24 =	vadd.s32 s14, v0;
	[tilespmem:v27+s22+$0x0] =	vst.idx.msk $0xffff, v9;
	v9 =	vor.u32 v13, v46  }
0x8a: {  	v27 =	vand.u32 $0xF, v24;
	[tilespmem:v34+s22+$0x0] =	vst.idx.msk $0xffff, v23;
	v23 =	vor.u32 v16, v46  }
0x8b: {  	v30 =	vor.u32 v10, v27;
	[tilespmem:v18+s22+$0x0] =	vst.idx.msk $0xffff, v25  }
0x8c: {  	v63 =	vor.u32 v15, v27;
	[tilespmem:v22+s22+$0x0] =	vst.idx.msk $0xffff, v29  }
0x8d: {  	v37 =	vor.u32 v19, v27;
	v25 =	vor.u32 $0x800, v21;
	[tilespmem:v20+s22+$0x0] =	vst.idx.msk $0xffff, v33  }
0x8e: {  	v41 =	vor.u32 v11, v46;
	v38 =	vor.u32 v16, v27;
	v26 =	vor.u32 v25, v26;
	v20 =	vld.idx.msk [tilespmem:v9+s19+$0x0], $0xffff  }
0x8f: {  	v44 =	vor.u32 v14, v46;
	v18 =	vor.u32 v13, v27;
	v35 =	vor.u32 v17, v26;
	v17 =	vld.idx.msk [tilespmem:v23+s19+$0x0], $0xffff  }
0x90: {  	v28 =	vor.u32 v19, v46;
	v22 =	vor.u32 v11, v27;
	v9 =	vshll.u32 v24, $0x7;
	v33 =	vld.idx.msk [tilespmem:v30+s19+$0x0], $0xffff  }
0x91: {  	v47 =	vor.u32 v12, v27;
	v36 =	vor.u32 v14, v27;
	v23 =	vand.u32 $0x400, v9;
	v43 =	vld.idx.msk [tilespmem:v63+s19+$0x0], $0xffff  }
0x92: {  	v26 =	vor.u32 v15, v46;
	v9 =	vand.u32 $0x380, v9;
	v45 =	vld.idx.msk [tilespmem:v37+s19+$0x0], $0xffff;
	v29 =	vor.u32 v21, v23  }
0x93: {  	v24 =	vor.u32 $0x10, v27;
	v37 =	vor.u32 v12, v46;
	v32 =	vld.idx.msk [tilespmem:v38+s19+$0x0], $0xffff;
	v31 =	vor.u32 v9, v29  }
0x94: {  	v46 =	vor.u32 v10, v46;
	v30 =	vld.idx.msk [tilespmem:v18+s19+$0x0], $0xffff;
	v18 =	vor.u32 v19, v24;
	v42 =	vor.u32 v0, v31  }
0x95: {  	v34 =	vld.idx.msk [tilespmem:v22+s19+$0x0], $0xffff;
	v22 =	vor.u32 v25, v23;
	v23 =	vor.u32 v7, v35;
	v40 =	vor.u32 v2, v31  }
0x96: {  	v38 =	vld.idx.msk [tilespmem:v47+s19+$0x0], $0xffff;
	v29 =	vor.u32 v5, v31;
	v9 =	vor.u32 v9, v22;
	v39 =	vor.u32 v3, v31  }
0x97: {  	s12 =	simm.s32 $0x2;
	v27 =	vld.idx.msk [tilespmem:v26+s19+$0x0], $0xffff;
	v22 =	vor.u32 v8, v35;
	v47 =	vor.u32 v4, v31;
	v26 =	vor.u32 v6, v35  }
.LBB2_4:
0x98: {  	p0 =	sne.s32 s12, $0xF;
	v36 =	vld.idx.msk [tilespmem:v36+s19+$0x0], $0xffff;
	v48 =	vor.u32 v3, v35;
	v49 =	vor.u32 v4, v35;
	v50 =	vor.u32 v5, v35;
	s13 =	smov.u32 s12;
	s12 =	sadd.s32 $0x1, s12  }
0x99: {  	[tilespmem:v42+s22+$0x0] =	vst.idx.msk $0xffff, v43;
	v42 =	vor.u32 v6, v31;
	v51 =	vld.idx.msk [tilespmem:v44+s19+$0x0], $0xffff;
	v43 =	vor.u32 v2, v35  }
0x9a: {  	v35 =	vor.u32 v0, v35;
	[tilespmem:v40+s22+$0x0] =	vst.idx.msk $0xffff, v33;
	v33 =	vor.u32 v7, v31;
	v37 =	vld.idx.msk [tilespmem:v37+s19+$0x0], $0xffff  }
0x9b: {  	v44 =	vor.u32 v15, v24;
	v31 =	vor.u32 v8, v31;
	[tilespmem:v39+s22+$0x0] =	vst.idx.msk $0xffff, v45;
	v39 =	vld.idx.msk [tilespmem:v41+s19+$0x0], $0xffff  }
0x9c: {  	v40 =	vadd.s32 s13, v0;
	[tilespmem:v47+s22+$0x0] =	vst.idx.msk $0xffff, v34;
	v34 =	vor.u32 v13, v24;
	v41 =	vld.idx.msk [tilespmem:v46+s19+$0x0], $0xffff;
	v46 =	vmov v24  }
0x9d: {  	v45 =	vand.u32 $0xF, v40;
	v40 =	vshll.u32 v40, $0x7;
	[tilespmem:v29+s22+$0x0] =	vst.idx.msk $0xffff, v30;
	v30 =	vor.u32 v16, v46;
	v28 =	vld.idx.msk [tilespmem:v28+s19+$0x0], $0xffff  }
0x9e: {  	v47 =	vor.u32 v15, v45;
	v52 =	vor.u32 v10, v45;
	v24 =	vor.u32 $0x10, v45;
	[tilespmem:v42+s22+$0x0] =	vst.idx.msk $0xffff, v38  }
0x9f: {  	v53 =	vand.u32 $0x400, v40;
	v38 =	vor.u32 v11, v45;
	v42 =	vor.u32 v13, v45;
	[tilespmem:v33+s22+$0x0] =	vst.idx.msk $0xffff, v36  }
0xa0: {  	v54 =	vor.u32 v12, v45;
	v55 =	vand.u32 $0x380, v40;
	v29 =	vor.u32 v21, v53;
	[tilespmem:v31+s22+$0x0] =	vst.idx.msk $0xffff, v32  }
0xa1: {  	v36 =	vor.u32 v14, v45;
	v31 =	vor.u32 v55, v29;
	v32 =	vld.idx.msk [tilespmem:v34+s19+$0x0], $0xffff;
	[tilespmem:v35+s22+$0x0] =	vst.idx.msk $0xffff, v27  }
0xa2: {  	v56 =	vor.u32 v19, v45;
	v29 =	vor.u32 v5, v31;
	v57 =	vld.idx.msk [tilespmem:v30+s19+$0x0], $0xffff;
	[tilespmem:v43+s22+$0x0] =	vst.idx.msk $0xffff, v41  }
0xa3: {  	v27 =	vor.u32 v19, v24;
	v35 =	vor.u32 v25, v53;
	v33 =	vld.idx.msk [tilespmem:v52+s19+$0x0], $0xffff;
	[tilespmem:v48+s22+$0x0] =	vst.idx.msk $0xffff, v28  }
0xa4: {  	v41 =	vor.u32 v16, v45;
	v30 =	vld.idx.msk [tilespmem:v42+s19+$0x0], $0xffff;
	v42 =	vor.u32 v0, v31;
	[tilespmem:v49+s22+$0x0] =	vst.idx.msk $0xffff, v39  }
0xa5: {  	v40 =	vor.u32 v2, v31;
	v34 =	vld.idx.msk [tilespmem:v38+s19+$0x0], $0xffff;
	v38 =	vor.u32 v55, v35;
	[tilespmem:v50+s22+$0x0] =	vst.idx.msk $0xffff, v20  }
.Ltmp0:
0xa6: {  	v28 =	vmov v18;
	v18 =	vmov v27;
	v39 =	vor.u32 v3, v31;
	v43 =	vld.idx.msk [tilespmem:v47+s19+$0x0], $0xffff;
	[tilespmem:v26+s22+$0x0] =	vst.idx.msk $0xffff, v37;
	(pc) =	sbr.rel @p0 .LBB2_4-.Ltmp0, $4  }
0xa7: {  	v35 =	vmov v9;
	v20 =	vmov v32;
	v27 =	vld.idx.msk [tilespmem:v44+s19+$0x0], $0xffff;
	v44 =	vor.u32 v14, v46;
	[tilespmem:v23+s22+$0x0] =	vst.idx.msk $0xffff, v51  }
0xa8: {  	v37 =	vor.u32 v12, v46;
	v9 =	vmov v38;
	v45 =	vld.idx.msk [tilespmem:v56+s19+$0x0], $0xffff;
	[tilespmem:v22+s22+$0x0] =	vst.idx.msk $0xffff, v17;
	v17 =	vmov v57  }
0xa9: {  	v23 =	vor.u32 v7, v35;
	v22 =	vor.u32 v8, v35;
	v32 =	vld.idx.msk [tilespmem:v41+s19+$0x0], $0xffff;
	v41 =	vor.u32 v11, v46  }
0xaa: {  	v47 =	vor.u32 v4, v31;
	v26 =	vor.u32 v6, v35;
	v46 =	vor.u32 v10, v46;
	v38 =	vld.idx.msk [tilespmem:v54+s19+$0x0], $0xffff  }
0xab: {  	_ =	sdelay $0x3  }
0xac: {  	v19 =	vld.idx.msk [tilespmem:v36+s19+$0x0], $0xffff;
	[tilespmem:v42+s22+$0x0] =	vst.idx.msk $0xffff, v43  }
0xad: {  	v21 =	vor.u32 v6, v31;
	v25 =	vor.u32 v7, v31;
	v49 =	vor.u32 v3, v35  }
0xae: {  	v50 =	vor.u32 v4, v35;
	v51 =	vor.u32 v5, v35;
	[tilespmem:v40+s22+$0x0] =	vst.idx.msk $0xffff, v33  }
0xaf: {  	v31 =	vor.u32 v8, v31;
	v54 =	vor.u32 v0, v35;
	[tilespmem:v39+s22+$0x0] =	vst.idx.msk $0xffff, v45  }
0xb0: {  	v52 =	vld.idx.msk [tilespmem:v44+s19+$0x0], $0xffff;
	v53 =	vor.u32 v2, v35;
	s12 =	sor.u32 $0x1, s11;
	v15 =	vor.u32 v15, v24;
	[tilespmem:v47+s22+$0x0] =	vst.idx.msk $0xffff, v34  }
0xb1: {  	v13 =	vor.u32 v13, v24;
	v16 =	vor.u32 v16, v24;
	s13 =	sshll.u32 s12, $0x7;
	[tilespmem:v29+s22+$0x0] =	vst.idx.msk $0xffff, v30;
	v29 =	vld.idx.msk [tilespmem:v46+s19+$0x0], $0xffff  }
0xb2: {  	v14 =	vor.u32 v14, v24;
	v12 =	vor.u32 v12, v24;
	s13 =	sadd.s32 s9, s13;
	[tilespmem:v21+s22+$0x0] =	vst.idx.msk $0xffff, v38;
	v21 =	vld.idx.msk [tilespmem:v28+s19+$0x0], $0xffff  }
0xb3: {  	v56 =	vor.u32 v2, v9;
	s14 =	sor.u32 $0x10, s13;
	v58 =	vmov s13;
	v30 =	vor.u32 v6, v9;
	[tilespmem:v25+s22+$0x0] =	vst.idx.msk $0xffff, v19;
	v19 =	vld.idx.msk [tilespmem:v41+s19+$0x0], $0xffff  }
0xb4: {  	v25 =	vor.u32 v11, v24;
	v11 =	vld.idx.msk [tilespmem:v37+s19+$0x0], $0xffff;
	v24 =	vor.u32 v10, v24;
	v10 =	vmov s14;
	s14 =	sor.u32 $0x20, s13;
	[tilespmem:v54+s22+$0x0] =	vst.idx.msk $0xffff, v27  }
0xb5: {  	v28 =	vor.u32 v7, v9;
	v27 =	vor.u32 v3, v9;
	[tilespmem:v31+s22+$0x0] =	vst.idx.msk $0xffff, v32;
	v55 =	vmov s14;
	s14 =	sor.u32 $0x30, s13  }
0xb6: {  	v31 =	vor.u32 v4, v9;
	v10 =	vshll.u32 v10, $0x5;
	v57 =	vmov s14;
	s14 =	sor.u32 $0x40, s13;
	[tilespmem:v53+s22+$0x0] =	vst.idx.msk $0xffff, v29  }
0xb7: {  	v61 =	vld.idx.msk [tilespmem:v13+s19+$0x0], $0xffff;
	v10 =	vor.u32 v1, v10;
	v29 =	vor.u32 v5, v9;
	v59 =	vmov s14;
	s14 =	sor.u32 $0x50, s13;
	[tilespmem:v49+s22+$0x0] =	vst.idx.msk $0xffff, v21  }
0xb8: {  	v63 =	vld.idx.msk [tilespmem:v16+s19+$0x0], $0xffff;
	v62 =	vshll.u32 v57, $0x5;
	v21 =	vor.u32 v0, v9;
	v60 =	vmov s14;
	[tilespmem:v50+s22+$0x0] =	vst.idx.msk $0xffff, v19  }
0xb9: {  	v44 =	vld.idx.msk [tilespmem:v15+s19+$0x0], $0xffff;
	s14 =	sor.u32 $0x60, s13;
	v19 =	vshll.u32 v58, $0x5;
	v16 =	vshll.u32 v60, $0x5;
	v58 =	vor.u32 v8, v9;
	[tilespmem:v51+s22+$0x0] =	vst.idx.msk $0xffff, v20  }
0xba: {  	v47 =	vld.idx.msk [tilespmem:v12+s19+$0x0], $0xffff;
	v13 =	vmov s14;
	s14 =	simm.s32 $0x0;
	v15 =	vor.u32 v1, v19;
	v12 =	vor.u32 v1, v16;
	[tilespmem:v26+s22+$0x0] =	vst.idx.msk $0xffff, v11  }
0xbb: {  	v11 =	vshll.u32 v59, $0x5;
	v26 =	vadd.s32 s14, v0;
	[tilespmem:v23+s22+$0x0] =	vst.idx.msk $0xffff, v52;
	v23 =	vshll.u32 v13, $0x5  }
0xbc: {  	v24 =	vld.idx.msk [tilespmem:v24+s19+$0x0], $0xffff;
	v45 =	vand.u32 $0xF, v26;
	v13 =	vor.u32 v1, v11;
	v11 =	vor.u32 v1, v62  }
0xbd: {  	s13 =	sor.u32 $0x70, s13;
	v20 =	vshll.u32 v55, $0x5;
	v26 =	vshll.u32 v26, $0x7;
	[tilespmem:v22+s22+$0x0] =	vst.idx.msk $0xffff, v17;
	v22 =	vld.idx.msk [tilespmem:v14+s19+$0x0], $0xffff;
	v46 =	vor.u32 v10, v45  }
0xbe: {  	v14 =	vmov s13;
	v49 =	vor.u32 v13, v45;
	v17 =	vor.u32 v1, v20;
	v20 =	vld.idx.msk [tilespmem:v18+s19+$0x0], $0xffff  }
0xbf: {  	s12 =	sshll.u32 s12, $0xC;
	v25 =	vld.idx.msk [tilespmem:v25+s19+$0x0], $0xffff;
	v48 =	vshll.u32 v14, $0x5;
	v14 =	vor.u32 v1, v23;
	v23 =	vor.u32 v15, v45  }
0xc0: {  	v19 =	vor.u32 v11, v45;
	[tilespmem:v21+s22+$0x0] =	vst.idx.msk $0xffff, v44;
	v18 =	vmov s12;
	v21 =	vand.u32 $0x400, v26  }
0xc1: {  	v26 =	vand.u32 $0x380, v26;
	v50 =	vor.u32 v17, v45;
	v54 =	vor.u32 v18, v21  }
0xc2: {  	[tilespmem:v56+s22+$0x0] =	vst.idx.msk $0xffff, v24;
	v16 =	vor.u32 v1, v48;
	v24 =	vor.u32 v14, v45;
	v51 =	vld.idx.msk [tilespmem:v46+s19+$0x0], $0xffff  }
0xc3: {  	v55 =	vor.u32 v26, v54;
	v52 =	vor.u32 v16, v45;
	v32 =	vld.idx.msk [tilespmem:v49+s19+$0x0], $0xffff;
	[tilespmem:v27+s22+$0x0] =	vst.idx.msk $0xffff, v20  }
0xc4: {  	v53 =	vor.u32 v12, v45;
	v20 =	vor.u32 v0, v55;
	v23 =	vld.idx.msk [tilespmem:v23+s19+$0x0], $0xffff;
	[tilespmem:v31+s22+$0x0] =	vst.idx.msk $0xffff, v25  }
0xc5: {  	v19 =	vld.idx.msk [tilespmem:v19+s19+$0x0], $0xffff;
	v25 =	vor.u32 v2, v55;
	[tilespmem:v29+s22+$0x0] =	vst.idx.msk $0xffff, v61  }
0xc6: {  	v27 =	vld.idx.msk [tilespmem:v50+s19+$0x0], $0xffff;
	v29 =	vor.u32 v3, v55;
	[tilespmem:v30+s22+$0x0] =	vst.idx.msk $0xffff, v47  }
0xc7: {  	v56 =	vor.u32 v4, v55;
	v24 =	vld.idx.msk [tilespmem:v24+s19+$0x0], $0xffff;
	[tilespmem:v28+s22+$0x0] =	vst.idx.msk $0xffff, v22  }
0xc8: {  	v31 =	vld.idx.msk [tilespmem:v52+s19+$0x0], $0xffff;
	v22 =	vor.u32 v5, v55;
	[tilespmem:v58+s22+$0x0] =	vst.idx.msk $0xffff, v63  }
0xc9: {  	v30 =	vld.idx.msk [tilespmem:v53+s19+$0x0], $0xffff;
	[tilespmem:v20+s22+$0x0] =	vst.idx.msk $0xffff, v23;
	v20 =	vor.u32 v6, v55  }
0xca: {  	s14 =	simm.s32 $0x1;
	v23 =	vor.u32 v7, v55;
	[tilespmem:v25+s22+$0x0] =	vst.idx.msk $0xffff, v51  }
0xcb: {  	v57 =	vor.u32 $0x10, v45;
	v28 =	vadd.s32 s14, v0;
	v25 =	vor.u32 v8, v55;
	[tilespmem:v29+s22+$0x0] =	vst.idx.msk $0xffff, v27  }
0xcc: {  	v29 =	vand.u32 $0xF, v28;
	[tilespmem:v56+s22+$0x0] =	vst.idx.msk $0xffff, v19;
	v19 =	vor.u32 v13, v57  }
0xcd: {  	v59 =	vor.u32 v10, v29;
	[tilespmem:v22+s22+$0x0] =	vst.idx.msk $0xffff, v32  }
0xce: {  	v60 =	vor.u32 v17, v29;
	[tilespmem:v20+s22+$0x0] =	vst.idx.msk $0xffff, v30  }
0xcf: {  	v62 =	vor.u32 v16, v29;
	[tilespmem:v23+s22+$0x0] =	vst.idx.msk $0xffff, v24  }
0xd0: {  	v39 =	vor.u32 v12, v57;
	v63 =	vor.u32 v12, v29;
	[tilespmem:v25+s22+$0x0] =	vst.idx.msk $0xffff, v31  }
0xd1: {  	v42 =	vor.u32 v11, v57;
	v44 =	vor.u32 v14, v57;
	v22 =	vor.u32 v16, v57;
	v19 =	vld.idx.msk [tilespmem:v19+s19+$0x0], $0xffff  }
0xd2: {  	v46 =	vor.u32 v10, v57;
	v24 =	vor.u32 $0x800, v18;
	v25 =	vor.u32 v15, v29;
	v34 =	vld.idx.msk [tilespmem:v59+s19+$0x0], $0xffff  }
0xd3: {  	v20 =	vor.u32 v13, v29;
	v9 =	vor.u32 v24, v21;
	v21 =	vshll.u32 v28, $0x7;
	v45 =	vld.idx.msk [tilespmem:v60+s19+$0x0], $0xffff  }
0xd4: {  	v23 =	vor.u32 v11, v29;
	v32 =	vor.u32 v26, v9;
	v28 =	vand.u32 $0x400, v21;
	v33 =	vld.idx.msk [tilespmem:v62+s19+$0x0], $0xffff  }
0xd5: {  	v26 =	vor.u32 v15, v57;
	v61 =	vand.u32 $0x380, v21;
	v37 =	vld.idx.msk [tilespmem:v63+s19+$0x0], $0xffff;
	v31 =	vor.u32 v18, v28  }
0xd6: {  	v36 =	vor.u32 v14, v29;
	v9 =	vld.idx.msk [tilespmem:v22+s19+$0x0], $0xffff;
	v22 =	vor.u32 $0x10, v29;
	v31 =	vor.u32 v61, v31  }
0xd7: {  	v27 =	vor.u32 v17, v57;
	v21 =	vor.u32 v17, v22;
	v41 =	vor.u32 v0, v31;
	v43 =	vld.idx.msk [tilespmem:v25+s19+$0x0], $0xffff  }
0xd8: {  	v30 =	vld.idx.msk [tilespmem:v20+s19+$0x0], $0xffff;
	v20 =	vor.u32 v24, v28;
	v29 =	vor.u32 v5, v31;
	v38 =	vor.u32 v2, v31  }
0xd9: {  	v35 =	vld.idx.msk [tilespmem:v23+s19+$0x0], $0xffff;
	v20 =	vor.u32 v61, v20;
	v40 =	vor.u32 v3, v31;
	v23 =	vor.u32 v8, v32  }
0xda: {  	s12 =	simm.s32 $0x2;
	v47 =	vor.u32 v4, v31;
	v25 =	vor.u32 v7, v32;
	v28 =	vld.idx.msk [tilespmem:v26+s19+$0x0], $0xffff;
	v26 =	vor.u32 v6, v32  }
.LBB2_6:
0xdb: {  	p0 =	sne.s32 s12, $0xF;
	v36 =	vld.idx.msk [tilespmem:v36+s19+$0x0], $0xffff;
	v48 =	vor.u32 v3, v32;
	v49 =	vor.u32 v4, v32;
	v50 =	vor.u32 v5, v32;
	s13 =	smov.u32 s12;
	s12 =	sadd.s32 $0x1, s12  }
0xdc: {  	[tilespmem:v41+s22+$0x0] =	vst.idx.msk $0xffff, v43;
	v41 =	vor.u32 v6, v31;
	v51 =	vld.idx.msk [tilespmem:v44+s19+$0x0], $0xffff;
	v43 =	vor.u32 v2, v32  }
0xdd: {  	v32 =	vor.u32 v0, v32;
	[tilespmem:v38+s22+$0x0] =	vst.idx.msk $0xffff, v34;
	v34 =	vor.u32 v7, v31;
	v39 =	vld.idx.msk [tilespmem:v39+s19+$0x0], $0xffff  }
0xde: {  	v44 =	vor.u32 v15, v22;
	v31 =	vor.u32 v8, v31;
	[tilespmem:v40+s22+$0x0] =	vst.idx.msk $0xffff, v45;
	v38 =	vld.idx.msk [tilespmem:v42+s19+$0x0], $0xffff  }
0xdf: {  	v40 =	vadd.s32 s13, v0;
	[tilespmem:v47+s22+$0x0] =	vst.idx.msk $0xffff, v35;
	v35 =	vor.u32 v13, v22;
	v42 =	vld.idx.msk [tilespmem:v46+s19+$0x0], $0xffff;
	v46 =	vmov v22  }
0xe0: {  	v45 =	vand.u32 $0xF, v40;
	v40 =	vshll.u32 v40, $0x7;
	[tilespmem:v29+s22+$0x0] =	vst.idx.msk $0xffff, v30;
	v30 =	vor.u32 v16, v46;
	v27 =	vld.idx.msk [tilespmem:v27+s19+$0x0], $0xffff  }
0xe1: {  	v47 =	vor.u32 v15, v45;
	v52 =	vor.u32 v10, v45;
	v22 =	vor.u32 $0x10, v45;
	[tilespmem:v41+s22+$0x0] =	vst.idx.msk $0xffff, v37  }
0xe2: {  	v53 =	vand.u32 $0x400, v40;
	v37 =	vor.u32 v11, v45;
	v41 =	vor.u32 v13, v45;
	[tilespmem:v34+s22+$0x0] =	vst.idx.msk $0xffff, v36  }
0xe3: {  	v54 =	vor.u32 v12, v45;
	v40 =	vand.u32 $0x380, v40;
	v29 =	vor.u32 v18, v53;
	[tilespmem:v31+s22+$0x0] =	vst.idx.msk $0xffff, v33  }
0xe4: {  	v36 =	vor.u32 v14, v45;
	v31 =	vor.u32 v40, v29;
	v33 =	vld.idx.msk [tilespmem:v35+s19+$0x0], $0xffff;
	[tilespmem:v32+s22+$0x0] =	vst.idx.msk $0xffff, v28  }
0xe5: {  	v55 =	vor.u32 v17, v45;
	v29 =	vor.u32 v5, v31;
	v56 =	vld.idx.msk [tilespmem:v30+s19+$0x0], $0xffff;
	[tilespmem:v43+s22+$0x0] =	vst.idx.msk $0xffff, v42  }
0xe6: {  	v28 =	vor.u32 v17, v22;
	v32 =	vor.u32 v24, v53;
	v34 =	vld.idx.msk [tilespmem:v52+s19+$0x0], $0xffff;
	[tilespmem:v48+s22+$0x0] =	vst.idx.msk $0xffff, v27  }
0xe7: {  	v42 =	vor.u32 v16, v45;
	v30 =	vld.idx.msk [tilespmem:v41+s19+$0x0], $0xffff;
	v41 =	vor.u32 v0, v31;
	[tilespmem:v49+s22+$0x0] =	vst.idx.msk $0xffff, v38  }
0xe8: {  	v38 =	vor.u32 v2, v31;
	v35 =	vld.idx.msk [tilespmem:v37+s19+$0x0], $0xffff;
	v37 =	vor.u32 v40, v32;
	[tilespmem:v50+s22+$0x0] =	vst.idx.msk $0xffff, v19  }
.Ltmp1:
0xe9: {  	v27 =	vmov v21;
	v21 =	vmov v28;
	v40 =	vor.u32 v3, v31;
	v43 =	vld.idx.msk [tilespmem:v47+s19+$0x0], $0xffff;
	[tilespmem:v26+s22+$0x0] =	vst.idx.msk $0xffff, v39;
	(pc) =	sbr.rel @p0 .LBB2_6-.Ltmp1, $4  }
0xea: {  	v32 =	vmov v20;
	v19 =	vmov v33;
	v28 =	vld.idx.msk [tilespmem:v44+s19+$0x0], $0xffff;
	v44 =	vor.u32 v14, v46;
	[tilespmem:v25+s22+$0x0] =	vst.idx.msk $0xffff, v51  }
0xeb: {  	v39 =	vor.u32 v12, v46;
	v20 =	vmov v37;
	v45 =	vld.idx.msk [tilespmem:v55+s19+$0x0], $0xffff;
	[tilespmem:v23+s22+$0x0] =	vst.idx.msk $0xffff, v9;
	v9 =	vmov v56  }
0xec: {  	v25 =	vor.u32 v7, v32;
	v23 =	vor.u32 v8, v32;
	v33 =	vld.idx.msk [tilespmem:v42+s19+$0x0], $0xffff;
	v42 =	vor.u32 v11, v46  }
0xed: {  	v47 =	vor.u32 v4, v31;
	v26 =	vor.u32 v6, v32;
	v46 =	vor.u32 v10, v46;
	v37 =	vld.idx.msk [tilespmem:v54+s19+$0x0], $0xffff  }
0xee: {  	_ =	sdelay $0x3  }
0xef: {  	v17 =	vld.idx.msk [tilespmem:v36+s19+$0x0], $0xffff;
	[tilespmem:v41+s22+$0x0] =	vst.idx.msk $0xffff, v43;
	v18 =	vor.u32 v6, v31  }
0xf0: {  	v50 =	vor.u32 v0, v32;
	[tilespmem:v38+s22+$0x0] =	vst.idx.msk $0xffff, v34  }
0xf1: {  	v24 =	vor.u32 v7, v31;
	v49 =	vld.idx.msk [tilespmem:v44+s19+$0x0], $0xffff;
	[tilespmem:v40+s22+$0x0] =	vst.idx.msk $0xffff, v45  }
0xf2: {  	v48 =	vor.u32 v8, v31;
	v52 =	vld.idx.msk [tilespmem:v46+s19+$0x0], $0xffff;
	[tilespmem:v47+s22+$0x0] =	vst.idx.msk $0xffff, v35  }
0xf3: {  	v13 =	vor.u32 v13, v22;
	v51 =	vor.u32 v2, v32;
	v27 =	vld.idx.msk [tilespmem:v27+s19+$0x0], $0xffff;
	[tilespmem:v29+s22+$0x0] =	vst.idx.msk $0xffff, v30  }
0xf4: {  	v16 =	vor.u32 v16, v22;
	v53 =	vor.u32 v3, v32;
	v55 =	vld.idx.msk [tilespmem:v42+s19+$0x0], $0xffff;
	[tilespmem:v18+s22+$0x0] =	vst.idx.msk $0xffff, v37  }
0xf5: {  	v15 =	vor.u32 v15, v22;
	v54 =	vor.u32 v4, v32;
	v57 =	vld.idx.msk [tilespmem:v39+s19+$0x0], $0xffff;
	[tilespmem:v50+s22+$0x0] =	vst.idx.msk $0xffff, v28  }
0xf6: {  	v56 =	vor.u32 v5, v32;
	v10 =	vor.u32 v10, v22;
	[tilespmem:v24+s22+$0x0] =	vst.idx.msk $0xffff, v17  }
0xf7: {  	[tilespmem:v48+s22+$0x0] =	vst.idx.msk $0xffff, v33  }
0xf8: {  	v11 =	vor.u32 v11, v22;
	[tilespmem:v51+s22+$0x0] =	vst.idx.msk $0xffff, v52;
	v13 =	vld.idx.msk [tilespmem:v13+s19+$0x0], $0xffff  }
0xf9: {  	v14 =	vor.u32 v14, v22;
	[tilespmem:v53+s22+$0x0] =	vst.idx.msk $0xffff, v27;
	v16 =	vld.idx.msk [tilespmem:v16+s19+$0x0], $0xffff  }
0xfa: {  	v12 =	vor.u32 v12, v22;
	v58 =	vor.u32 v0, v20;
	v15 =	vld.idx.msk [tilespmem:v15+s19+$0x0], $0xffff;
	[tilespmem:v54+s22+$0x0] =	vst.idx.msk $0xffff, v55  }
0xfb: {  	v59 =	vor.u32 v2, v20;
	v10 =	vld.idx.msk [tilespmem:v10+s19+$0x0], $0xffff;
	[tilespmem:v56+s22+$0x0] =	vst.idx.msk $0xffff, v19  }
0xfc: {  	v60 =	vor.u32 v3, v20;
	v21 =	vld.idx.msk [tilespmem:v21+s19+$0x0], $0xffff;
	[tilespmem:v26+s22+$0x0] =	vst.idx.msk $0xffff, v57  }
0xfd: {  	v61 =	vor.u32 v4, v20;
	v11 =	vld.idx.msk [tilespmem:v11+s19+$0x0], $0xffff;
	[tilespmem:v25+s22+$0x0] =	vst.idx.msk $0xffff, v49  }
0xfe: {  	v14 =	vld.idx.msk [tilespmem:v14+s19+$0x0], $0xffff;
	[tilespmem:v23+s22+$0x0] =	vst.idx.msk $0xffff, v9;
	v9 =	vor.u32 v5, v20  }
0xff: {  	v62 =	vor.u32 v6, v20;
	v12 =	vld.idx.msk [tilespmem:v12+s19+$0x0], $0xffff;
	[tilespmem:v58+s22+$0x0] =	vst.idx.msk $0xffff, v15  }
0x100: {  	v63 =	vor.u32 v7, v20;
	[tilespmem:v59+s22+$0x0] =	vst.idx.msk $0xffff, v10  }
0x101: {  	p0 =	slt.u32 s11, $0x6;
	v10 =	vor.u32 v8, v20;
	[tilespmem:v60+s22+$0x0] =	vst.idx.msk $0xffff, v21  }
.Ltmp2:
0x102: {  	[tilespmem:v61+s22+$0x0] =	vst.idx.msk $0xffff, v11;
	(pc) =	sbr.rel @p0 .LBB2_3-.Ltmp2, $4  }
0x103: {  	[tilespmem:v9+s22+$0x0] =	vst.idx.msk $0xffff, v13  }
0x104: {  	[tilespmem:v62+s22+$0x0] =	vst.idx.msk $0xffff, v12  }
0x105: {  	s12 =	sadd.s32 $0x2, s11;
	[tilespmem:v63+s22+$0x0] =	vst.idx.msk $0xffff, v14  }
0x106: {  	s11 =	smov.u32 s12;
	[tilespmem:v10+s22+$0x0] =	vst.idx.msk $0xffff, v16  }
0x107: {  	s9 =	sand.u32 $0x3, s7  }
0x108: {  	s7 =	sshll.u32 s7, $0x14;
	s9 =	sor.u32 s4, s9  }
0x109: {  	s10 =	sand.u32 $0x7C00000, s7;
	s9 =	sshll.u32 s9, $0xA  }
0x10a: {  	s10 =	sor.u32 s10, s9  }
0x10b: {  	s10 =	sshrl.u32 s10, $0x3  }
0x10c: {  	s10 =	sadd.s32 s2, s10  }
0x10d: {  	[hbm4b:s10+s23] =	stream.strided.scatter [tilespmem:s22], [sflag:$0x2], $0x1000, s24, s23, $0x38;
	[tilespmem:$0x1A000] =	vst v63  }
0x10e: {  	s11 =	sadd.s32 $0x10000, s10  }
0x10f: {  	[hbm4b:s11+s23] =	stream.strided.scatter [tilespmem:s25], [sflag:$0x2], $0x1000, s24, s23, $0x38;
	[tilespmem:$0x1A000] =	vst v63  }
0x110: {  	s14 =	sadd.s32 $0x20000, s10  }
0x111: {  	[hbm4b:s14+s23] =	stream.strided.scatter [tilespmem:s26], [sflag:$0x2], $0x1000, s24, s23, $0x38;
	[tilespmem:$0x1A000] =	vst v63  }
0x112: {  	s7 =	sor.u32 s7, s9;
	s12 =	sadd.s32 $0x30000, s10  }
0x113: {  	[hbm4b:s12+s23] =	stream.strided.scatter [tilespmem:s28], [sflag:$0x2], $0x1000, s24, s23, $0x38;
	[tilespmem:$0x1A000] =	vst v63  }
0x114: {  	s7 =	sshrl.u32 s7, $0x3;
	s13 =	sadd.s32 $0x40000, s10  }
0x115: {  	[hbm4b:s13+s23] =	stream.strided.scatter [tilespmem:s29], [sflag:$0x2], $0x1000, s24, s23, $0x38;
	[tilespmem:$0x1A000] =	vst v63  }
0x116: {  	p0 =	sne.s32 s8, $0x63;
	s10 =	sadd.s32 $0x50000, s10;
	s14 =	sor.u32 $0x60000, s7  }
0x117: {  	[hbm4b:s10+s23] =	stream.strided.scatter [tilespmem:s30], [sflag:$0x2], $0x1000, s24, s23, $0x38;
	[tilespmem:$0x1A000] =	vst v63  }
.Ltmp3:
0x118: {  	s7 =	sor.u32 $0x70000, s7;
	s9 =	sadd.s32 s2, s14;
	(pc) =	sbr.rel @p0 .LBB2_2-.Ltmp3, $4  }
0x119: {  	[hbm4b:s9+s23] =	stream.strided.scatter [tilespmem:s31], [sflag:$0x2], $0x1000, s24, s23, $0x38;
	[tilespmem:$0x1A000] =	vst v63  }
0x11a: {  	s7 =	sadd.s32 s2, s7  }
0x11b: {  	[hbm4b:s7+s23] =	stream.strided.scatter [tilespmem:s1], [sflag:$0x2], $0x1000, s24, s23, $0x38;
	[tilespmem:$0x1A000] =	vst v63  }
0x11c: {  	s7 =	smov.u32 s8  }
0x11d: {  	_ =	swait.ge [sflag:s0], $0x1000  }
0x11e: {  	[sflag:s0] =	ssyncset.done $0x0  }
0x11f: {  	[sflag:s0] =	ssyncadd.s32 $0xFFFFF000  }
0x120: {  	_ =	swait.ge [sflag:s0], $0x1000  }
0x121: {  	[sflag:s0] =	ssyncset.done $0x0  }
0x122: {  	[sflag:s0] =	ssyncadd.s32 $0xFFFFF000  }
0x123: {  	_ =	swait.ge [sflag:s0], $0x1000  }
0x124: {  	[sflag:s0] =	ssyncset.done $0x0  }
0x125: {  	[sflag:s0] =	ssyncadd.s32 $0xFFFFF000  }
0x126: {  	_ =	swait.ge [sflag:s0], $0x1000  }
0x127: {  	[sflag:s0] =	ssyncset.done $0x0  }
0x128: {  	[sflag:s0] =	ssyncadd.s32 $0xFFFFF000  }
0x129: {  	_ =	swait.ge [sflag:s0], $0x1000  }
0x12a: {  	[sflag:s0] =	ssyncset.done $0x0  }
0x12b: {  	[sflag:s0] =	ssyncadd.s32 $0xFFFFF000  }
0x12c: {  	_ =	swait.ge [sflag:s0], $0x1000  }
0x12d: {  	[sflag:s0] =	ssyncset.done $0x0  }
0x12e: {  	[sflag:s0] =	ssyncadd.s32 $0xFFFFF000  }
0x12f: {  	_ =	swait.ge [sflag:s0], $0x1000  }
0x130: {  	[sflag:s0] =	ssyncset.done $0x0  }
0x131: {  	[sflag:s0] =	ssyncadd.s32 $0xFFFFF000  }
0x132: {  	_ =	swait.ge [sflag:s0], $0x1000  }
0x133: {  	[sflag:s0] =	ssyncset.done $0x0  }
0x134: {  	[sflag:s0] =	ssyncadd.s32 $0xFFFFF000  }
0x135: {  	_ =	swait.ge [sflag:s21], $0x1000  }
0x136: {  	[sflag:s21] =	ssyncset.done $0x0  }
0x137: {  	[sflag:s21] =	ssyncadd.s32 $0xFFFFF000  }
0x138: {  	_ =	swait.ge [sflag:s21], $0x1000  }
0x139: {  	[sflag:s21] =	ssyncset.done $0x0  }
0x13a: {  	[sflag:s21] =	ssyncadd.s32 $0xFFFFF000  }
0x13b: {  	_ =	swait.ge [sflag:s21], $0x1000  }
0x13c: {  	[sflag:s21] =	ssyncset.done $0x0  }
0x13d: {  	[sflag:s21] =	ssyncadd.s32 $0xFFFFF000  }
0x13e: {  	_ =	swait.ge [sflag:s21], $0x1000  }
0x13f: {  	[sflag:s21] =	ssyncset.done $0x0  }
0x140: {  	[sflag:s21] =	ssyncadd.s32 $0xFFFFF000  }
0x141: {  	_ =	swait.ge [sflag:s21], $0x1000  }
0x142: {  	[sflag:s21] =	ssyncset.done $0x0  }
0x143: {  	[sflag:s21] =	ssyncadd.s32 $0xFFFFF000  }
0x144: {  	_ =	swait.ge [sflag:s21], $0x1000  }
0x145: {  	[sflag:s21] =	ssyncset.done $0x0  }
0x146: {  	[sflag:s21] =	ssyncadd.s32 $0xFFFFF000  }
0x147: {  	_ =	swait.ge [sflag:s21], $0x1000  }
0x148: {  	[sflag:s21] =	ssyncset.done $0x0  }
0x149: {  	[sflag:s21] =	ssyncadd.s32 $0xFFFFF000  }
0x14a: {  	_ =	swait.ge [sflag:s21], $0x1000  }
0x14b: {  	[sflag:s21] =	ssyncset.done $0x0  }
0x14c: {  	s7 =	simm.s32 $0x0;
	s8 =	simm.s32 $0x0;
	[sflag:s21] =	ssyncadd.s32 $0xFFFFF000  }
.LBB2_10:
0x14d: {  	s9 =	sshll.u32 s8, $0x7;
	v18 =	vadd.s32 s7, v0  }
0x14e: {  	s10 =	sor.u32 $0x400, s9;
	s11 =	sor.u32 $0x410, s9;
	s12 =	sor.u32 $0x420, s9;
	v20 =	vand.u32 $0xF, v18  }
0x14f: {  	s13 =	sor.u32 $0x430, s9;
	v9 =	vmov s10;
	v10 =	vmov s11;
	v11 =	vmov s12  }
0x150: {  	s14 =	sor.u32 $0x440, s9;
	v12 =	vmov s13;
	v9 =	vshll.u32 v9, $0x5;
	v10 =	vshll.u32 v10, $0x5  }
0x151: {  	s11 =	sor.u32 $0x450, s9;
	s12 =	sor.u32 $0x460, s9;
	s9 =	sor.u32 $0x470, s9;
	v14 =	vshll.u32 v11, $0x5;
	v11 =	vmov s14;
	v12 =	vshll.u32 v12, $0x5  }
0x152: {  	v13 =	vmov s11;
	v15 =	vmov s9;
	v11 =	vshll.u32 v11, $0x5  }
0x153: {  	v16 =	vshll.u32 v13, $0x5;
	v13 =	vmov s12;
	v10 =	vor.u32 v1, v10  }
0x154: {  	v21 =	vshll.u32 v15, $0x5;
	v15 =	vor.u32 v1, v9;
	v19 =	vor.u32 v1, v14  }
0x155: {  	v17 =	vshll.u32 v13, $0x5;
	v13 =	vor.u32 v1, v11;
	v22 =	vor.u32 v10, v20  }
0x156: {  	v11 =	vor.u32 v1, v12;
	v12 =	vor.u32 v1, v16;
	v16 =	vor.u32 v15, v20  }
0x157: {  	v18 =	vshll.u32 v18, $0x7;
	v24 =	vor.u32 v19, v20  }
0x158: {  	s13 =	sshll.u32 s8, $0xC;
	v9 =	vor.u32 v11, v20;
	v14 =	vor.u32 v1, v17;
	v17 =	vor.u32 v1, v21  }
0x159: {  	v26 =	vand.u32 $0x400, v18;
	v21 =	vmov s13;
	v25 =	vor.u32 v17, v20  }
0x15a: {  	v18 =	vand.u32 $0x380, v18;
	v27 =	vor.u32 v12, v20;
	v28 =	vor.u32 v21, v26;
	v22 =	vld.idx.msk [tilespmem:v22+s19+$0x0], $0xffff  }
0x15b: {  	v23 =	vor.u32 v13, v20;
	v28 =	vor.u32 v18, v28;
	v16 =	vld.idx.msk [tilespmem:v16+s19+$0x0], $0xffff  }
0x15c: {  	v29 =	vor.u32 v14, v20;
	v30 =	vor.u32 v0, v28;
	v24 =	vld.idx.msk [tilespmem:v24+s19+$0x0], $0xffff  }
0x15d: {  	v31 =	vor.u32 v2, v28;
	v9 =	vld.idx.msk [tilespmem:v9+s19+$0x0], $0xffff  }
0x15e: {  	v32 =	vor.u32 v3, v28;
	v33 =	vld.idx.msk [tilespmem:v25+s19+$0x0], $0xffff  }
0x15f: {  	v25 =	vld.idx.msk [tilespmem:v27+s19+$0x0], $0xffff;
	v27 =	vor.u32 v4, v28  }
0x160: {  	v34 =	vor.u32 v5, v28;
	v23 =	vld.idx.msk [tilespmem:v23+s19+$0x0], $0xffff  }
0x161: {  	v29 =	vld.idx.msk [tilespmem:v29+s19+$0x0], $0xffff;
	[tilespmem:v30+s22+$0x0] =	vst.idx.msk $0xffff, v16;
	v16 =	vor.u32 v6, v28  }
0x162: {  	[tilespmem:v31+s22+$0x0] =	vst.idx.msk $0xffff, v22;
	v22 =	vor.u32 v7, v28  }
0x163: {  	v46 =	vor.u32 $0x10, v20;
	s14 =	simm.s32 $0x1;
	v20 =	vor.u32 v8, v28;
	[tilespmem:v32+s22+$0x0] =	vst.idx.msk $0xffff, v24  }
0x164: {  	v24 =	vadd.s32 s14, v0;
	[tilespmem:v27+s22+$0x0] =	vst.idx.msk $0xffff, v9;
	v9 =	vor.u32 v13, v46  }
0x165: {  	v63 =	vor.u32 v15, v46;
	v27 =	vand.u32 $0xF, v24;
	[tilespmem:v34+s22+$0x0] =	vst.idx.msk $0xffff, v23  }
0x166: {  	v23 =	vor.u32 v17, v46;
	v30 =	vor.u32 v10, v27;
	[tilespmem:v16+s22+$0x0] =	vst.idx.msk $0xffff, v25  }
0x167: {  	v31 =	vor.u32 v13, v27;
	v37 =	vor.u32 v19, v27;
	[tilespmem:v22+s22+$0x0] =	vst.idx.msk $0xffff, v29  }
0x168: {  	v38 =	vor.u32 v17, v27;
	v47 =	vor.u32 v12, v27;
	v25 =	vor.u32 $0x800, v21;
	[tilespmem:v20+s22+$0x0] =	vst.idx.msk $0xffff, v33  }
0x169: {  	v36 =	vor.u32 v14, v27;
	v22 =	vor.u32 v11, v27;
	v16 =	vor.u32 v25, v26;
	v20 =	vld.idx.msk [tilespmem:v9+s19+$0x0], $0xffff  }
0x16a: {  	v26 =	vor.u32 v15, v27;
	v9 =	vshll.u32 v24, $0x7;
	v24 =	vor.u32 $0x10, v27;
	v27 =	vld.idx.msk [tilespmem:v63+s19+$0x0], $0xffff  }
0x16b: {  	v35 =	vor.u32 v18, v16;
	v16 =	vld.idx.msk [tilespmem:v23+s19+$0x0], $0xffff  }
0x16c: {  	v42 =	vor.u32 v11, v46;
	v23 =	vand.u32 $0x400, v9;
	v34 =	vld.idx.msk [tilespmem:v30+s19+$0x0], $0xffff  }
0x16d: {  	v44 =	vor.u32 v14, v46;
	v9 =	vand.u32 $0x380, v9;
	v30 =	vld.idx.msk [tilespmem:v31+s19+$0x0], $0xffff;
	v18 =	vor.u32 v21, v23  }
0x16e: {  	v28 =	vor.u32 v19, v46;
	v45 =	vld.idx.msk [tilespmem:v37+s19+$0x0], $0xffff;
	v37 =	vor.u32 v12, v46;
	v31 =	vor.u32 v9, v18  }
0x16f: {  	v46 =	vor.u32 v10, v46;
	v18 =	vor.u32 v19, v24;
	v43 =	vld.idx.msk [tilespmem:v26+s19+$0x0], $0xffff;
	v41 =	vor.u32 v0, v31  }
0x170: {  	v33 =	vld.idx.msk [tilespmem:v22+s19+$0x0], $0xffff;
	v22 =	vor.u32 v25, v23;
	v23 =	vor.u32 v7, v35;
	v39 =	vor.u32 v2, v31  }
0x171: {  	v32 =	vld.idx.msk [tilespmem:v38+s19+$0x0], $0xffff;
	v26 =	vor.u32 v6, v35;
	v29 =	vor.u32 v5, v31;
	v40 =	vor.u32 v3, v31  }
0x172: {  	s9 =	simm.s32 $0x2;
	v38 =	vld.idx.msk [tilespmem:v47+s19+$0x0], $0xffff;
	v9 =	vor.u32 v9, v22;
	v22 =	vor.u32 v8, v35;
	v47 =	vor.u32 v4, v31  }
.LBB2_11:
0x173: {  	p0 =	sne.s32 s9, $0xF;
	v36 =	vld.idx.msk [tilespmem:v36+s19+$0x0], $0xffff;
	v48 =	vor.u32 v3, v35;
	v49 =	vor.u32 v4, v35;
	v50 =	vor.u32 v5, v35;
	s10 =	smov.u32 s9;
	s9 =	sadd.s32 $0x1, s9  }
0x174: {  	[tilespmem:v41+s22+$0x0] =	vst.idx.msk $0xffff, v43;
	v41 =	vor.u32 v6, v31;
	v51 =	vld.idx.msk [tilespmem:v44+s19+$0x0], $0xffff;
	v43 =	vor.u32 v2, v35  }
0x175: {  	v35 =	vor.u32 v0, v35;
	[tilespmem:v39+s22+$0x0] =	vst.idx.msk $0xffff, v34;
	v34 =	vor.u32 v7, v31;
	v37 =	vld.idx.msk [tilespmem:v37+s19+$0x0], $0xffff  }
0x176: {  	v44 =	vor.u32 v15, v24;
	v31 =	vor.u32 v8, v31;
	[tilespmem:v40+s22+$0x0] =	vst.idx.msk $0xffff, v45;
	v39 =	vld.idx.msk [tilespmem:v42+s19+$0x0], $0xffff  }
0x177: {  	v40 =	vadd.s32 s10, v0;
	[tilespmem:v47+s22+$0x0] =	vst.idx.msk $0xffff, v33;
	v33 =	vor.u32 v13, v24;
	v42 =	vld.idx.msk [tilespmem:v46+s19+$0x0], $0xffff;
	v46 =	vmov v24  }
0x178: {  	v45 =	vand.u32 $0xF, v40;
	v40 =	vshll.u32 v40, $0x7;
	[tilespmem:v29+s22+$0x0] =	vst.idx.msk $0xffff, v30;
	v30 =	vor.u32 v17, v46;
	v28 =	vld.idx.msk [tilespmem:v28+s19+$0x0], $0xffff  }
0x179: {  	v47 =	vor.u32 v15, v45;
	v52 =	vor.u32 v10, v45;
	v24 =	vor.u32 $0x10, v45;
	[tilespmem:v41+s22+$0x0] =	vst.idx.msk $0xffff, v38  }
0x17a: {  	v53 =	vand.u32 $0x400, v40;
	v38 =	vor.u32 v11, v45;
	v41 =	vor.u32 v13, v45;
	[tilespmem:v34+s22+$0x0] =	vst.idx.msk $0xffff, v36  }
0x17b: {  	v54 =	vor.u32 v12, v45;
	v40 =	vand.u32 $0x380, v40;
	v29 =	vor.u32 v21, v53;
	[tilespmem:v31+s22+$0x0] =	vst.idx.msk $0xffff, v32  }
0x17c: {  	v36 =	vor.u32 v14, v45;
	v31 =	vor.u32 v40, v29;
	v32 =	vld.idx.msk [tilespmem:v33+s19+$0x0], $0xffff;
	[tilespmem:v35+s22+$0x0] =	vst.idx.msk $0xffff, v27  }
0x17d: {  	v55 =	vor.u32 v19, v45;
	v29 =	vor.u32 v5, v31;
	v56 =	vld.idx.msk [tilespmem:v30+s19+$0x0], $0xffff;
	[tilespmem:v43+s22+$0x0] =	vst.idx.msk $0xffff, v42  }
0x17e: {  	v27 =	vor.u32 v19, v24;
	v35 =	vor.u32 v25, v53;
	v34 =	vld.idx.msk [tilespmem:v52+s19+$0x0], $0xffff;
	[tilespmem:v48+s22+$0x0] =	vst.idx.msk $0xffff, v28  }
0x17f: {  	v42 =	vor.u32 v17, v45;
	v30 =	vld.idx.msk [tilespmem:v41+s19+$0x0], $0xffff;
	v41 =	vor.u32 v0, v31;
	[tilespmem:v49+s22+$0x0] =	vst.idx.msk $0xffff, v39  }
0x180: {  	v39 =	vor.u32 v2, v31;
	v33 =	vld.idx.msk [tilespmem:v38+s19+$0x0], $0xffff;
	v38 =	vor.u32 v40, v35;
	[tilespmem:v50+s22+$0x0] =	vst.idx.msk $0xffff, v20  }
.Ltmp4:
0x181: {  	v28 =	vmov v18;
	v18 =	vmov v27;
	v40 =	vor.u32 v3, v31;
	v43 =	vld.idx.msk [tilespmem:v47+s19+$0x0], $0xffff;
	[tilespmem:v26+s22+$0x0] =	vst.idx.msk $0xffff, v37;
	(pc) =	sbr.rel @p0 .LBB2_11-.Ltmp4, $4  }
0x182: {  	v35 =	vmov v9;
	v20 =	vmov v32;
	v27 =	vld.idx.msk [tilespmem:v44+s19+$0x0], $0xffff;
	v44 =	vor.u32 v14, v46;
	[tilespmem:v23+s22+$0x0] =	vst.idx.msk $0xffff, v51  }
0x183: {  	v37 =	vor.u32 v12, v46;
	v9 =	vmov v38;
	v45 =	vld.idx.msk [tilespmem:v55+s19+$0x0], $0xffff;
	[tilespmem:v22+s22+$0x0] =	vst.idx.msk $0xffff, v16;
	v16 =	vmov v56  }
0x184: {  	v23 =	vor.u32 v7, v35;
	v22 =	vor.u32 v8, v35;
	v32 =	vld.idx.msk [tilespmem:v42+s19+$0x0], $0xffff;
	v42 =	vor.u32 v11, v46  }
0x185: {  	v47 =	vor.u32 v4, v31;
	v26 =	vor.u32 v6, v35;
	v46 =	vor.u32 v10, v46;
	v38 =	vld.idx.msk [tilespmem:v54+s19+$0x0], $0xffff  }
0x186: {  	_ =	sdelay $0x3  }
0x187: {  	v19 =	vld.idx.msk [tilespmem:v36+s19+$0x0], $0xffff;
	v21 =	vor.u32 v3, v35;
	[tilespmem:v41+s22+$0x0] =	vst.idx.msk $0xffff, v43;
	v25 =	vor.u32 v6, v31  }
0x188: {  	v54 =	vor.u32 v4, v35;
	v59 =	vor.u32 v0, v35;
	[tilespmem:v39+s22+$0x0] =	vst.idx.msk $0xffff, v34  }
0x189: {  	v55 =	vor.u32 v7, v31;
	v56 =	vor.u32 v5, v35;
	v57 =	vld.idx.msk [tilespmem:v44+s19+$0x0], $0xffff;
	[tilespmem:v40+s22+$0x0] =	vst.idx.msk $0xffff, v45  }
0x18a: {  	v31 =	vor.u32 v8, v31;
	v58 =	vor.u32 v2, v35;
	v60 =	vld.idx.msk [tilespmem:v46+s19+$0x0], $0xffff;
	[tilespmem:v47+s22+$0x0] =	vst.idx.msk $0xffff, v33  }
0x18b: {  	s9 =	sor.u32 $0x1, s8;
	v15 =	vor.u32 v15, v24;
	v13 =	vor.u32 v13, v24;
	v28 =	vld.idx.msk [tilespmem:v28+s19+$0x0], $0xffff;
	[tilespmem:v29+s22+$0x0] =	vst.idx.msk $0xffff, v30  }
0x18c: {  	v17 =	vor.u32 v17, v24;
	v14 =	vor.u32 v14, v24;
	s10 =	sshll.u32 s9, $0x7;
	v29 =	vld.idx.msk [tilespmem:v37+s19+$0x0], $0xffff;
	[tilespmem:v25+s22+$0x0] =	vst.idx.msk $0xffff, v38  }
0x18d: {  	v12 =	vor.u32 v12, v24;
	v62 =	vor.u32 v4, v9;
	s14 =	sor.u32 $0x420, s10;
	s12 =	sor.u32 $0x430, s10;
	v25 =	vld.idx.msk [tilespmem:v42+s19+$0x0], $0xffff;
	[tilespmem:v59+s22+$0x0] =	vst.idx.msk $0xffff, v27  }
0x18e: {  	v63 =	vor.u32 v5, v9;
	v61 =	vmov s14;
	v44 =	vmov s12;
	[tilespmem:v55+s22+$0x0] =	vst.idx.msk $0xffff, v19  }
0x18f: {  	s11 =	sor.u32 $0x400, s10;
	v30 =	vor.u32 v7, v9;
	v47 =	vshll.u32 v44, $0x5;
	v27 =	vor.u32 v6, v9;
	[tilespmem:v58+s22+$0x0] =	vst.idx.msk $0xffff, v60  }
0x190: {  	s13 =	sor.u32 $0x410, s10;
	v19 =	vor.u32 v11, v24;
	v11 =	vmov s11;
	v24 =	vor.u32 v10, v24;
	[tilespmem:v31+s22+$0x0] =	vst.idx.msk $0xffff, v32  }
0x191: {  	v10 =	vmov s13;
	s13 =	sor.u32 $0x440, s10;
	v31 =	vor.u32 v3, v9;
	[tilespmem:v21+s22+$0x0] =	vst.idx.msk $0xffff, v28;
	v21 =	vor.u32 v2, v9  }
0x192: {  	s12 =	sor.u32 $0x460, s10;
	v28 =	vor.u32 v0, v9;
	v45 =	vmov s13;
	v10 =	vshll.u32 v10, $0x5;
	v46 =	vld.idx.msk [tilespmem:v13+s19+$0x0], $0xffff  }
0x193: {  	s14 =	sor.u32 $0x450, s10;
	v13 =	vmov s12;
	v48 =	vld.idx.msk [tilespmem:v17+s19+$0x0], $0xffff;
	v17 =	vshll.u32 v45, $0x5;
	v10 =	vor.u32 v1, v10;
	[tilespmem:v54+s22+$0x0] =	vst.idx.msk $0xffff, v25  }
0x194: {  	s9 =	sshll.u32 s9, $0xC;
	s13 =	simm.s32 $0x0;
	v49 =	vld.idx.msk [tilespmem:v15+s19+$0x0], $0xffff;
	v25 =	vshll.u32 v11, $0x5;
	v11 =	vmov s14;
	[tilespmem:v56+s22+$0x0] =	vst.idx.msk $0xffff, v20;
	v20 =	vshll.u32 v61, $0x5  }
0x195: {  	v15 =	vor.u32 v1, v25;
	v25 =	vld.idx.msk [tilespmem:v18+s19+$0x0], $0xffff;
	v18 =	vmov s9;
	[tilespmem:v26+s22+$0x0] =	vst.idx.msk $0xffff, v29;
	v29 =	vadd.s32 s13, v0  }
0x196: {  	v26 =	vshll.u32 v11, $0x5;
	[tilespmem:v23+s22+$0x0] =	vst.idx.msk $0xffff, v57;
	v23 =	vshll.u32 v13, $0x5;
	v50 =	vand.u32 $0xF, v29  }
0x197: {  	v52 =	vld.idx.msk [tilespmem:v12+s19+$0x0], $0xffff;
	v13 =	vor.u32 v1, v17;
	v17 =	vor.u32 v1, v20;
	v51 =	vor.u32 v10, v50  }
0x198: {  	s10 =	sor.u32 $0x470, s10;
	v24 =	vld.idx.msk [tilespmem:v24+s19+$0x0], $0xffff;
	v12 =	vor.u32 v1, v26;
	v26 =	vshll.u32 v29, $0x7;
	v53 =	vor.u32 v13, v50  }
0x199: {  	v11 =	vmov s10;
	[tilespmem:v22+s22+$0x0] =	vst.idx.msk $0xffff, v16;
	v22 =	vld.idx.msk [tilespmem:v14+s19+$0x0], $0xffff;
	v14 =	vor.u32 v1, v23;
	v23 =	vor.u32 v15, v50  }
0x19a: {  	v19 =	vld.idx.msk [tilespmem:v19+s19+$0x0], $0xffff;
	v16 =	vshll.u32 v11, $0x5;
	v11 =	vor.u32 v1, v47;
	v29 =	vor.u32 v17, v50  }
0x19b: {  	[tilespmem:v28+s22+$0x0] =	vst.idx.msk $0xffff, v49;
	v28 =	vand.u32 $0x400, v26;
	v56 =	vor.u32 v12, v50;
	v20 =	vor.u32 v11, v50  }
0x19c: {  	v26 =	vand.u32 $0x380, v26;
	v16 =	vor.u32 v1, v16;
	v57 =	vor.u32 v18, v28;
	v54 =	vld.idx.msk [tilespmem:v51+s19+$0x0], $0xffff  }
0x19d: {  	v55 =	vor.u32 v16, v50;
	[tilespmem:v21+s22+$0x0] =	vst.idx.msk $0xffff, v24;
	v24 =	vor.u32 v26, v57;
	v32 =	vld.idx.msk [tilespmem:v53+s19+$0x0], $0xffff  }
0x19e: {  	v21 =	vor.u32 v14, v50;
	[tilespmem:v31+s22+$0x0] =	vst.idx.msk $0xffff, v25;
	v25 =	vor.u32 v0, v24;
	v23 =	vld.idx.msk [tilespmem:v23+s19+$0x0], $0xffff  }
0x19f: {  	[tilespmem:v62+s22+$0x0] =	vst.idx.msk $0xffff, v19;
	v19 =	vor.u32 v2, v24;
	v29 =	vld.idx.msk [tilespmem:v29+s19+$0x0], $0xffff  }
0x1a0: {  	v31 =	vor.u32 v3, v24;
	[tilespmem:v63+s22+$0x0] =	vst.idx.msk $0xffff, v46;
	v20 =	vld.idx.msk [tilespmem:v20+s19+$0x0], $0xffff  }
0x1a1: {  	v59 =	vor.u32 v4, v24;
	[tilespmem:v27+s22+$0x0] =	vst.idx.msk $0xffff, v52;
	v27 =	vld.idx.msk [tilespmem:v56+s19+$0x0], $0xffff  }
0x1a2: {  	v58 =	vld.idx.msk [tilespmem:v55+s19+$0x0], $0xffff;
	[tilespmem:v30+s22+$0x0] =	vst.idx.msk $0xffff, v22;
	v22 =	vor.u32 v5, v24  }
0x1a3: {  	v21 =	vld.idx.msk [tilespmem:v21+s19+$0x0], $0xffff;
	[tilespmem:v25+s22+$0x0] =	vst.idx.msk $0xffff, v23;
	v23 =	vor.u32 v6, v24  }
0x1a4: {  	[tilespmem:v19+s22+$0x0] =	vst.idx.msk $0xffff, v54;
	v19 =	vor.u32 v7, v24  }
0x1a5: {  	s14 =	simm.s32 $0x1;
	v60 =	vor.u32 $0x10, v50;
	v25 =	vor.u32 v8, v24;
	[tilespmem:v31+s22+$0x0] =	vst.idx.msk $0xffff, v29  }
0x1a6: {  	v29 =	vadd.s32 s14, v0;
	[tilespmem:v59+s22+$0x0] =	vst.idx.msk $0xffff, v20;
	v20 =	vor.u32 v13, v60  }
0x1a7: {  	v31 =	vand.u32 $0xF, v29;
	[tilespmem:v22+s22+$0x0] =	vst.idx.msk $0xffff, v32;
	v22 =	vor.u32 v16, v60  }
0x1a8: {  	v61 =	vor.u32 v10, v31;
	[tilespmem:v23+s22+$0x0] =	vst.idx.msk $0xffff, v27  }
0x1a9: {  	v30 =	vor.u32 v8, v9;
	v62 =	vor.u32 v17, v31;
	[tilespmem:v19+s22+$0x0] =	vst.idx.msk $0xffff, v21  }
0x1aa: {  	v44 =	vor.u32 v14, v60;
	v24 =	vor.u32 $0x800, v18;
	v23 =	vor.u32 v13, v31;
	[tilespmem:v25+s22+$0x0] =	vst.idx.msk $0xffff, v58  }
0x1ab: {  	v39 =	vor.u32 v12, v60;
	v9 =	vor.u32 v24, v28;
	v63 =	vor.u32 v12, v31;
	v19 =	vld.idx.msk [tilespmem:v20+s19+$0x0], $0xffff  }
0x1ac: {  	v42 =	vor.u32 v11, v60;
	v32 =	vor.u32 v26, v9;
	v25 =	vor.u32 v15, v31;
	v9 =	vld.idx.msk [tilespmem:v22+s19+$0x0], $0xffff  }
0x1ad: {  	v46 =	vor.u32 v10, v60;
	v21 =	vor.u32 v11, v31;
	v20 =	vshll.u32 v29, $0x7;
	v34 =	vld.idx.msk [tilespmem:v61+s19+$0x0], $0xffff  }
0x1ae: {  	[tilespmem:v30+s22+$0x0] =	vst.idx.msk $0xffff, v48;
	v26 =	vor.u32 v15, v60;
	v28 =	vand.u32 $0x400, v20;
	v45 =	vld.idx.msk [tilespmem:v62+s19+$0x0], $0xffff  }
0x1af: {  	v20 =	vand.u32 $0x380, v20;
	v29 =	vor.u32 v18, v28;
	v30 =	vld.idx.msk [tilespmem:v23+s19+$0x0], $0xffff;
	v23 =	vor.u32 v16, v31  }
0x1b0: {  	v36 =	vor.u32 v14, v31;
	v22 =	vor.u32 $0x10, v31;
	v37 =	vld.idx.msk [tilespmem:v63+s19+$0x0], $0xffff;
	v31 =	vor.u32 v20, v29  }
0x1b1: {  	v27 =	vor.u32 v17, v60;
	v28 =	vor.u32 v24, v28;
	v43 =	vld.idx.msk [tilespmem:v25+s19+$0x0], $0xffff;
	v41 =	vor.u32 v0, v31  }
0x1b2: {  	v35 =	vld.idx.msk [tilespmem:v21+s19+$0x0], $0xffff;
	v21 =	vor.u32 v17, v22;
	v20 =	vor.u32 v20, v28;
	v38 =	vor.u32 v2, v31  }
0x1b3: {  	v28 =	vld.idx.msk [tilespmem:v26+s19+$0x0], $0xffff;
	v26 =	vor.u32 v6, v32;
	v29 =	vor.u32 v5, v31;
	v40 =	vor.u32 v3, v31  }
0x1b4: {  	s9 =	simm.s32 $0x2;
	v25 =	vor.u32 v7, v32;
	v47 =	vor.u32 v4, v31;
	v33 =	vld.idx.msk [tilespmem:v23+s19+$0x0], $0xffff;
	v23 =	vor.u32 v8, v32  }
.LBB2_13:
0x1b5: {  	p0 =	sne.s32 s9, $0xF;
	v36 =	vld.idx.msk [tilespmem:v36+s19+$0x0], $0xffff;
	v48 =	vor.u32 v3, v32;
	v49 =	vor.u32 v4, v32;
	v50 =	vor.u32 v5, v32;
	s10 =	smov.u32 s9;
	s9 =	sadd.s32 $0x1, s9  }
0x1b6: {  	[tilespmem:v41+s22+$0x0] =	vst.idx.msk $0xffff, v43;
	v41 =	vor.u32 v6, v31;
	v51 =	vld.idx.msk [tilespmem:v44+s19+$0x0], $0xffff;
	v43 =	vor.u32 v2, v32  }
0x1b7: {  	v32 =	vor.u32 v0, v32;
	[tilespmem:v38+s22+$0x0] =	vst.idx.msk $0xffff, v34;
	v34 =	vor.u32 v7, v31;
	v39 =	vld.idx.msk [tilespmem:v39+s19+$0x0], $0xffff  }
0x1b8: {  	v44 =	vor.u32 v15, v22;
	v31 =	vor.u32 v8, v31;
	[tilespmem:v40+s22+$0x0] =	vst.idx.msk $0xffff, v45;
	v38 =	vld.idx.msk [tilespmem:v42+s19+$0x0], $0xffff  }
0x1b9: {  	v40 =	vadd.s32 s10, v0;
	[tilespmem:v47+s22+$0x0] =	vst.idx.msk $0xffff, v35;
	v35 =	vor.u32 v13, v22;
	v42 =	vld.idx.msk [tilespmem:v46+s19+$0x0], $0xffff;
	v46 =	vmov v22  }
0x1ba: {  	v45 =	vand.u32 $0xF, v40;
	v40 =	vshll.u32 v40, $0x7;
	[tilespmem:v29+s22+$0x0] =	vst.idx.msk $0xffff, v30;
	v30 =	vor.u32 v16, v46;
	v27 =	vld.idx.msk [tilespmem:v27+s19+$0x0], $0xffff  }
0x1bb: {  	v47 =	vor.u32 v15, v45;
	v52 =	vor.u32 v10, v45;
	v22 =	vor.u32 $0x10, v45;
	[tilespmem:v41+s22+$0x0] =	vst.idx.msk $0xffff, v37  }
0x1bc: {  	v53 =	vand.u32 $0x400, v40;
	v37 =	vor.u32 v11, v45;
	v41 =	vor.u32 v13, v45;
	[tilespmem:v34+s22+$0x0] =	vst.idx.msk $0xffff, v36  }
0x1bd: {  	v54 =	vor.u32 v12, v45;
	v40 =	vand.u32 $0x380, v40;
	v29 =	vor.u32 v18, v53;
	[tilespmem:v31+s22+$0x0] =	vst.idx.msk $0xffff, v33  }
0x1be: {  	v36 =	vor.u32 v14, v45;
	v31 =	vor.u32 v40, v29;
	v33 =	vld.idx.msk [tilespmem:v35+s19+$0x0], $0xffff;
	[tilespmem:v32+s22+$0x0] =	vst.idx.msk $0xffff, v28  }
0x1bf: {  	v55 =	vor.u32 v17, v45;
	v29 =	vor.u32 v5, v31;
	v56 =	vld.idx.msk [tilespmem:v30+s19+$0x0], $0xffff;
	[tilespmem:v43+s22+$0x0] =	vst.idx.msk $0xffff, v42  }
0x1c0: {  	v28 =	vor.u32 v17, v22;
	v32 =	vor.u32 v24, v53;
	v34 =	vld.idx.msk [tilespmem:v52+s19+$0x0], $0xffff;
	[tilespmem:v48+s22+$0x0] =	vst.idx.msk $0xffff, v27  }
0x1c1: {  	v42 =	vor.u32 v16, v45;
	v30 =	vld.idx.msk [tilespmem:v41+s19+$0x0], $0xffff;
	v41 =	vor.u32 v0, v31;
	[tilespmem:v49+s22+$0x0] =	vst.idx.msk $0xffff, v38  }
0x1c2: {  	v38 =	vor.u32 v2, v31;
	v35 =	vld.idx.msk [tilespmem:v37+s19+$0x0], $0xffff;
	v37 =	vor.u32 v40, v32;
	[tilespmem:v50+s22+$0x0] =	vst.idx.msk $0xffff, v19  }
.Ltmp5:
0x1c3: {  	v27 =	vmov v21;
	v21 =	vmov v28;
	v40 =	vor.u32 v3, v31;
	v43 =	vld.idx.msk [tilespmem:v47+s19+$0x0], $0xffff;
	[tilespmem:v26+s22+$0x0] =	vst.idx.msk $0xffff, v39;
	(pc) =	sbr.rel @p0 .LBB2_13-.Ltmp5, $4  }
0x1c4: {  	v32 =	vmov v20;
	v19 =	vmov v33;
	v28 =	vld.idx.msk [tilespmem:v44+s19+$0x0], $0xffff;
	v44 =	vor.u32 v14, v46;
	[tilespmem:v25+s22+$0x0] =	vst.idx.msk $0xffff, v51  }
0x1c5: {  	v39 =	vor.u32 v12, v46;
	v20 =	vmov v37;
	v45 =	vld.idx.msk [tilespmem:v55+s19+$0x0], $0xffff;
	[tilespmem:v23+s22+$0x0] =	vst.idx.msk $0xffff, v9;
	v9 =	vmov v56  }
0x1c6: {  	v25 =	vor.u32 v7, v32;
	v23 =	vor.u32 v8, v32;
	v33 =	vld.idx.msk [tilespmem:v42+s19+$0x0], $0xffff;
	v42 =	vor.u32 v11, v46  }
0x1c7: {  	v47 =	vor.u32 v4, v31;
	v26 =	vor.u32 v6, v32;
	v46 =	vor.u32 v10, v46;
	v37 =	vld.idx.msk [tilespmem:v54+s19+$0x0], $0xffff  }
0x1c8: {  	_ =	sdelay $0x3  }
0x1c9: {  	v17 =	vld.idx.msk [tilespmem:v36+s19+$0x0], $0xffff;
	[tilespmem:v41+s22+$0x0] =	vst.idx.msk $0xffff, v43;
	v18 =	vor.u32 v6, v31  }
0x1ca: {  	v50 =	vor.u32 v0, v32;
	[tilespmem:v38+s22+$0x0] =	vst.idx.msk $0xffff, v34  }
0x1cb: {  	v24 =	vor.u32 v7, v31;
	v49 =	vld.idx.msk [tilespmem:v44+s19+$0x0], $0xffff;
	[tilespmem:v40+s22+$0x0] =	vst.idx.msk $0xffff, v45  }
0x1cc: {  	v48 =	vor.u32 v8, v31;
	v52 =	vld.idx.msk [tilespmem:v46+s19+$0x0], $0xffff;
	[tilespmem:v47+s22+$0x0] =	vst.idx.msk $0xffff, v35  }
0x1cd: {  	v13 =	vor.u32 v13, v22;
	v51 =	vor.u32 v2, v32;
	v27 =	vld.idx.msk [tilespmem:v27+s19+$0x0], $0xffff;
	[tilespmem:v29+s22+$0x0] =	vst.idx.msk $0xffff, v30  }
0x1ce: {  	v16 =	vor.u32 v16, v22;
	v53 =	vor.u32 v3, v32;
	v55 =	vld.idx.msk [tilespmem:v42+s19+$0x0], $0xffff;
	[tilespmem:v18+s22+$0x0] =	vst.idx.msk $0xffff, v37  }
0x1cf: {  	v15 =	vor.u32 v15, v22;
	v54 =	vor.u32 v4, v32;
	v57 =	vld.idx.msk [tilespmem:v39+s19+$0x0], $0xffff;
	[tilespmem:v50+s22+$0x0] =	vst.idx.msk $0xffff, v28  }
0x1d0: {  	v56 =	vor.u32 v5, v32;
	v10 =	vor.u32 v10, v22;
	[tilespmem:v24+s22+$0x0] =	vst.idx.msk $0xffff, v17  }
0x1d1: {  	[tilespmem:v48+s22+$0x0] =	vst.idx.msk $0xffff, v33  }
0x1d2: {  	v11 =	vor.u32 v11, v22;
	[tilespmem:v51+s22+$0x0] =	vst.idx.msk $0xffff, v52;
	v13 =	vld.idx.msk [tilespmem:v13+s19+$0x0], $0xffff  }
0x1d3: {  	v14 =	vor.u32 v14, v22;
	[tilespmem:v53+s22+$0x0] =	vst.idx.msk $0xffff, v27;
	v16 =	vld.idx.msk [tilespmem:v16+s19+$0x0], $0xffff  }
0x1d4: {  	v12 =	vor.u32 v12, v22;
	v58 =	vor.u32 v0, v20;
	v15 =	vld.idx.msk [tilespmem:v15+s19+$0x0], $0xffff;
	[tilespmem:v54+s22+$0x0] =	vst.idx.msk $0xffff, v55  }
0x1d5: {  	v59 =	vor.u32 v2, v20;
	v10 =	vld.idx.msk [tilespmem:v10+s19+$0x0], $0xffff;
	[tilespmem:v56+s22+$0x0] =	vst.idx.msk $0xffff, v19  }
0x1d6: {  	v60 =	vor.u32 v3, v20;
	v21 =	vld.idx.msk [tilespmem:v21+s19+$0x0], $0xffff;
	[tilespmem:v26+s22+$0x0] =	vst.idx.msk $0xffff, v57  }
0x1d7: {  	v61 =	vor.u32 v4, v20;
	v11 =	vld.idx.msk [tilespmem:v11+s19+$0x0], $0xffff;
	[tilespmem:v25+s22+$0x0] =	vst.idx.msk $0xffff, v49  }
0x1d8: {  	v14 =	vld.idx.msk [tilespmem:v14+s19+$0x0], $0xffff;
	[tilespmem:v23+s22+$0x0] =	vst.idx.msk $0xffff, v9;
	v9 =	vor.u32 v5, v20  }
0x1d9: {  	v62 =	vor.u32 v6, v20;
	v12 =	vld.idx.msk [tilespmem:v12+s19+$0x0], $0xffff;
	[tilespmem:v58+s22+$0x0] =	vst.idx.msk $0xffff, v15  }
0x1da: {  	v63 =	vor.u32 v7, v20;
	[tilespmem:v59+s22+$0x0] =	vst.idx.msk $0xffff, v10  }
0x1db: {  	p0 =	slt.u32 s8, $0x6;
	v10 =	vor.u32 v8, v20;
	[tilespmem:v60+s22+$0x0] =	vst.idx.msk $0xffff, v21  }
.Ltmp6:
0x1dc: {  	[tilespmem:v61+s22+$0x0] =	vst.idx.msk $0xffff, v11;
	(pc) =	sbr.rel @p0 .LBB2_10-.Ltmp6, $4  }
0x1dd: {  	[tilespmem:v9+s22+$0x0] =	vst.idx.msk $0xffff, v13  }
0x1de: {  	[tilespmem:v62+s22+$0x0] =	vst.idx.msk $0xffff, v12  }
0x1df: {  	s9 =	sadd.s32 $0x2, s8;
	[tilespmem:v63+s22+$0x0] =	vst.idx.msk $0xffff, v14  }
0x1e0: {  	s8 =	smov.u32 s9;
	[tilespmem:v10+s22+$0x0] =	vst.idx.msk $0xffff, v16  }
0x1e1: {  	s7 =	rddreg [dreg:$0x5]  }
0x1e2: {  	[hbm4b:s7+s23] =	stream.strided.scatter [tilespmem:s22], [sflag:$0x2], $0x1000, s24, s23, $0x38;
	[tilespmem:$0x1A000] =	vst v63  }
0x1e3: {  	s9 =	rddreg [dreg:$0x6]  }
0x1e4: {  	[hbm4b:s9+s23] =	stream.strided.scatter [tilespmem:s25], [sflag:$0x2], $0x1000, s24, s23, $0x38;
	[tilespmem:$0x1A000] =	vst v63  }
0x1e5: {  	s10 =	rddreg [dreg:$0x7]  }
0x1e6: {  	[hbm4b:s10+s23] =	stream.strided.scatter [tilespmem:s26], [sflag:$0x2], $0x1000, s24, s23, $0x38;
	[tilespmem:$0x1A000] =	vst v63  }
0x1e7: {  	s11 =	rddreg [dreg:$0x8]  }
0x1e8: {  	[hbm4b:s11+s23] =	stream.strided.scatter [tilespmem:s28], [sflag:$0x2], $0x1000, s24, s23, $0x38;
	[tilespmem:$0x1A000] =	vst v63  }
0x1e9: {  	s12 =	rddreg [dreg:$0x9]  }
0x1ea: {  	[hbm4b:s12+s23] =	stream.strided.scatter [tilespmem:s29], [sflag:$0x2], $0x1000, s24, s23, $0x38;
	[tilespmem:$0x1A000] =	vst v63  }
0x1eb: {  	s13 =	rddreg [dreg:$0xa]  }
0x1ec: {  	[hbm4b:s13+s23] =	stream.strided.scatter [tilespmem:s30], [sflag:$0x2], $0x1000, s24, s23, $0x38;
	[tilespmem:$0x1A000] =	vst v63  }
0x1ed: {  	s14 =	rddreg [dreg:$0xb]  }
0x1ee: {  	[hbm4b:s14+s23] =	stream.strided.scatter [tilespmem:s31], [sflag:$0x2], $0x1000, s24, s23, $0x38;
	[tilespmem:$0x1A000] =	vst v63  }
0x1ef: {  	_ = 	snop  }
0x1f0: {  	[hbm4b:s15+s23] =	stream.strided.scatter [tilespmem:s1], [sflag:$0x2], $0x1000, s24, s23, $0x38;
	[tilespmem:$0x1A000] =	vst v63  }
0x1f1: {  	_ =	swait.ge [sflag:s0], $0x1000  }
0x1f2: {  	[sflag:s0] =	ssyncset.done $0x0  }
0x1f3: {  	[sflag:s0] =	ssyncadd.s32 $0xFFFFF000  }
0x1f4: {  	_ =	swait.ge [sflag:s0], $0x1000  }
0x1f5: {  	[sflag:s0] =	ssyncset.done $0x0  }
0x1f6: {  	[sflag:s0] =	ssyncadd.s32 $0xFFFFF000  }
0x1f7: {  	_ =	swait.ge [sflag:s0], $0x1000  }
0x1f8: {  	[sflag:s0] =	ssyncset.done $0x0  }
0x1f9: {  	[sflag:s0] =	ssyncadd.s32 $0xFFFFF000  }
0x1fa: {  	_ =	swait.ge [sflag:s0], $0x1000  }
0x1fb: {  	[sflag:s0] =	ssyncset.done $0x0  }
0x1fc: {  	[sflag:s0] =	ssyncadd.s32 $0xFFFFF000  }
0x1fd: {  	_ =	swait.ge [sflag:s0], $0x1000  }
0x1fe: {  	[sflag:s0] =	ssyncset.done $0x0  }
0x1ff: {  	[sflag:s0] =	ssyncadd.s32 $0xFFFFF000  }
0x200: {  	_ =	swait.ge [sflag:s0], $0x1000  }
0x201: {  	[sflag:s0] =	ssyncset.done $0x0  }
0x202: {  	s20 =	sadd.s32 $0x1, s20;
	[sflag:s0] =	ssyncadd.s32 $0xFFFFF000  }
0x203: {  	p0 =	sne.s32 s20, s16;
	_ =	swait.ge [sflag:s0], $0x1000  }
.Ltmp7:
0x204: {  	[sflag:s0] =	ssyncset.done $0x0;
	(pc) =	sbr.rel @p0 .LBB2_1-.Ltmp7, $4  }
0x205: {  	[sflag:s0] =	ssyncadd.s32 $0xFFFFF000  }
0x206: {  	_ =	swait.ge [sflag:s0], $0x1000  }
0x207: {  	[sflag:s0] =	ssyncset.done $0x0  }
0x208: {  	[sflag:s0] =	ssyncadd.s32 $0xFFFFF000  }
0x209: {  	_ =	sfence.sel $0x180000  }
0x20a: {  	[bflag:$0x0] =	sbarrier.arrive $0xFFFF  }
0x20b: {  	_ =	strace $0x90000047  }
0x20c: {  	s0 =	stileid.u32;
	[bflag:$0x2] =	sbarrier.arrive $0xFFFF  }
0x20d: {  	p0 =	sne.s32 s0, $0x0;
	s0 =	rddreg [dreg:$0x3]  }
0x20e: {  	s0 =	sadd.s32 @!p0 $0x100000, s0  }
0x20f: {  	[sflag:s0] =	ssyncadd.tile.s32 @!p0 $0x1;
	_ =	shalt  }
.Lfunc_end2:
_tile_overlayer_lowered:
.L_overlay_start_2:
0x210: {  	(tag) =	ssettag $0x2  }
0x211: {  	s0 =	rddreg [dreg:$0x0];
	s2 =	stileid.u32  }
0x212: {  	s1 =	rddreg [dreg:$0x1];
	p0 =	sne.s32 s2, $0x0  }
0x213: {  	s3 =	rddreg [dreg:$0x2];
	[bflag:$0x3] =	sbarrier.arrive $0xFFFF;
	s2 =	simm.s32 @!p0 $0x1C04  }
0x214: {  	[timem:s3], [sflag:s2] =	dma.local @!p0 [hbm:s0], s1  }
0x215: {  	s0 =	simm.s32 @!p0 $0x4  }
0x216: {  	_ =	swait.ge @!p0 [sflag:s0], s1  }
0x217: {  	s1 =	ssub.s32 @!p0 $0x0, s1;
	[sflag:s0] =	ssyncset.done @!p0 $0x0  }
0x218: {  	[sflag:s0] =	ssyncadd.s32 @!p0 s1  }
0x219: {  	[bflag:$0x3] =	sbarrier.arrive $0xFFFF  }
0x21a: {  	_ =	shalt  }

</sc_bundles>
